<compile_context>
chip_gen: v7x
topology: tpu7x:2x2x1
jax: 0.10.2.dev20260603
libtpu: 0.0.44.dev20260713+nightly
codegen_flags: <defaults>
</compile_context>

<pallas_src>
import functools

import jax
import jax.numpy as jnp
from jax import lax
from jax.experimental import pallas as pl
from jax.experimental.pallas import tpu as pltpu
from jax.experimental.pallas import tpu_sc as plsc

_MAX_LEN = 512
_VOCAB = 32000
_UNK = _VOCAB + 1
_CLS = _VOCAB + 2
_SEP = _VOCAB + 3

_NC = 2
_NS = 16
_NW = _NC * _NS

_RB = 16
_IN_OFF = 16
_NVREG = _MAX_LEN // 16


@functools.cache
def _tokens_call(B, L):
    assert B % (_NW * _RB) == 0
    rpw = B // _NW
    nb = rpw // _RB
    in_w = _IN_OFF + _RB * L + 16
    out_w = _RB * _MAX_LEN

    mesh = plsc.VectorSubcoreMesh(
        core_axis_name="c", subcore_axis_name="s", num_cores=_NC, num_subcores=_NS
    )

    @functools.partial(
        pl.kernel,
        out_type=jax.ShapeDtypeStruct((B * _MAX_LEN,), jnp.int32),
        mesh=mesh,
        scratch_types=[
            pltpu.VMEM((rpw,), jnp.int32),
            pltpu.VMEM((2 * in_w,), jnp.int32),
            pltpu.VMEM((2 * out_w,), jnp.int32),
            pltpu.SemaphoreType.DMA,
            pltpu.SemaphoreType.DMA,
        ],
        compiler_params=pltpu.CompilerParams(
            use_tc_tiling_on_sc=False, needs_layout_passes=False
        ),
    )
    def tokens_kernel(pieces_hbm, lengths_hbm, tokens_hbm, lens_v, inbuf, outbuf,
                      sem_in, sem_out):
        wid = lax.axis_index("s") * _NC + lax.axis_index("c")
        base = wid * rpw
        pltpu.sync_copy(lengths_hbm.at[pl.ds(base, rpw)], lens_v)
        lane = lax.iota(jnp.int32, 16)
        fix_val = jnp.where(lane == 0, jnp.int32(_CLS), jnp.int32(_SEP))
        fix_mask = lane < 2
        zeros16 = jnp.zeros((16,), jnp.int32)

        def start_in(b, t):
            pltpu.async_copy(
                pieces_hbm.at[pl.ds((base + b * _RB) * L, _RB * L)],
                inbuf.at[pl.ds(t * in_w + _IN_OFF, _RB * L)],
                sem_in,
            )

        def wait_in():
            pltpu.make_async_copy(
                pieces_hbm.at[pl.ds(0, _RB * L)],
                inbuf.at[pl.ds(_IN_OFF, _RB * L)],
                sem_in,
            ).wait()

        def start_out(b, t):
            pltpu.async_copy(
                outbuf.at[pl.ds(t * out_w, out_w)],
                tokens_hbm.at[pl.ds((base + b * _RB) * _MAX_LEN, out_w)],
                sem_out,
            )

        def wait_out():
            pltpu.make_async_copy(
                outbuf.at[pl.ds(0, out_w)],
                tokens_hbm.at[pl.ds(0, out_w)],
                sem_out,
            ).wait()

        start_in(0, 0)

        def batch(b, carry):
            t = lax.rem(b, 2)
            wait_in()

            @pl.when(b + 1 < nb)
            def _():
                start_in(b + 1, 1 - t)

            @pl.when(b >= 2)
            def _():
                wait_out()

            lens_vec = lens_v[pl.ds(b * _RB, _RB)]
            ibase0 = t * in_w + _IN_OFF
            obase0 = t * out_w
            for rr in range(_RB):
                ln = lens_vec[rr]
                rbase = ibase0 + rr * L - 1
                obase = obase0 + rr * _MAX_LEN

                nv = lax.shift_right_logical(ln + 1, 4) + 1

                @plsc.parallel_loop(0, nv, unroll=4)
                def _(j, rbase=rbase, obase=obase, ln=ln):
                    start = j * 16
                    v = inbuf[pl.ds(rbase + start, 16)]
                    v = jnp.where(v == 0, _UNK, v)
                    col = start + lane
                    outbuf[pl.ds(obase + start, 16)] = jnp.where(col <= ln, v, 0)

                @plsc.parallel_loop(nv, _NVREG, unroll=4)
                def _(j, obase=obase):
                    outbuf[pl.ds(obase + j * 16, 16)] = zeros16
                fix_idx = obase + jnp.where(lane == 0, 0, ln + 1)
                plsc.store_scatter(outbuf, [fix_idx], fix_val, mask=fix_mask)
            start_out(b, t)
            return carry

        lax.fori_loop(0, nb, batch, 0)
        wait_out()
        wait_out()

    return tokens_kernel


def kernel(pieces, lengths):
    B, L = pieces.shape
    tokens = _tokens_call(B, L)(pieces.reshape(-1), lengths.astype(jnp.int32))
    segments = jnp.zeros((B, _MAX_LEN), jnp.int32)
    return tokens.reshape(B, _MAX_LEN), segments

# --- scband reference (transcript-rebuilt; emitter-appended) ---
"""Pipeline reference for scband-bert-input-30468497997932 (READ-ONLY COPY).

The authoritative reference and input builder live on the scoring server;
editing this copy changes nothing except your own understanding.
"""

import jax, jax.numpy as jnp
import numpy as np

MAX_LENGTH = 512
VOCAB_LEN = 32000
PAD_ID = VOCAB_LEN
UNK_ID = VOCAB_LEN + 1
CLS_ID = VOCAB_LEN + 2
SEP_ID = VOCAB_LEN + 3


def setup_inputs(seed: int = 0) -> dict:
    key = jax.random.key(seed)
    k1, k2 = jax.random.split(key)
    # pieces/lengths stand in for tfs.encode_dense(texts) output: dense int pieces + per-row lengths
    pieces = jax.random.randint(k1, (4096, 500), 0, 32000, dtype=jnp.int32)
    lengths = jax.random.randint(k2, (4096,), 0, 500, dtype=jnp.int32)
    return {"pieces": pieces, "lengths": lengths}


def reference(pieces, lengths):
    # Faithful translation of BertInput.call (single-text branch) + pad():
    #   pieces = where(pieces == 0, unk_id, pieces)
    #   ragged = from_tensor(pieces, lengths)
    #   tokens = concat([cls, ragged, sep], axis=1)  -> row i has length lengths[i] + 2
    #   segments = zeros_like(tokens)
    #   pad both with zeros to max_length, to_tensor()
    B, L = pieces.shape
    pieces = jnp.where(pieces == 0, UNK_ID, pieces)
    col = jnp.arange(MAX_LENGTH, dtype=jnp.int32)[None, :]          # [1, max_length]
    len_col = lengths[:, None].astype(jnp.int32)                     # [B, 1]
    piece_idx = jnp.clip(col - 1, 0, L - 1)                          # gather index into pieces
    gathered = jnp.take_along_axis(
        pieces, jnp.broadcast_to(piece_idx, (B, MAX_LENGTH)), axis=1
    )                                                                # [B, max_length]
    is_cls = col == 0
    is_piece = (col >= 1) & (col <= len_col)
    is_sep = col == (len_col + 1)
    tokens = jnp.where(
        is_cls,
        jnp.int32(CLS_ID),
        jnp.where(is_piece, gathered, jnp.where(is_sep, jnp.int32(SEP_ID), jnp.int32(0))),
    )
    # single-text branch: segments are all zeros; to_tensor pads with 0
    segments = jnp.zeros((B, MAX_LENGTH), dtype=tokens.dtype)
    return tokens, segments

if __name__ == "__main__":
    import jax
    _d = setup_inputs()
    print(jax.jit(kernel)(*tuple(_d.values())))

</pallas_src>

<mosaic_0001>
#map = affine_map<(d0, d1) -> (0)>
module attributes {stable_mosaic.version = 14 : i64} {
  func.func @tokens_kernel(%arg0: i32, %arg1: i32, %arg2: memref<2048000xi32, #tpu.memory_space<hbm>>, %arg3: memref<4096xi32, #tpu.memory_space<hbm>>, %arg4: memref<2097152xi32, #tpu.memory_space<hbm>>, %arg5: memref<128xi32, #tpu.memory_space<vmem>>, %arg6: memref<16064xi32, #tpu.memory_space<vmem>>, %arg7: memref<16384xi32, #tpu.memory_space<vmem>>, %arg8: memref<!tpu.dma_semaphore, #tpu.memory_space<semaphore_mem>>, %arg9: memref<!tpu.dma_semaphore, #tpu.memory_space<semaphore_mem>>) attributes {dimension_semantics = [#tpu.dimension_semantics<core_parallel>, #tpu.dimension_semantics<subcore_parallel>], iteration_bounds = array<i64: 2, 16>, scalar_prefetch = 0 : i64, scratch_operands = 5 : i64, tpu.core_type = #tpu.core_type<sc_vector_subcore>, window_params = [{transform_indices = #map}, {transform_indices = #map}, {transform_indices = #map}]} {
    %mul3A = arith.constant 2 : i32
    %mul3A_0 = arith.muli %arg1, %mul3A : i32
    %add3A = arith.addi %mul3A_0, %arg0 : i32
    %mul3A_1 = arith.constant 128 : i32
    %mul3A_2 = arith.muli %add3A, %mul3A_1 : i32
    "tpu.region"() ({
      %run_scoped3A = tpu.sem_alloc : memref<!tpu.dma_semaphore, #tpu.memory_space<semaphore_mem>>
      %dma_start3A_40 = tpu.memref_slice %arg3[%mul3A_2] : memref<4096xi32, #tpu.memory_space<hbm>> -> memref<128xi32, #tpu.memory_space<hbm>>
      %dma_start3A_41 = tpu.memref_slice %arg3[%mul3A_2] : memref<4096xi32, #tpu.memory_space<hbm>> -> memref<128xi32, #tpu.memory_space<hbm>>
      tpu.enqueue_dma source(%dma_start3A_41 : memref<128xi32, #tpu.memory_space<hbm>>) target(%arg5 : memref<128xi32, #tpu.memory_space<vmem>>) target_semaphore(%run_scoped3A : memref<!tpu.dma_semaphore, #tpu.memory_space<semaphore_mem>>)
      %dma_wait3A_42 = tpu.memref_slice %arg3[%mul3A_2] : memref<4096xi32, #tpu.memory_space<hbm>> -> memref<128xi32, #tpu.memory_space<hbm>>
      %dma_wait3A_43 = tpu.memref_slice %arg3[%mul3A_2] : memref<4096xi32, #tpu.memory_space<hbm>> -> memref<128xi32, #tpu.memory_space<hbm>>
      tpu.wait_dma2 semaphore(%run_scoped3A : memref<!tpu.dma_semaphore, #tpu.memory_space<semaphore_mem>>) src(%dma_wait3A_43 : memref<128xi32, #tpu.memory_space<hbm>>) dst(%arg5 : memref<128xi32, #tpu.memory_space<vmem>>)
      tpu.yield
    }) : () -> ()
    %iota3A = tpu.iota {dimensions = array<i32: 0>} : vector<16xi32>
    %eq3A = arith.constant 0 : i32
    %eq3A_3 = vector.broadcast %eq3A : i32 to vector<16xi32>
    %eq3A_4 = arith.cmpi eq, %iota3A, %eq3A_3 : vector<16xi32>
    %jit3A = arith.constant 32002 : i32
    %jit3A_5 = arith.constant 32003 : i32
    %broadcast_in_dim3A = vector.broadcast %jit3A : i32 to vector<16xi32>
    %broadcast_in_dim3A_6 = vector.broadcast %jit3A_5 : i32 to vector<16xi32>
    %select_n3A = arith.select %eq3A_4, %broadcast_in_dim3A, %broadcast_in_dim3A_6 : vector<16xi1>, vector<16xi32>
    %lt3A = arith.constant 2 : i32
    %lt3A_7 = vector.broadcast %lt3A : i32 to vector<16xi32>
    %lt3A_8 = arith.cmpi slt, %iota3A, %lt3A_7 : vector<16xi32>
    %broadcast_in_dim3A_9 = arith.constant 0 : i32
    %broadcast_in_dim3A_10 = vector.broadcast %broadcast_in_dim3A_9 : i32 to vector<16xi32>
    %add3A_11 = arith.constant 0 : i32
    %add3A_12 = arith.addi %mul3A_2, %add3A_11 : i32
    %mul3A_13 = arith.constant 500 : i32
    %mul3A_14 = arith.muli %add3A_12, %mul3A_13 : i32
    %dma_start3A = arith.constant 16 : i32
    %dma_start3A_15 = tpu.memref_slice %arg6[%dma_start3A] : memref<16064xi32, #tpu.memory_space<vmem>> -> memref<8000xi32, #tpu.memory_space<vmem>>
    %dma_start3A_16 = tpu.memref_slice %arg2[%mul3A_14] : memref<2048000xi32, #tpu.memory_space<hbm>> -> memref<8000xi32, #tpu.memory_space<hbm>>
    %dma_start3A_17 = arith.constant 16 : i32
    %dma_start3A_18 = tpu.memref_slice %arg6[%dma_start3A_17] : memref<16064xi32, #tpu.memory_space<vmem>> -> memref<8000xi32, #tpu.memory_space<vmem>>
    %dma_start3A_19 = tpu.memref_slice %arg2[%mul3A_14] : memref<2048000xi32, #tpu.memory_space<hbm>> -> memref<8000xi32, #tpu.memory_space<hbm>>
    tpu.enqueue_dma source(%dma_start3A_19 : memref<8000xi32, #tpu.memory_space<hbm>>) target(%dma_start3A_18 : memref<8000xi32, #tpu.memory_space<vmem>>) target_semaphore(%arg8 : memref<!tpu.dma_semaphore, #tpu.memory_space<semaphore_mem>>)
    %scan3A = arith.constant 0 : i32
    %scan3A_20 = arith.constant 0 : i32
    %scan3A_21 = arith.constant 8 : i32
    %scan3A_22 = arith.addi %scan3A_20, %scan3A_21 : i32
    %scan3A_23 = arith.constant 1 : i32
    scf.for %scan3A_40 = %scan3A_20 to %scan3A_22 step %scan3A_23  : i32 {
      %rem3A = arith.constant 2 : i32
      %rem3A_41 = arith.remsi %scan3A_40, %rem3A : i32
      %dma_wait3A_42 = arith.constant 16 : i32
      %dma_wait3A_43 = tpu.memref_slice %arg6[%dma_wait3A_42] : memref<16064xi32, #tpu.memory_space<vmem>> -> memref<8000xi32, #tpu.memory_space<vmem>>
      %dma_wait3A_44 = arith.constant 0 : i32
      %dma_wait3A_45 = tpu.memref_slice %arg2[%dma_wait3A_44] : memref<2048000xi32, #tpu.memory_space<hbm>> -> memref<8000xi32, #tpu.memory_space<hbm>>
      %dma_wait3A_46 = arith.constant 16 : i32
      %dma_wait3A_47 = tpu.memref_slice %arg6[%dma_wait3A_46] : memref<16064xi32, #tpu.memory_space<vmem>> -> memref<8000xi32, #tpu.memory_space<vmem>>
      %dma_wait3A_48 = arith.constant 0 : i32
      %dma_wait3A_49 = tpu.memref_slice %arg2[%dma_wait3A_48] : memref<2048000xi32, #tpu.memory_space<hbm>> -> memref<8000xi32, #tpu.memory_space<hbm>>
      tpu.wait_dma2 semaphore(%arg8 : memref<!tpu.dma_semaphore, #tpu.memory_space<semaphore_mem>>) src(%dma_wait3A_49 : memref<8000xi32, #tpu.memory_space<hbm>>) dst(%dma_wait3A_47 : memref<8000xi32, #tpu.memory_space<vmem>>)
      %add3A_50 = arith.constant 1 : i32
      %add3A_51 = arith.addi %scan3A_40, %add3A_50 : i32
      %lt3A_52 = arith.constant 8 : i32
      %lt3A_53 = arith.cmpi slt, %add3A_51, %lt3A_52 : i32
      %convert_element_type3A = arith.extui %lt3A_53 : i1 to i32
      %cond3A = arith.constant 0 : i32
      %cond3A_54 = arith.cmpi ne, %convert_element_type3A, %cond3A : i32
      scf.if %cond3A_54 {
        %add3A_538 = arith.constant 1 : i32
        %add3A_539 = arith.addi %scan3A_40, %add3A_538 : i32
        %sub3A_540 = arith.constant 1 : i32
        %sub3A_541 = arith.subi %sub3A_540, %rem3A_41 : i32
        %mul3A_542 = arith.constant 16 : i32
        %mul3A_543 = arith.muli %add3A_539, %mul3A_542 : i32
        %add3A_544 = arith.addi %mul3A_2, %mul3A_543 : i32
        %mul3A_545 = arith.constant 500 : i32
        %mul3A_546 = arith.muli %add3A_544, %mul3A_545 : i32
        %mul3A_547 = arith.constant 8032 : i32
        %mul3A_548 = arith.muli %sub3A_541, %mul3A_547 : i32
        %add3A_549 = arith.constant 16 : i32
        %add3A_550 = arith.addi %mul3A_548, %add3A_549 : i32
        %dma_start3A_551 = tpu.memref_slice %arg6[%add3A_550] : memref<16064xi32, #tpu.memory_space<vmem>> -> memref<8000xi32, #tpu.memory_space<vmem>>
        %dma_start3A_552 = tpu.memref_slice %arg2[%mul3A_546] : memref<2048000xi32, #tpu.memory_space<hbm>> -> memref<8000xi32, #tpu.memory_space<hbm>>
        %dma_start3A_553 = tpu.memref_slice %arg6[%add3A_550] : memref<16064xi32, #tpu.memory_space<vmem>> -> memref<8000xi32, #tpu.memory_space<vmem>>
        %dma_start3A_554 = tpu.memref_slice %arg2[%mul3A_546] : memref<2048000xi32, #tpu.memory_space<hbm>> -> memref<8000xi32, #tpu.memory_space<hbm>>
        tpu.enqueue_dma source(%dma_start3A_554 : memref<8000xi32, #tpu.memory_space<hbm>>) target(%dma_start3A_553 : memref<8000xi32, #tpu.memory_space<vmem>>) target_semaphore(%arg8 : memref<!tpu.dma_semaphore, #tpu.memory_space<semaphore_mem>>)
      } else {
      }
      %ge3A = arith.constant 2 : i32
      %ge3A_55 = arith.cmpi sge, %scan3A_40, %ge3A : i32
      %convert_element_type3A_56 = arith.extui %ge3A_55 : i1 to i32
      %cond3A_57 = arith.constant 0 : i32
      %cond3A_58 = arith.cmpi ne, %convert_element_type3A_56, %cond3A_57 : i32
      scf.if %cond3A_58 {
        %dma_wait3A_538 = arith.constant 0 : i32
        %dma_wait3A_539 = tpu.memref_slice %arg7[%dma_wait3A_538] : memref<16384xi32, #tpu.memory_space<vmem>> -> memref<8192xi32, #tpu.memory_space<vmem>>
        %dma_wait3A_540 = arith.constant 0 : i32
        %dma_wait3A_541 = tpu.memref_slice %arg4[%dma_wait3A_540] : memref<2097152xi32, #tpu.memory_space<hbm>> -> memref<8192xi32, #tpu.memory_space<hbm>>
        %dma_wait3A_542 = arith.constant 0 : i32
        %dma_wait3A_543 = tpu.memref_slice %arg4[%dma_wait3A_542] : memref<2097152xi32, #tpu.memory_space<hbm>> -> memref<8192xi32, #tpu.memory_space<hbm>>
        %dma_wait3A_544 = arith.constant 0 : i32
        %dma_wait3A_545 = tpu.memref_slice %arg7[%dma_wait3A_544] : memref<16384xi32, #tpu.memory_space<vmem>> -> memref<8192xi32, #tpu.memory_space<vmem>>
        tpu.wait_dma2 semaphore(%arg9 : memref<!tpu.dma_semaphore, #tpu.memory_space<semaphore_mem>>) src(%dma_wait3A_545 : memref<8192xi32, #tpu.memory_space<vmem>>) dst(%dma_wait3A_543 : memref<8192xi32, #tpu.memory_space<hbm>>)
      } else {
      }
      %mul3A_59 = arith.constant 16 : i32
      %mul3A_60 = arith.muli %scan3A_40, %mul3A_59 : i32
      %get3A = arith.index_cast %mul3A_60 : i32 to index
      %get3A_61 = tpu.vector_load %arg5[%get3A] {strides = array<i32>} : memref<128xi32, #tpu.memory_space<vmem>>, vector<16xi32>,
      %mul3A_62 = arith.constant 8032 : i32
      %mul3A_63 = arith.muli %rem3A_41, %mul3A_62 : i32
      %add3A_64 = arith.constant 16 : i32
      %add3A_65 = arith.addi %mul3A_63, %add3A_64 : i32
      %mul3A_66 = arith.constant 8192 : i32
      %mul3A_67 = arith.muli %rem3A_41, %mul3A_66 : i32
      %slice3A = vector.extract_strided_slice %get3A_61 {offsets = [0], sizes = [1], strides = [1]} : vector<16xi32> to vector<1xi32>
      %squeeze3A = vector.extract %slice3A[0] : i32 from vector<1xi32>
      %add3A_68 = arith.constant 0 : i32
      %add3A_69 = arith.addi %add3A_65, %add3A_68 : i32
      %sub3A = arith.constant 1 : i32
      %sub3A_70 = arith.subi %add3A_69, %sub3A : i32
      %add3A_71 = arith.constant 0 : i32
      %add3A_72 = arith.addi %mul3A_67, %add3A_71 : i32
      %add3A_73 = arith.constant 1 : i32
      %add3A_74 = arith.addi %squeeze3A, %add3A_73 : i32
      %shift_right_logical3A = arith.constant 4 : i32
      %shift_right_logical3A_75 = arith.shrui %add3A_74, %shift_right_logical3A : i32
      %add3A_76 = arith.constant 1 : i32
      %add3A_77 = arith.addi %shift_right_logical3A_75, %add3A_76 : i32
      %parallel_loop3A = arith.constant 0 : i32
      %parallel_loop3A_78 = arith.constant 1 : i32
      scf.for %parallel_loop3A_538 = %parallel_loop3A to %add3A_77 step %parallel_loop3A_78  : i32 {
        %parallel_loop3A_539 = arith.constant 16 : i32
        %parallel_loop3A_540 = arith.muli %parallel_loop3A_538, %parallel_loop3A_539 : i32
        %parallel_loop3A_541 = arith.addi %sub3A_70, %parallel_loop3A_540 : i32
        %parallel_loop3A_542 = arith.index_cast %parallel_loop3A_541 : i32 to index
        %parallel_loop3A_543 = tpu.vector_load %arg6[%parallel_loop3A_542] {strides = array<i32>} : memref<16064xi32, #tpu.memory_space<vmem>>, vector<16xi32>,
        %parallel_loop3A_544 = arith.constant 0 : i32
        %parallel_loop3A_545 = vector.broadcast %parallel_loop3A_544 : i32 to vector<16xi32>
        %parallel_loop3A_546 = arith.cmpi eq, %parallel_loop3A_543, %parallel_loop3A_545 : vector<16xi32>
        %parallel_loop3A_547 = arith.constant 32001 : i32
        %parallel_loop3A_548 = vector.broadcast %parallel_loop3A_547 : i32 to vector<16xi32>
        %parallel_loop3A_549 = arith.select %parallel_loop3A_546, %parallel_loop3A_548, %parallel_loop3A_543 : vector<16xi1>, vector<16xi32>
        %parallel_loop3A_550 = vector.broadcast %parallel_loop3A_540 : i32 to vector<16xi32>
        %parallel_loop3A_551 = arith.addi %parallel_loop3A_550, %iota3A : vector<16xi32>
        %parallel_loop3A_552 = vector.broadcast %squeeze3A : i32 to vector<16xi32>
        %parallel_loop3A_553 = arith.cmpi sle, %parallel_loop3A_551, %parallel_loop3A_552 : vector<16xi32>
        %parallel_loop3A_554 = arith.constant 0 : i32
        %parallel_loop3A_555 = vector.broadcast %parallel_loop3A_554 : i32 to vector<16xi32>
        %parallel_loop3A_556 = arith.select %parallel_loop3A_553, %parallel_loop3A_549, %parallel_loop3A_555 : vector<16xi1>, vector<16xi32>
        %parallel_loop3A_557 = arith.addi %add3A_72, %parallel_loop3A_540 : i32
        %parallel_loop3A_558 = arith.index_cast %parallel_loop3A_557 : i32 to index
        %parallel_loop3A_559 = tpu.vector_load %arg7[%parallel_loop3A_558] {strides = array<i32>} : memref<16384xi32, #tpu.memory_space<vmem>>, vector<16xi32>,
        tpu.vector_store %arg7[%parallel_loop3A_558], %parallel_loop3A_556 {strides = array<i32>} : memref<16384xi32, #tpu.memory_space<vmem>>, vector<16xi32>,
      } {sc.loop_unroll_factor = 4 : i64, sc.parallel_access}
      %parallel_loop3A_79 = arith.constant 32 : i32
      %parallel_loop3A_80 = arith.constant 1 : i32
      scf.for %parallel_loop3A_538 = %add3A_77 to %parallel_loop3A_79 step %parallel_loop3A_80  : i32 {
        %parallel_loop3A_539 = arith.constant 16 : i32
        %parallel_loop3A_540 = arith.muli %parallel_loop3A_538, %parallel_loop3A_539 : i32
        %parallel_loop3A_541 = arith.addi %add3A_72, %parallel_loop3A_540 : i32
        %parallel_loop3A_542 = arith.index_cast %parallel_loop3A_541 : i32 to index
        %parallel_loop3A_543 = tpu.vector_load %arg7[%parallel_loop3A_542] {strides = array<i32>} : memref<16384xi32, #tpu.memory_space<vmem>>, vector<16xi32>,
        tpu.vector_store %arg7[%parallel_loop3A_542], %broadcast_in_dim3A_10 {strides = array<i32>} : memref<16384xi32, #tpu.memory_space<vmem>>, vector<16xi32>,
      } {sc.loop_unroll_factor = 4 : i64, sc.parallel_access}
      %eq3A_81 = arith.constant 0 : i32
      %eq3A_82 = vector.broadcast %eq3A_81 : i32 to vector<16xi32>
      %eq3A_83 = arith.cmpi eq, %iota3A, %eq3A_82 : vector<16xi32>
      %add3A_84 = arith.constant 1 : i32
      %add3A_85 = arith.addi %squeeze3A, %add3A_84 : i32
      %jit3A_86 = arith.constant 0 : i32
      %broadcast_in_dim3A_87 = vector.broadcast %jit3A_86 : i32 to vector<16xi32>
      %broadcast_in_dim3A_88 = vector.broadcast %add3A_85 : i32 to vector<16xi32>
      %select_n3A_89 = arith.select %eq3A_83, %broadcast_in_dim3A_87, %broadcast_in_dim3A_88 : vector<16xi1>, vector<16xi32>
      %add3A_90 = vector.broadcast %add3A_72 : i32 to vector<16xi32>
      %add3A_91 = arith.addi %add3A_90, %select_n3A_89 : vector<16xi32>
      tpu.vector_store_idx %arg7[%add3A_91], %select_n3A masked %lt3A_8 : memref<16384xi32, #tpu.memory_space<vmem>>[vector<16xi32>], vector<16xi32>, vector<16xi1>
      %slice3A_92 = vector.extract_strided_slice %get3A_61 {offsets = [1], sizes = [1], strides = [1]} : vector<16xi32> to vector<1xi32>
      %squeeze3A_93 = vector.extract %slice3A_92[0] : i32 from vector<1xi32>
      %add3A_94 = arith.constant 500 : i32
      %add3A_95 = arith.addi %add3A_65, %add3A_94 : i32
      %sub3A_96 = arith.constant 1 : i32
      %sub3A_97 = arith.subi %add3A_95, %sub3A_96 : i32
      %add3A_98 = arith.constant 512 : i32
      %add3A_99 = arith.addi %mul3A_67, %add3A_98 : i32
      %add3A_100 = arith.constant 1 : i32
      %add3A_101 = arith.addi %squeeze3A_93, %add3A_100 : i32
      %shift_right_logical3A_102 = arith.constant 4 : i32
      %shift_right_logical3A_103 = arith.shrui %add3A_101, %shift_right_logical3A_102 : i32
      %add3A_104 = arith.constant 1 : i32
      %add3A_105 = arith.addi %shift_right_logical3A_103, %add3A_104 : i32
      %parallel_loop3A_106 = arith.constant 0 : i32
      %parallel_loop3A_107 = arith.constant 1 : i32
      scf.for %parallel_loop3A_538 = %parallel_loop3A_106 to %add3A_105 step %parallel_loop3A_107  : i32 {
        %parallel_loop3A_539 = arith.constant 16 : i32
        %parallel_loop3A_540 = arith.muli %parallel_loop3A_538, %parallel_loop3A_539 : i32
        %parallel_loop3A_541 = arith.addi %sub3A_97, %parallel_loop3A_540 : i32
        %parallel_loop3A_542 = arith.index_cast %parallel_loop3A_541 : i32 to index
        %parallel_loop3A_543 = tpu.vector_load %arg6[%parallel_loop3A_542] {strides = array<i32>} : memref<16064xi32, #tpu.memory_space<vmem>>, vector<16xi32>,
        %parallel_loop3A_544 = arith.constant 0 : i32
        %parallel_loop3A_545 = vector.broadcast %parallel_loop3A_544 : i32 to vector<16xi32>
        %parallel_loop3A_546 = arith.cmpi eq, %parallel_loop3A_543, %parallel_loop3A_545 : vector<16xi32>
        %parallel_loop3A_547 = arith.constant 32001 : i32
        %parallel_loop3A_548 = vector.broadcast %parallel_loop3A_547 : i32 to vector<16xi32>
        %parallel_loop3A_549 = arith.select %parallel_loop3A_546, %parallel_loop3A_548, %parallel_loop3A_543 : vector<16xi1>, vector<16xi32>
        %parallel_loop3A_550 = vector.broadcast %parallel_loop3A_540 : i32 to vector<16xi32>
        %parallel_loop3A_551 = arith.addi %parallel_loop3A_550, %iota3A : vector<16xi32>
        %parallel_loop3A_552 = vector.broadcast %squeeze3A_93 : i32 to vector<16xi32>
        %parallel_loop3A_553 = arith.cmpi sle, %parallel_loop3A_551, %parallel_loop3A_552 : vector<16xi32>
        %parallel_loop3A_554 = arith.constant 0 : i32
        %parallel_loop3A_555 = vector.broadcast %parallel_loop3A_554 : i32 to vector<16xi32>
        %parallel_loop3A_556 = arith.select %parallel_loop3A_553, %parallel_loop3A_549, %parallel_loop3A_555 : vector<16xi1>, vector<16xi32>
        %parallel_loop3A_557 = arith.addi %add3A_99, %parallel_loop3A_540 : i32
        %parallel_loop3A_558 = arith.index_cast %parallel_loop3A_557 : i32 to index
        %parallel_loop3A_559 = tpu.vector_load %arg7[%parallel_loop3A_558] {strides = array<i32>} : memref<16384xi32, #tpu.memory_space<vmem>>, vector<16xi32>,
        tpu.vector_store %arg7[%parallel_loop3A_558], %parallel_loop3A_556 {strides = array<i32>} : memref<16384xi32, #tpu.memory_space<vmem>>, vector<16xi32>,
      } {sc.loop_unroll_factor = 4 : i64, sc.parallel_access}
      %parallel_loop3A_108 = arith.constant 32 : i32
      %parallel_loop3A_109 = arith.constant 1 : i32
      scf.for %parallel_loop3A_538 = %add3A_105 to %parallel_loop3A_108 step %parallel_loop3A_109  : i32 {
        %parallel_loop3A_539 = arith.constant 16 : i32
        %parallel_loop3A_540 = arith.muli %parallel_loop3A_538, %parallel_loop3A_539 : i32
        %parallel_loop3A_541 = arith.addi %add3A_99, %parallel_loop3A_540 : i32
        %parallel_loop3A_542 = arith.index_cast %parallel_loop3A_541 : i32 to index
        %parallel_loop3A_543 = tpu.vector_load %arg7[%parallel_loop3A_542] {strides = array<i32>} : memref<16384xi32, #tpu.memory_space<vmem>>, vector<16xi32>,
        tpu.vector_store %arg7[%parallel_loop3A_542], %broadcast_in_dim3A_10 {strides = array<i32>} : memref<16384xi32, #tpu.memory_space<vmem>>, vector<16xi32>,
      } {sc.loop_unroll_factor = 4 : i64, sc.parallel_access}
      %eq3A_110 = arith.constant 0 : i32
      %eq3A_111 = vector.broadcast %eq3A_110 : i32 to vector<16xi32>
      %eq3A_112 = arith.cmpi eq, %iota3A, %eq3A_111 : vector<16xi32>
      %add3A_113 = arith.constant 1 : i32
      %add3A_114 = arith.addi %squeeze3A_93, %add3A_113 : i32
      %jit3A_115 = arith.constant 0 : i32
      %broadcast_in_dim3A_116 = vector.broadcast %jit3A_115 : i32 to vector<16xi32>
      %broadcast_in_dim3A_117 = vector.broadcast %add3A_114 : i32 to vector<16xi32>
      %select_n3A_118 = arith.select %eq3A_112, %broadcast_in_dim3A_116, %broadcast_in_dim3A_117 : vector<16xi1>, vector<16xi32>
      %add3A_119 = vector.broadcast %add3A_99 : i32 to vector<16xi32>
      %add3A_120 = arith.addi %add3A_119, %select_n3A_118 : vector<16xi32>
      tpu.vector_store_idx %arg7[%add3A_120], %select_n3A masked %lt3A_8 : memref<16384xi32, #tpu.memory_space<vmem>>[vector<16xi32>], vector<16xi32>, vector<16xi1>
      %slice3A_121 = vector.extract_strided_slice %get3A_61 {offsets = [2], sizes = [1], strides = [1]} : vector<16xi32> to vector<1xi32>
      %squeeze3A_122 = vector.extract %slice3A_121[0] : i32 from vector<1xi32>
      %add3A_123 = arith.constant 1000 : i32
      %add3A_124 = arith.addi %add3A_65, %add3A_123 : i32
      %sub3A_125 = arith.constant 1 : i32
      %sub3A_126 = arith.subi %add3A_124, %sub3A_125 : i32
      %add3A_127 = arith.constant 1024 : i32
      %add3A_128 = arith.addi %mul3A_67, %add3A_127 : i32
      %add3A_129 = arith.constant 1 : i32
      %add3A_130 = arith.addi %squeeze3A_122, %add3A_129 : i32
      %shift_right_logical3A_131 = arith.constant 4 : i32
      %shift_right_logical3A_132 = arith.shrui %add3A_130, %shift_right_logical3A_131 : i32
      %add3A_133 = arith.constant 1 : i32
      %add3A_134 = arith.addi %shift_right_logical3A_132, %add3A_133 : i32
      %parallel_loop3A_135 = arith.constant 0 : i32
      %parallel_loop3A_136 = arith.constant 1 : i32
      scf.for %parallel_loop3A_538 = %parallel_loop3A_135 to %add3A_134 step %parallel_loop3A_136  : i32 {
        %parallel_loop3A_539 = arith.constant 16 : i32
        %parallel_loop3A_540 = arith.muli %parallel_loop3A_538, %parallel_loop3A_539 : i32
        %parallel_loop3A_541 = arith.addi %sub3A_126, %parallel_loop3A_540 : i32
        %parallel_loop3A_542 = arith.index_cast %parallel_loop3A_541 : i32 to index
        %parallel_loop3A_543 = tpu.vector_load %arg6[%parallel_loop3A_542] {strides = array<i32>} : memref<16064xi32, #tpu.memory_space<vmem>>, vector<16xi32>,
        %parallel_loop3A_544 = arith.constant 0 : i32
        %parallel_loop3A_545 = vector.broadcast %parallel_loop3A_544 : i32 to vector<16xi32>
        %parallel_loop3A_546 = arith.cmpi eq, %parallel_loop3A_543, %parallel_loop3A_545 : vector<16xi32>
        %parallel_loop3A_547 = arith.constant 32001 : i32
        %parallel_loop3A_548 = vector.broadcast %parallel_loop3A_547 : i32 to vector<16xi32>
        %parallel_loop3A_549 = arith.select %parallel_loop3A_546, %parallel_loop3A_548, %parallel_loop3A_543 : vector<16xi1>, vector<16xi32>
        %parallel_loop3A_550 = vector.broadcast %parallel_loop3A_540 : i32 to vector<16xi32>
        %parallel_loop3A_551 = arith.addi %parallel_loop3A_550, %iota3A : vector<16xi32>
        %parallel_loop3A_552 = vector.broadcast %squeeze3A_122 : i32 to vector<16xi32>
        %parallel_loop3A_553 = arith.cmpi sle, %parallel_loop3A_551, %parallel_loop3A_552 : vector<16xi32>
        %parallel_loop3A_554 = arith.constant 0 : i32
        %parallel_loop3A_555 = vector.broadcast %parallel_loop3A_554 : i32 to vector<16xi32>
        %parallel_loop3A_556 = arith.select %parallel_loop3A_553, %parallel_loop3A_549, %parallel_loop3A_555 : vector<16xi1>, vector<16xi32>
        %parallel_loop3A_557 = arith.addi %add3A_128, %parallel_loop3A_540 : i32
        %parallel_loop3A_558 = arith.index_cast %parallel_loop3A_557 : i32 to index
        %parallel_loop3A_559 = tpu.vector_load %arg7[%parallel_loop3A_558] {strides = array<i32>} : memref<16384xi32, #tpu.memory_space<vmem>>, vector<16xi32>,
        tpu.vector_store %arg7[%parallel_loop3A_558], %parallel_loop3A_556 {strides = array<i32>} : memref<16384xi32, #tpu.memory_space<vmem>>, vector<16xi32>,
      } {sc.loop_unroll_factor = 4 : i64, sc.parallel_access}
      %parallel_loop3A_137 = arith.constant 32 : i32
      %parallel_loop3A_138 = arith.constant 1 : i32
      scf.for %parallel_loop3A_538 = %add3A_134 to %parallel_loop3A_137 step %parallel_loop3A_138  : i32 {
        %parallel_loop3A_539 = arith.constant 16 : i32
        %parallel_loop3A_540 = arith.muli %parallel_loop3A_538, %parallel_loop3A_539 : i32
        %parallel_loop3A_541 = arith.addi %add3A_128, %parallel_loop3A_540 : i32
        %parallel_loop3A_542 = arith.index_cast %parallel_loop3A_541 : i32 to index
        %parallel_loop3A_543 = tpu.vector_load %arg7[%parallel_loop3A_542] {strides = array<i32>} : memref<16384xi32, #tpu.memory_space<vmem>>, vector<16xi32>,
        tpu.vector_store %arg7[%parallel_loop3A_542], %broadcast_in_dim3A_10 {strides = array<i32>} : memref<16384xi32, #tpu.memory_space<vmem>>, vector<16xi32>,
      } {sc.loop_unroll_factor = 4 : i64, sc.parallel_access}
      %eq3A_139 = arith.constant 0 : i32
      %eq3A_140 = vector.broadcast %eq3A_139 : i32 to vector<16xi32>
      %eq3A_141 = arith.cmpi eq, %iota3A, %eq3A_140 : vector<16xi32>
      %add3A_142 = arith.constant 1 : i32
      %add3A_143 = arith.addi %squeeze3A_122, %add3A_142 : i32
      %jit3A_144 = arith.constant 0 : i32
      %broadcast_in_dim3A_145 = vector.broadcast %jit3A_144 : i32 to vector<16xi32>
      %broadcast_in_dim3A_146 = vector.broadcast %add3A_143 : i32 to vector<16xi32>
      %select_n3A_147 = arith.select %eq3A_141, %broadcast_in_dim3A_145, %broadcast_in_dim3A_146 : vector<16xi1>, vector<16xi32>
      %add3A_148 = vector.broadcast %add3A_128 : i32 to vector<16xi32>
      %add3A_149 = arith.addi %add3A_148, %select_n3A_147 : vector<16xi32>
      tpu.vector_store_idx %arg7[%add3A_149], %select_n3A masked %lt3A_8 : memref<16384xi32, #tpu.memory_space<vmem>>[vector<16xi32>], vector<16xi32>, vector<16xi1>
      %slice3A_150 = vector.extract_strided_slice %get3A_61 {offsets = [3], sizes = [1], strides = [1]} : vector<16xi32> to vector<1xi32>
      %squeeze3A_151 = vector.extract %slice3A_150[0] : i32 from vector<1xi32>
      %add3A_152 = arith.constant 1500 : i32
      %add3A_153 = arith.addi %add3A_65, %add3A_152 : i32
      %sub3A_154 = arith.constant 1 : i32
      %sub3A_155 = arith.subi %add3A_153, %sub3A_154 : i32
      %add3A_156 = arith.constant 1536 : i32
      %add3A_157 = arith.addi %mul3A_67, %add3A_156 : i32
      %add3A_158 = arith.constant 1 : i32
      %add3A_159 = arith.addi %squeeze3A_151, %add3A_158 : i32
      %shift_right_logical3A_160 = arith.constant 4 : i32
      %shift_right_logical3A_161 = arith.shrui %add3A_159, %shift_right_logical3A_160 : i32
      %add3A_162 = arith.constant 1 : i32
      %add3A_163 = arith.addi %shift_right_logical3A_161, %add3A_162 : i32
      %parallel_loop3A_164 = arith.constant 0 : i32
      %parallel_loop3A_165 = arith.constant 1 : i32
      scf.for %parallel_loop3A_538 = %parallel_loop3A_164 to %add3A_163 step %parallel_loop3A_165  : i32 {
        %parallel_loop3A_539 = arith.constant 16 : i32
        %parallel_loop3A_540 = arith.muli %parallel_loop3A_538, %parallel_loop3A_539 : i32
        %parallel_loop3A_541 = arith.addi %sub3A_155, %parallel_loop3A_540 : i32
        %parallel_loop3A_542 = arith.index_cast %parallel_loop3A_541 : i32 to index
        %parallel_loop3A_543 = tpu.vector_load %arg6[%parallel_loop3A_542] {strides = array<i32>} : memref<16064xi32, #tpu.memory_space<vmem>>, vector<16xi32>,
        %parallel_loop3A_544 = arith.constant 0 : i32
        %parallel_loop3A_545 = vector.broadcast %parallel_loop3A_544 : i32 to vector<16xi32>
        %parallel_loop3A_546 = arith.cmpi eq, %parallel_loop3A_543, %parallel_loop3A_545 : vector<16xi32>
        %parallel_loop3A_547 = arith.constant 32001 : i32
        %parallel_loop3A_548 = vector.broadcast %parallel_loop3A_547 : i32 to vector<16xi32>
        %parallel_loop3A_549 = arith.select %parallel_loop3A_546, %parallel_loop3A_548, %parallel_loop3A_543 : vector<16xi1>, vector<16xi32>
        %parallel_loop3A_550 = vector.broadcast %parallel_loop3A_540 : i32 to vector<16xi32>
        %parallel_loop3A_551 = arith.addi %parallel_loop3A_550, %iota3A : vector<16xi32>
        %parallel_loop3A_552 = vector.broadcast %squeeze3A_151 : i32 to vector<16xi32>
        %parallel_loop3A_553 = arith.cmpi sle, %parallel_loop3A_551, %parallel_loop3A_552 : vector<16xi32>
        %parallel_loop3A_554 = arith.constant 0 : i32
        %parallel_loop3A_555 = vector.broadcast %parallel_loop3A_554 : i32 to vector<16xi32>
        %parallel_loop3A_556 = arith.select %parallel_loop3A_553, %parallel_loop3A_549, %parallel_loop3A_555 : vector<16xi1>, vector<16xi32>
        %parallel_loop3A_557 = arith.addi %add3A_157, %parallel_loop3A_540 : i32
        %parallel_loop3A_558 = arith.index_cast %parallel_loop3A_557 : i32 to index
        %parallel_loop3A_559 = tpu.vector_load %arg7[%parallel_loop3A_558] {strides = array<i32>} : memref<16384xi32, #tpu.memory_space<vmem>>, vector<16xi32>,
        tpu.vector_store %arg7[%parallel_loop3A_558], %parallel_loop3A_556 {strides = array<i32>} : memref<16384xi32, #tpu.memory_space<vmem>>, vector<16xi32>,
      } {sc.loop_unroll_factor = 4 : i64, sc.parallel_access}
      %parallel_loop3A_166 = arith.constant 32 : i32
      %parallel_loop3A_167 = arith.constant 1 : i32
      scf.for %parallel_loop3A_538 = %add3A_163 to %parallel_loop3A_166 step %parallel_loop3A_167  : i32 {
        %parallel_loop3A_539 = arith.constant 16 : i32
        %parallel_loop3A_540 = arith.muli %parallel_loop3A_538, %parallel_loop3A_539 : i32
        %parallel_loop3A_541 = arith.addi %add3A_157, %parallel_loop3A_540 : i32
        %parallel_loop3A_542 = arith.index_cast %parallel_loop3A_541 : i32 to index
        %parallel_loop3A_543 = tpu.vector_load %arg7[%parallel_loop3A_542] {strides = array<i32>} : memref<16384xi32, #tpu.memory_space<vmem>>, vector<16xi32>,
        tpu.vector_store %arg7[%parallel_loop3A_542], %broadcast_in_dim3A_10 {strides = array<i32>} : memref<16384xi32, #tpu.memory_space<vmem>>, vector<16xi32>,
      } {sc.loop_unroll_factor = 4 : i64, sc.parallel_access}
      %eq3A_168 = arith.constant 0 : i32
      %eq3A_169 = vector.broadcast %eq3A_168 : i32 to vector<16xi32>
      %eq3A_170 = arith.cmpi eq, %iota3A, %eq3A_169 : vector<16xi32>
      %add3A_171 = arith.constant 1 : i32
      %add3A_172 = arith.addi %squeeze3A_151, %add3A_171 : i32
      %jit3A_173 = arith.constant 0 : i32
      %broadcast_in_dim3A_174 = vector.broadcast %jit3A_173 : i32 to vector<16xi32>
      %broadcast_in_dim3A_175 = vector.broadcast %add3A_172 : i32 to vector<16xi32>
      %select_n3A_176 = arith.select %eq3A_170, %broadcast_in_dim3A_174, %broadcast_in_dim3A_175 : vector<16xi1>, vector<16xi32>
      %add3A_177 = vector.broadcast %add3A_157 : i32 to vector<16xi32>
      %add3A_178 = arith.addi %add3A_177, %select_n3A_176 : vector<16xi32>
      tpu.vector_store_idx %arg7[%add3A_178], %select_n3A masked %lt3A_8 : memref<16384xi32, #tpu.memory_space<vmem>>[vector<16xi32>], vector<16xi32>, vector<16xi1>
      %slice3A_179 = vector.extract_strided_slice %get3A_61 {offsets = [4], sizes = [1], strides = [1]} : vector<16xi32> to vector<1xi32>
      %squeeze3A_180 = vector.extract %slice3A_179[0] : i32 from vector<1xi32>
      %add3A_181 = arith.constant 2000 : i32
      %add3A_182 = arith.addi %add3A_65, %add3A_181 : i32
      %sub3A_183 = arith.constant 1 : i32
      %sub3A_184 = arith.subi %add3A_182, %sub3A_183 : i32
      %add3A_185 = arith.constant 2048 : i32
      %add3A_186 = arith.addi %mul3A_67, %add3A_185 : i32
      %add3A_187 = arith.constant 1 : i32
      %add3A_188 = arith.addi %squeeze3A_180, %add3A_187 : i32
      %shift_right_logical3A_189 = arith.constant 4 : i32
      %shift_right_logical3A_190 = arith.shrui %add3A_188, %shift_right_logical3A_189 : i32
      %add3A_191 = arith.constant 1 : i32
      %add3A_192 = arith.addi %shift_right_logical3A_190, %add3A_191 : i32
      %parallel_loop3A_193 = arith.constant 0 : i32
      %parallel_loop3A_194 = arith.constant 1 : i32
      scf.for %parallel_loop3A_538 = %parallel_loop3A_193 to %add3A_192 step %parallel_loop3A_194  : i32 {
        %parallel_loop3A_539 = arith.constant 16 : i32
        %parallel_loop3A_540 = arith.muli %parallel_loop3A_538, %parallel_loop3A_539 : i32
        %parallel_loop3A_541 = arith.addi %sub3A_184, %parallel_loop3A_540 : i32
        %parallel_loop3A_542 = arith.index_cast %parallel_loop3A_541 : i32 to index
        %parallel_loop3A_543 = tpu.vector_load %arg6[%parallel_loop3A_542] {strides = array<i32>} : memref<16064xi32, #tpu.memory_space<vmem>>, vector<16xi32>,
        %parallel_loop3A_544 = arith.constant 0 : i32
        %parallel_loop3A_545 = vector.broadcast %parallel_loop3A_544 : i32 to vector<16xi32>
        %parallel_loop3A_546 = arith.cmpi eq, %parallel_loop3A_543, %parallel_loop3A_545 : vector<16xi32>
        %parallel_loop3A_547 = arith.constant 32001 : i32
        %parallel_loop3A_548 = vector.broadcast %parallel_loop3A_547 : i32 to vector<16xi32>
        %parallel_loop3A_549 = arith.select %parallel_loop3A_546, %parallel_loop3A_548, %parallel_loop3A_543 : vector<16xi1>, vector<16xi32>
        %parallel_loop3A_550 = vector.broadcast %parallel_loop3A_540 : i32 to vector<16xi32>
        %parallel_loop3A_551 = arith.addi %parallel_loop3A_550, %iota3A : vector<16xi32>
        %parallel_loop3A_552 = vector.broadcast %squeeze3A_180 : i32 to vector<16xi32>
        %parallel_loop3A_553 = arith.cmpi sle, %parallel_loop3A_551, %parallel_loop3A_552 : vector<16xi32>
        %parallel_loop3A_554 = arith.constant 0 : i32
        %parallel_loop3A_555 = vector.broadcast %parallel_loop3A_554 : i32 to vector<16xi32>
        %parallel_loop3A_556 = arith.select %parallel_loop3A_553, %parallel_loop3A_549, %parallel_loop3A_555 : vector<16xi1>, vector<16xi32>
        %parallel_loop3A_557 = arith.addi %add3A_186, %parallel_loop3A_540 : i32
        %parallel_loop3A_558 = arith.index_cast %parallel_loop3A_557 : i32 to index
        %parallel_loop3A_559 = tpu.vector_load %arg7[%parallel_loop3A_558] {strides = array<i32>} : memref<16384xi32, #tpu.memory_space<vmem>>, vector<16xi32>,
        tpu.vector_store %arg7[%parallel_loop3A_558], %parallel_loop3A_556 {strides = array<i32>} : memref<16384xi32, #tpu.memory_space<vmem>>, vector<16xi32>,
      } {sc.loop_unroll_factor = 4 : i64, sc.parallel_access}
      %parallel_loop3A_195 = arith.constant 32 : i32
      %parallel_loop3A_196 = arith.constant 1 : i32
      scf.for %parallel_loop3A_538 = %add3A_192 to %parallel_loop3A_195 step %parallel_loop3A_196  : i32 {
        %parallel_loop3A_539 = arith.constant 16 : i32
        %parallel_loop3A_540 = arith.muli %parallel_loop3A_538, %parallel_loop3A_539 : i32
        %parallel_loop3A_541 = arith.addi %add3A_186, %parallel_loop3A_540 : i32
        %parallel_loop3A_542 = arith.index_cast %parallel_loop3A_541 : i32 to index
        %parallel_loop3A_543 = tpu.vector_load %arg7[%parallel_loop3A_542] {strides = array<i32>} : memref<16384xi32, #tpu.memory_space<vmem>>, vector<16xi32>,
        tpu.vector_store %arg7[%parallel_loop3A_542], %broadcast_in_dim3A_10 {strides = array<i32>} : memref<16384xi32, #tpu.memory_space<vmem>>, vector<16xi32>,
      } {sc.loop_unroll_factor = 4 : i64, sc.parallel_access}
      %eq3A_197 = arith.constant 0 : i32
      %eq3A_198 = vector.broadcast %eq3A_197 : i32 to vector<16xi32>
      %eq3A_199 = arith.cmpi eq, %iota3A, %eq3A_198 : vector<16xi32>
      %add3A_200 = arith.constant 1 : i32
      %add3A_201 = arith.addi %squeeze3A_180, %add3A_200 : i32
      %jit3A_202 = arith.constant 0 : i32
      %broadcast_in_dim3A_203 = vector.broadcast %jit3A_202 : i32 to vector<16xi32>
      %broadcast_in_dim3A_204 = vector.broadcast %add3A_201 : i32 to vector<16xi32>
      %select_n3A_205 = arith.select %eq3A_199, %broadcast_in_dim3A_203, %broadcast_in_dim3A_204 : vector<16xi1>, vector<16xi32>
      %add3A_206 = vector.broadcast %add3A_186 : i32 to vector<16xi32>
      %add3A_207 = arith.addi %add3A_206, %select_n3A_205 : vector<16xi32>
      tpu.vector_store_idx %arg7[%add3A_207], %select_n3A masked %lt3A_8 : memref<16384xi32, #tpu.memory_space<vmem>>[vector<16xi32>], vector<16xi32>, vector<16xi1>
      %slice3A_208 = vector.extract_strided_slice %get3A_61 {offsets = [5], sizes = [1], strides = [1]} : vector<16xi32> to vector<1xi32>
      %squeeze3A_209 = vector.extract %slice3A_208[0] : i32 from vector<1xi32>
      %add3A_210 = arith.constant 2500 : i32
      %add3A_211 = arith.addi %add3A_65, %add3A_210 : i32
      %sub3A_212 = arith.constant 1 : i32
      %sub3A_213 = arith.subi %add3A_211, %sub3A_212 : i32
      %add3A_214 = arith.constant 2560 : i32
      %add3A_215 = arith.addi %mul3A_67, %add3A_214 : i32
      %add3A_216 = arith.constant 1 : i32
      %add3A_217 = arith.addi %squeeze3A_209, %add3A_216 : i32
      %shift_right_logical3A_218 = arith.constant 4 : i32
      %shift_right_logical3A_219 = arith.shrui %add3A_217, %shift_right_logical3A_218 : i32
      %add3A_220 = arith.constant 1 : i32
      %add3A_221 = arith.addi %shift_right_logical3A_219, %add3A_220 : i32
      %parallel_loop3A_222 = arith.constant 0 : i32
      %parallel_loop3A_223 = arith.constant 1 : i32
      scf.for %parallel_loop3A_538 = %parallel_loop3A_222 to %add3A_221 step %parallel_loop3A_223  : i32 {
        %parallel_loop3A_539 = arith.constant 16 : i32
        %parallel_loop3A_540 = arith.muli %parallel_loop3A_538, %parallel_loop3A_539 : i32
        %parallel_loop3A_541 = arith.addi %sub3A_213, %parallel_loop3A_540 : i32
        %parallel_loop3A_542 = arith.index_cast %parallel_loop3A_541 : i32 to index
        %parallel_loop3A_543 = tpu.vector_load %arg6[%parallel_loop3A_542] {strides = array<i32>} : memref<16064xi32, #tpu.memory_space<vmem>>, vector<16xi32>,
        %parallel_loop3A_544 = arith.constant 0 : i32
        %parallel_loop3A_545 = vector.broadcast %parallel_loop3A_544 : i32 to vector<16xi32>
        %parallel_loop3A_546 = arith.cmpi eq, %parallel_loop3A_543, %parallel_loop3A_545 : vector<16xi32>
        %parallel_loop3A_547 = arith.constant 32001 : i32
        %parallel_loop3A_548 = vector.broadcast %parallel_loop3A_547 : i32 to vector<16xi32>
        %parallel_loop3A_549 = arith.select %parallel_loop3A_546, %parallel_loop3A_548, %parallel_loop3A_543 : vector<16xi1>, vector<16xi32>
        %parallel_loop3A_550 = vector.broadcast %parallel_loop3A_540 : i32 to vector<16xi32>
        %parallel_loop3A_551 = arith.addi %parallel_loop3A_550, %iota3A : vector<16xi32>
        %parallel_loop3A_552 = vector.broadcast %squeeze3A_209 : i32 to vector<16xi32>
        %parallel_loop3A_553 = arith.cmpi sle, %parallel_loop3A_551, %parallel_loop3A_552 : vector<16xi32>
        %parallel_loop3A_554 = arith.constant 0 : i32
        %parallel_loop3A_555 = vector.broadcast %parallel_loop3A_554 : i32 to vector<16xi32>
        %parallel_loop3A_556 = arith.select %parallel_loop3A_553, %parallel_loop3A_549, %parallel_loop3A_555 : vector<16xi1>, vector<16xi32>
        %parallel_loop3A_557 = arith.addi %add3A_215, %parallel_loop3A_540 : i32
        %parallel_loop3A_558 = arith.index_cast %parallel_loop3A_557 : i32 to index
        %parallel_loop3A_559 = tpu.vector_load %arg7[%parallel_loop3A_558] {strides = array<i32>} : memref<16384xi32, #tpu.memory_space<vmem>>, vector<16xi32>,
        tpu.vector_store %arg7[%parallel_loop3A_558], %parallel_loop3A_556 {strides = array<i32>} : memref<16384xi32, #tpu.memory_space<vmem>>, vector<16xi32>,
      } {sc.loop_unroll_factor = 4 : i64, sc.parallel_access}
      %parallel_loop3A_224 = arith.constant 32 : i32
      %parallel_loop3A_225 = arith.constant 1 : i32
      scf.for %parallel_loop3A_538 = %add3A_221 to %parallel_loop3A_224 step %parallel_loop3A_225  : i32 {
        %parallel_loop3A_539 = arith.constant 16 : i32
        %parallel_loop3A_540 = arith.muli %parallel_loop3A_538, %parallel_loop3A_539 : i32
        %parallel_loop3A_541 = arith.addi %add3A_215, %parallel_loop3A_540 : i32
        %parallel_loop3A_542 = arith.index_cast %parallel_loop3A_541 : i32 to index
        %parallel_loop3A_543 = tpu.vector_load %arg7[%parallel_loop3A_542] {strides = array<i32>} : memref<16384xi32, #tpu.memory_space<vmem>>, vector<16xi32>,
        tpu.vector_store %arg7[%parallel_loop3A_542], %broadcast_in_dim3A_10 {strides = array<i32>} : memref<16384xi32, #tpu.memory_space<vmem>>, vector<16xi32>,
      } {sc.loop_unroll_factor = 4 : i64, sc.parallel_access}
      %eq3A_226 = arith.constant 0 : i32
      %eq3A_227 = vector.broadcast %eq3A_226 : i32 to vector<16xi32>
      %eq3A_228 = arith.cmpi eq, %iota3A, %eq3A_227 : vector<16xi32>
      %add3A_229 = arith.constant 1 : i32
      %add3A_230 = arith.addi %squeeze3A_209, %add3A_229 : i32
      %jit3A_231 = arith.constant 0 : i32
      %broadcast_in_dim3A_232 = vector.broadcast %jit3A_231 : i32 to vector<16xi32>
      %broadcast_in_dim3A_233 = vector.broadcast %add3A_230 : i32 to vector<16xi32>
      %select_n3A_234 = arith.select %eq3A_228, %broadcast_in_dim3A_232, %broadcast_in_dim3A_233 : vector<16xi1>, vector<16xi32>
      %add3A_235 = vector.broadcast %add3A_215 : i32 to vector<16xi32>
      %add3A_236 = arith.addi %add3A_235, %select_n3A_234 : vector<16xi32>
      tpu.vector_store_idx %arg7[%add3A_236], %select_n3A masked %lt3A_8 : memref<16384xi32, #tpu.memory_space<vmem>>[vector<16xi32>], vector<16xi32>, vector<16xi1>
      %slice3A_237 = vector.extract_strided_slice %get3A_61 {offsets = [6], sizes = [1], strides = [1]} : vector<16xi32> to vector<1xi32>
      %squeeze3A_238 = vector.extract %slice3A_237[0] : i32 from vector<1xi32>
      %add3A_239 = arith.constant 3000 : i32
      %add3A_240 = arith.addi %add3A_65, %add3A_239 : i32
      %sub3A_241 = arith.constant 1 : i32
      %sub3A_242 = arith.subi %add3A_240, %sub3A_241 : i32
      %add3A_243 = arith.constant 3072 : i32
      %add3A_244 = arith.addi %mul3A_67, %add3A_243 : i32
      %add3A_245 = arith.constant 1 : i32
      %add3A_246 = arith.addi %squeeze3A_238, %add3A_245 : i32
      %shift_right_logical3A_247 = arith.constant 4 : i32
      %shift_right_logical3A_248 = arith.shrui %add3A_246, %shift_right_logical3A_247 : i32
      %add3A_249 = arith.constant 1 : i32
      %add3A_250 = arith.addi %shift_right_logical3A_248, %add3A_249 : i32
      %parallel_loop3A_251 = arith.constant 0 : i32
      %parallel_loop3A_252 = arith.constant 1 : i32
      scf.for %parallel_loop3A_538 = %parallel_loop3A_251 to %add3A_250 step %parallel_loop3A_252  : i32 {
        %parallel_loop3A_539 = arith.constant 16 : i32
        %parallel_loop3A_540 = arith.muli %parallel_loop3A_538, %parallel_loop3A_539 : i32
        %parallel_loop3A_541 = arith.addi %sub3A_242, %parallel_loop3A_540 : i32
        %parallel_loop3A_542 = arith.index_cast %parallel_loop3A_541 : i32 to index
        %parallel_loop3A_543 = tpu.vector_load %arg6[%parallel_loop3A_542] {strides = array<i32>} : memref<16064xi32, #tpu.memory_space<vmem>>, vector<16xi32>,
        %parallel_loop3A_544 = arith.constant 0 : i32
        %parallel_loop3A_545 = vector.broadcast %parallel_loop3A_544 : i32 to vector<16xi32>
        %parallel_loop3A_546 = arith.cmpi eq, %parallel_loop3A_543, %parallel_loop3A_545 : vector<16xi32>
        %parallel_loop3A_547 = arith.constant 32001 : i32
        %parallel_loop3A_548 = vector.broadcast %parallel_loop3A_547 : i32 to vector<16xi32>
        %parallel_loop3A_549 = arith.select %parallel_loop3A_546, %parallel_loop3A_548, %parallel_loop3A_543 : vector<16xi1>, vector<16xi32>
        %parallel_loop3A_550 = vector.broadcast %parallel_loop3A_540 : i32 to vector<16xi32>
        %parallel_loop3A_551 = arith.addi %parallel_loop3A_550, %iota3A : vector<16xi32>
        %parallel_loop3A_552 = vector.broadcast %squeeze3A_238 : i32 to vector<16xi32>
        %parallel_loop3A_553 = arith.cmpi sle, %parallel_loop3A_551, %parallel_loop3A_552 : vector<16xi32>
        %parallel_loop3A_554 = arith.constant 0 : i32
        %parallel_loop3A_555 = vector.broadcast %parallel_loop3A_554 : i32 to vector<16xi32>
        %parallel_loop3A_556 = arith.select %parallel_loop3A_553, %parallel_loop3A_549, %parallel_loop3A_555 : vector<16xi1>, vector<16xi32>
        %parallel_loop3A_557 = arith.addi %add3A_244, %parallel_loop3A_540 : i32
        %parallel_loop3A_558 = arith.index_cast %parallel_loop3A_557 : i32 to index
        %parallel_loop3A_559 = tpu.vector_load %arg7[%parallel_loop3A_558] {strides = array<i32>} : memref<16384xi32, #tpu.memory_space<vmem>>, vector<16xi32>,
        tpu.vector_store %arg7[%parallel_loop3A_558], %parallel_loop3A_556 {strides = array<i32>} : memref<16384xi32, #tpu.memory_space<vmem>>, vector<16xi32>,
      } {sc.loop_unroll_factor = 4 : i64, sc.parallel_access}
      %parallel_loop3A_253 = arith.constant 32 : i32
      %parallel_loop3A_254 = arith.constant 1 : i32
      scf.for %parallel_loop3A_538 = %add3A_250 to %parallel_loop3A_253 step %parallel_loop3A_254  : i32 {
        %parallel_loop3A_539 = arith.constant 16 : i32
        %parallel_loop3A_540 = arith.muli %parallel_loop3A_538, %parallel_loop3A_539 : i32
        %parallel_loop3A_541 = arith.addi %add3A_244, %parallel_loop3A_540 : i32
        %parallel_loop3A_542 = arith.index_cast %parallel_loop3A_541 : i32 to index
        %parallel_loop3A_543 = tpu.vector_load %arg7[%parallel_loop3A_542] {strides = array<i32>} : memref<16384xi32, #tpu.memory_space<vmem>>, vector<16xi32>,
        tpu.vector_store %arg7[%parallel_loop3A_542], %broadcast_in_dim3A_10 {strides = array<i32>} : memref<16384xi32, #tpu.memory_space<vmem>>, vector<16xi32>,
      } {sc.loop_unroll_factor = 4 : i64, sc.parallel_access}
      %eq3A_255 = arith.constant 0 : i32
      %eq3A_256 = vector.broadcast %eq3A_255 : i32 to vector<16xi32>
      %eq3A_257 = arith.cmpi eq, %iota3A, %eq3A_256 : vector<16xi32>
      %add3A_258 = arith.constant 1 : i32
      %add3A_259 = arith.addi %squeeze3A_238, %add3A_258 : i32
      %jit3A_260 = arith.constant 0 : i32
      %broadcast_in_dim3A_261 = vector.broadcast %jit3A_260 : i32 to vector<16xi32>
      %broadcast_in_dim3A_262 = vector.broadcast %add3A_259 : i32 to vector<16xi32>
      %select_n3A_263 = arith.select %eq3A_257, %broadcast_in_dim3A_261, %broadcast_in_dim3A_262 : vector<16xi1>, vector<16xi32>
      %add3A_264 = vector.broadcast %add3A_244 : i32 to vector<16xi32>
      %add3A_265 = arith.addi %add3A_264, %select_n3A_263 : vector<16xi32>
      tpu.vector_store_idx %arg7[%add3A_265], %select_n3A masked %lt3A_8 : memref<16384xi32, #tpu.memory_space<vmem>>[vector<16xi32>], vector<16xi32>, vector<16xi1>
      %slice3A_266 = vector.extract_strided_slice %get3A_61 {offsets = [7], sizes = [1], strides = [1]} : vector<16xi32> to vector<1xi32>
      %squeeze3A_267 = vector.extract %slice3A_266[0] : i32 from vector<1xi32>
      %add3A_268 = arith.constant 3500 : i32
      %add3A_269 = arith.addi %add3A_65, %add3A_268 : i32
      %sub3A_270 = arith.constant 1 : i32
      %sub3A_271 = arith.subi %add3A_269, %sub3A_270 : i32
      %add3A_272 = arith.constant 3584 : i32
      %add3A_273 = arith.addi %mul3A_67, %add3A_272 : i32
      %add3A_274 = arith.constant 1 : i32
      %add3A_275 = arith.addi %squeeze3A_267, %add3A_274 : i32
      %shift_right_logical3A_276 = arith.constant 4 : i32
      %shift_right_logical3A_277 = arith.shrui %add3A_275, %shift_right_logical3A_276 : i32
      %add3A_278 = arith.constant 1 : i32
      %add3A_279 = arith.addi %shift_right_logical3A_277, %add3A_278 : i32
      %parallel_loop3A_280 = arith.constant 0 : i32
      %parallel_loop3A_281 = arith.constant 1 : i32
      scf.for %parallel_loop3A_538 = %parallel_loop3A_280 to %add3A_279 step %parallel_loop3A_281  : i32 {
        %parallel_loop3A_539 = arith.constant 16 : i32
        %parallel_loop3A_540 = arith.muli %parallel_loop3A_538, %parallel_loop3A_539 : i32
        %parallel_loop3A_541 = arith.addi %sub3A_271, %parallel_loop3A_540 : i32
        %parallel_loop3A_542 = arith.index_cast %parallel_loop3A_541 : i32 to index
        %parallel_loop3A_543 = tpu.vector_load %arg6[%parallel_loop3A_542] {strides = array<i32>} : memref<16064xi32, #tpu.memory_space<vmem>>, vector<16xi32>,
        %parallel_loop3A_544 = arith.constant 0 : i32
        %parallel_loop3A_545 = vector.broadcast %parallel_loop3A_544 : i32 to vector<16xi32>
        %parallel_loop3A_546 = arith.cmpi eq, %parallel_loop3A_543, %parallel_loop3A_545 : vector<16xi32>
        %parallel_loop3A_547 = arith.constant 32001 : i32
        %parallel_loop3A_548 = vector.broadcast %parallel_loop3A_547 : i32 to vector<16xi32>
        %parallel_loop3A_549 = arith.select %parallel_loop3A_546, %parallel_loop3A_548, %parallel_loop3A_543 : vector<16xi1>, vector<16xi32>
        %parallel_loop3A_550 = vector.broadcast %parallel_loop3A_540 : i32 to vector<16xi32>
        %parallel_loop3A_551 = arith.addi %parallel_loop3A_550, %iota3A : vector<16xi32>
        %parallel_loop3A_552 = vector.broadcast %squeeze3A_267 : i32 to vector<16xi32>
        %parallel_loop3A_553 = arith.cmpi sle, %parallel_loop3A_551, %parallel_loop3A_552 : vector<16xi32>
        %parallel_loop3A_554 = arith.constant 0 : i32
        %parallel_loop3A_555 = vector.broadcast %parallel_loop3A_554 : i32 to vector<16xi32>
        %parallel_loop3A_556 = arith.select %parallel_loop3A_553, %parallel_loop3A_549, %parallel_loop3A_555 : vector<16xi1>, vector<16xi32>
        %parallel_loop3A_557 = arith.addi %add3A_273, %parallel_loop3A_540 : i32
        %parallel_loop3A_558 = arith.index_cast %parallel_loop3A_557 : i32 to index
        %parallel_loop3A_559 = tpu.vector_load %arg7[%parallel_loop3A_558] {strides = array<i32>} : memref<16384xi32, #tpu.memory_space<vmem>>, vector<16xi32>,
        tpu.vector_store %arg7[%parallel_loop3A_558], %parallel_loop3A_556 {strides = array<i32>} : memref<16384xi32, #tpu.memory_space<vmem>>, vector<16xi32>,
      } {sc.loop_unroll_factor = 4 : i64, sc.parallel_access}
      %parallel_loop3A_282 = arith.constant 32 : i32
      %parallel_loop3A_283 = arith.constant 1 : i32
      scf.for %parallel_loop3A_538 = %add3A_279 to %parallel_loop3A_282 step %parallel_loop3A_283  : i32 {
        %parallel_loop3A_539 = arith.constant 16 : i32
        %parallel_loop3A_540 = arith.muli %parallel_loop3A_538, %parallel_loop3A_539 : i32
        %parallel_loop3A_541 = arith.addi %add3A_273, %parallel_loop3A_540 : i32
        %parallel_loop3A_542 = arith.index_cast %parallel_loop3A_541 : i32 to index
        %parallel_loop3A_543 = tpu.vector_load %arg7[%parallel_loop3A_542] {strides = array<i32>} : memref<16384xi32, #tpu.memory_space<vmem>>, vector<16xi32>,
        tpu.vector_store %arg7[%parallel_loop3A_542], %broadcast_in_dim3A_10 {strides = array<i32>} : memref<16384xi32, #tpu.memory_space<vmem>>, vector<16xi32>,
      } {sc.loop_unroll_factor = 4 : i64, sc.parallel_access}
      %eq3A_284 = arith.constant 0 : i32
      %eq3A_285 = vector.broadcast %eq3A_284 : i32 to vector<16xi32>
      %eq3A_286 = arith.cmpi eq, %iota3A, %eq3A_285 : vector<16xi32>
      %add3A_287 = arith.constant 1 : i32
      %add3A_288 = arith.addi %squeeze3A_267, %add3A_287 : i32
      %jit3A_289 = arith.constant 0 : i32
      %broadcast_in_dim3A_290 = vector.broadcast %jit3A_289 : i32 to vector<16xi32>
      %broadcast_in_dim3A_291 = vector.broadcast %add3A_288 : i32 to vector<16xi32>
      %select_n3A_292 = arith.select %eq3A_286, %broadcast_in_dim3A_290, %broadcast_in_dim3A_291 : vector<16xi1>, vector<16xi32>
      %add3A_293 = vector.broadcast %add3A_273 : i32 to vector<16xi32>
      %add3A_294 = arith.addi %add3A_293, %select_n3A_292 : vector<16xi32>
      tpu.vector_store_idx %arg7[%add3A_294], %select_n3A masked %lt3A_8 : memref<16384xi32, #tpu.memory_space<vmem>>[vector<16xi32>], vector<16xi32>, vector<16xi1>
      %slice3A_295 = vector.extract_strided_slice %get3A_61 {offsets = [8], sizes = [1], strides = [1]} : vector<16xi32> to vector<1xi32>
      %squeeze3A_296 = vector.extract %slice3A_295[0] : i32 from vector<1xi32>
      %add3A_297 = arith.constant 4000 : i32
      %add3A_298 = arith.addi %add3A_65, %add3A_297 : i32
      %sub3A_299 = arith.constant 1 : i32
      %sub3A_300 = arith.subi %add3A_298, %sub3A_299 : i32
      %add3A_301 = arith.constant 4096 : i32
      %add3A_302 = arith.addi %mul3A_67, %add3A_301 : i32
      %add3A_303 = arith.constant 1 : i32
      %add3A_304 = arith.addi %squeeze3A_296, %add3A_303 : i32
      %shift_right_logical3A_305 = arith.constant 4 : i32
      %shift_right_logical3A_306 = arith.shrui %add3A_304, %shift_right_logical3A_305 : i32
      %add3A_307 = arith.constant 1 : i32
      %add3A_308 = arith.addi %shift_right_logical3A_306, %add3A_307 : i32
      %parallel_loop3A_309 = arith.constant 0 : i32
      %parallel_loop3A_310 = arith.constant 1 : i32
      scf.for %parallel_loop3A_538 = %parallel_loop3A_309 to %add3A_308 step %parallel_loop3A_310  : i32 {
        %parallel_loop3A_539 = arith.constant 16 : i32
        %parallel_loop3A_540 = arith.muli %parallel_loop3A_538, %parallel_loop3A_539 : i32
        %parallel_loop3A_541 = arith.addi %sub3A_300, %parallel_loop3A_540 : i32
        %parallel_loop3A_542 = arith.index_cast %parallel_loop3A_541 : i32 to index
        %parallel_loop3A_543 = tpu.vector_load %arg6[%parallel_loop3A_542] {strides = array<i32>} : memref<16064xi32, #tpu.memory_space<vmem>>, vector<16xi32>,
        %parallel_loop3A_544 = arith.constant 0 : i32
        %parallel_loop3A_545 = vector.broadcast %parallel_loop3A_544 : i32 to vector<16xi32>
        %parallel_loop3A_546 = arith.cmpi eq, %parallel_loop3A_543, %parallel_loop3A_545 : vector<16xi32>
        %parallel_loop3A_547 = arith.constant 32001 : i32
        %parallel_loop3A_548 = vector.broadcast %parallel_loop3A_547 : i32 to vector<16xi32>
        %parallel_loop3A_549 = arith.select %parallel_loop3A_546, %parallel_loop3A_548, %parallel_loop3A_543 : vector<16xi1>, vector<16xi32>
        %parallel_loop3A_550 = vector.broadcast %parallel_loop3A_540 : i32 to vector<16xi32>
        %parallel_loop3A_551 = arith.addi %parallel_loop3A_550, %iota3A : vector<16xi32>
        %parallel_loop3A_552 = vector.broadcast %squeeze3A_296 : i32 to vector<16xi32>
        %parallel_loop3A_553 = arith.cmpi sle, %parallel_loop3A_551, %parallel_loop3A_552 : vector<16xi32>
        %parallel_loop3A_554 = arith.constant 0 : i32
        %parallel_loop3A_555 = vector.broadcast %parallel_loop3A_554 : i32 to vector<16xi32>
        %parallel_loop3A_556 = arith.select %parallel_loop3A_553, %parallel_loop3A_549, %parallel_loop3A_555 : vector<16xi1>, vector<16xi32>
        %parallel_loop3A_557 = arith.addi %add3A_302, %parallel_loop3A_540 : i32
        %parallel_loop3A_558 = arith.index_cast %parallel_loop3A_557 : i32 to index
        %parallel_loop3A_559 = tpu.vector_load %arg7[%parallel_loop3A_558] {strides = array<i32>} : memref<16384xi32, #tpu.memory_space<vmem>>, vector<16xi32>,
        tpu.vector_store %arg7[%parallel_loop3A_558], %parallel_loop3A_556 {strides = array<i32>} : memref<16384xi32, #tpu.memory_space<vmem>>, vector<16xi32>,
      } {sc.loop_unroll_factor = 4 : i64, sc.parallel_access}
      %parallel_loop3A_311 = arith.constant 32 : i32
      %parallel_loop3A_312 = arith.constant 1 : i32
      scf.for %parallel_loop3A_538 = %add3A_308 to %parallel_loop3A_311 step %parallel_loop3A_312  : i32 {
        %parallel_loop3A_539 = arith.constant 16 : i32
        %parallel_loop3A_540 = arith.muli %parallel_loop3A_538, %parallel_loop3A_539 : i32
        %parallel_loop3A_541 = arith.addi %add3A_302, %parallel_loop3A_540 : i32
        %parallel_loop3A_542 = arith.index_cast %parallel_loop3A_541 : i32 to index
        %parallel_loop3A_543 = tpu.vector_load %arg7[%parallel_loop3A_542] {strides = array<i32>} : memref<16384xi32, #tpu.memory_space<vmem>>, vector<16xi32>,
        tpu.vector_store %arg7[%parallel_loop3A_542], %broadcast_in_dim3A_10 {strides = array<i32>} : memref<16384xi32, #tpu.memory_space<vmem>>, vector<16xi32>,
      } {sc.loop_unroll_factor = 4 : i64, sc.parallel_access}
      %eq3A_313 = arith.constant 0 : i32
      %eq3A_314 = vector.broadcast %eq3A_313 : i32 to vector<16xi32>
      %eq3A_315 = arith.cmpi eq, %iota3A, %eq3A_314 : vector<16xi32>
      %add3A_316 = arith.constant 1 : i32
      %add3A_317 = arith.addi %squeeze3A_296, %add3A_316 : i32
      %jit3A_318 = arith.constant 0 : i32
      %broadcast_in_dim3A_319 = vector.broadcast %jit3A_318 : i32 to vector<16xi32>
      %broadcast_in_dim3A_320 = vector.broadcast %add3A_317 : i32 to vector<16xi32>
      %select_n3A_321 = arith.select %eq3A_315, %broadcast_in_dim3A_319, %broadcast_in_dim3A_320 : vector<16xi1>, vector<16xi32>
      %add3A_322 = vector.broadcast %add3A_302 : i32 to vector<16xi32>
      %add3A_323 = arith.addi %add3A_322, %select_n3A_321 : vector<16xi32>
      tpu.vector_store_idx %arg7[%add3A_323], %select_n3A masked %lt3A_8 : memref<16384xi32, #tpu.memory_space<vmem>>[vector<16xi32>], vector<16xi32>, vector<16xi1>
      %slice3A_324 = vector.extract_strided_slice %get3A_61 {offsets = [9], sizes = [1], strides = [1]} : vector<16xi32> to vector<1xi32>
      %squeeze3A_325 = vector.extract %slice3A_324[0] : i32 from vector<1xi32>
      %add3A_326 = arith.constant 4500 : i32
      %add3A_327 = arith.addi %add3A_65, %add3A_326 : i32
      %sub3A_328 = arith.constant 1 : i32
      %sub3A_329 = arith.subi %add3A_327, %sub3A_328 : i32
      %add3A_330 = arith.constant 4608 : i32
      %add3A_331 = arith.addi %mul3A_67, %add3A_330 : i32
      %add3A_332 = arith.constant 1 : i32
      %add3A_333 = arith.addi %squeeze3A_325, %add3A_332 : i32
      %shift_right_logical3A_334 = arith.constant 4 : i32
      %shift_right_logical3A_335 = arith.shrui %add3A_333, %shift_right_logical3A_334 : i32
      %add3A_336 = arith.constant 1 : i32
      %add3A_337 = arith.addi %shift_right_logical3A_335, %add3A_336 : i32
      %parallel_loop3A_338 = arith.constant 0 : i32
      %parallel_loop3A_339 = arith.constant 1 : i32
      scf.for %parallel_loop3A_538 = %parallel_loop3A_338 to %add3A_337 step %parallel_loop3A_339  : i32 {
        %parallel_loop3A_539 = arith.constant 16 : i32
        %parallel_loop3A_540 = arith.muli %parallel_loop3A_538, %parallel_loop3A_539 : i32
        %parallel_loop3A_541 = arith.addi %sub3A_329, %parallel_loop3A_540 : i32
        %parallel_loop3A_542 = arith.index_cast %parallel_loop3A_541 : i32 to index
        %parallel_loop3A_543 = tpu.vector_load %arg6[%parallel_loop3A_542] {strides = array<i32>} : memref<16064xi32, #tpu.memory_space<vmem>>, vector<16xi32>,
        %parallel_loop3A_544 = arith.constant 0 : i32
        %parallel_loop3A_545 = vector.broadcast %parallel_loop3A_544 : i32 to vector<16xi32>
        %parallel_loop3A_546 = arith.cmpi eq, %parallel_loop3A_543, %parallel_loop3A_545 : vector<16xi32>
        %parallel_loop3A_547 = arith.constant 32001 : i32
        %parallel_loop3A_548 = vector.broadcast %parallel_loop3A_547 : i32 to vector<16xi32>
        %parallel_loop3A_549 = arith.select %parallel_loop3A_546, %parallel_loop3A_548, %parallel_loop3A_543 : vector<16xi1>, vector<16xi32>
        %parallel_loop3A_550 = vector.broadcast %parallel_loop3A_540 : i32 to vector<16xi32>
        %parallel_loop3A_551 = arith.addi %parallel_loop3A_550, %iota3A : vector<16xi32>
        %parallel_loop3A_552 = vector.broadcast %squeeze3A_325 : i32 to vector<16xi32>
        %parallel_loop3A_553 = arith.cmpi sle, %parallel_loop3A_551, %parallel_loop3A_552 : vector<16xi32>
        %parallel_loop3A_554 = arith.constant 0 : i32
        %parallel_loop3A_555 = vector.broadcast %parallel_loop3A_554 : i32 to vector<16xi32>
        %parallel_loop3A_556 = arith.select %parallel_loop3A_553, %parallel_loop3A_549, %parallel_loop3A_555 : vector<16xi1>, vector<16xi32>
        %parallel_loop3A_557 = arith.addi %add3A_331, %parallel_loop3A_540 : i32
        %parallel_loop3A_558 = arith.index_cast %parallel_loop3A_557 : i32 to index
        %parallel_loop3A_559 = tpu.vector_load %arg7[%parallel_loop3A_558] {strides = array<i32>} : memref<16384xi32, #tpu.memory_space<vmem>>, vector<16xi32>,
        tpu.vector_store %arg7[%parallel_loop3A_558], %parallel_loop3A_556 {strides = array<i32>} : memref<16384xi32, #tpu.memory_space<vmem>>, vector<16xi32>,
      } {sc.loop_unroll_factor = 4 : i64, sc.parallel_access}
      %parallel_loop3A_340 = arith.constant 32 : i32
      %parallel_loop3A_341 = arith.constant 1 : i32
      scf.for %parallel_loop3A_538 = %add3A_337 to %parallel_loop3A_340 step %parallel_loop3A_341  : i32 {
        %parallel_loop3A_539 = arith.constant 16 : i32
        %parallel_loop3A_540 = arith.muli %parallel_loop3A_538, %parallel_loop3A_539 : i32
        %parallel_loop3A_541 = arith.addi %add3A_331, %parallel_loop3A_540 : i32
        %parallel_loop3A_542 = arith.index_cast %parallel_loop3A_541 : i32 to index
        %parallel_loop3A_543 = tpu.vector_load %arg7[%parallel_loop3A_542] {strides = array<i32>} : memref<16384xi32, #tpu.memory_space<vmem>>, vector<16xi32>,
        tpu.vector_store %arg7[%parallel_loop3A_542], %broadcast_in_dim3A_10 {strides = array<i32>} : memref<16384xi32, #tpu.memory_space<vmem>>, vector<16xi32>,
      } {sc.loop_unroll_factor = 4 : i64, sc.parallel_access}
      %eq3A_342 = arith.constant 0 : i32
      %eq3A_343 = vector.broadcast %eq3A_342 : i32 to vector<16xi32>
      %eq3A_344 = arith.cmpi eq, %iota3A, %eq3A_343 : vector<16xi32>
      %add3A_345 = arith.constant 1 : i32
      %add3A_346 = arith.addi %squeeze3A_325, %add3A_345 : i32
      %jit3A_347 = arith.constant 0 : i32
      %broadcast_in_dim3A_348 = vector.broadcast %jit3A_347 : i32 to vector<16xi32>
      %broadcast_in_dim3A_349 = vector.broadcast %add3A_346 : i32 to vector<16xi32>
      %select_n3A_350 = arith.select %eq3A_344, %broadcast_in_dim3A_348, %broadcast_in_dim3A_349 : vector<16xi1>, vector<16xi32>
      %add3A_351 = vector.broadcast %add3A_331 : i32 to vector<16xi32>
      %add3A_352 = arith.addi %add3A_351, %select_n3A_350 : vector<16xi32>
      tpu.vector_store_idx %arg7[%add3A_352], %select_n3A masked %lt3A_8 : memref<16384xi32, #tpu.memory_space<vmem>>[vector<16xi32>], vector<16xi32>, vector<16xi1>
      %slice3A_353 = vector.extract_strided_slice %get3A_61 {offsets = [10], sizes = [1], strides = [1]} : vector<16xi32> to vector<1xi32>
      %squeeze3A_354 = vector.extract %slice3A_353[0] : i32 from vector<1xi32>
      %add3A_355 = arith.constant 5000 : i32
      %add3A_356 = arith.addi %add3A_65, %add3A_355 : i32
      %sub3A_357 = arith.constant 1 : i32
      %sub3A_358 = arith.subi %add3A_356, %sub3A_357 : i32
      %add3A_359 = arith.constant 5120 : i32
      %add3A_360 = arith.addi %mul3A_67, %add3A_359 : i32
      %add3A_361 = arith.constant 1 : i32
      %add3A_362 = arith.addi %squeeze3A_354, %add3A_361 : i32
      %shift_right_logical3A_363 = arith.constant 4 : i32
      %shift_right_logical3A_364 = arith.shrui %add3A_362, %shift_right_logical3A_363 : i32
      %add3A_365 = arith.constant 1 : i32
      %add3A_366 = arith.addi %shift_right_logical3A_364, %add3A_365 : i32
      %parallel_loop3A_367 = arith.constant 0 : i32
      %parallel_loop3A_368 = arith.constant 1 : i32
      scf.for %parallel_loop3A_538 = %parallel_loop3A_367 to %add3A_366 step %parallel_loop3A_368  : i32 {
        %parallel_loop3A_539 = arith.constant 16 : i32
        %parallel_loop3A_540 = arith.muli %parallel_loop3A_538, %parallel_loop3A_539 : i32
        %parallel_loop3A_541 = arith.addi %sub3A_358, %parallel_loop3A_540 : i32
        %parallel_loop3A_542 = arith.index_cast %parallel_loop3A_541 : i32 to index
        %parallel_loop3A_543 = tpu.vector_load %arg6[%parallel_loop3A_542] {strides = array<i32>} : memref<16064xi32, #tpu.memory_space<vmem>>, vector<16xi32>,
        %parallel_loop3A_544 = arith.constant 0 : i32
        %parallel_loop3A_545 = vector.broadcast %parallel_loop3A_544 : i32 to vector<16xi32>
        %parallel_loop3A_546 = arith.cmpi eq, %parallel_loop3A_543, %parallel_loop3A_545 : vector<16xi32>
        %parallel_loop3A_547 = arith.constant 32001 : i32
        %parallel_loop3A_548 = vector.broadcast %parallel_loop3A_547 : i32 to vector<16xi32>
        %parallel_loop3A_549 = arith.select %parallel_loop3A_546, %parallel_loop3A_548, %parallel_loop3A_543 : vector<16xi1>, vector<16xi32>
        %parallel_loop3A_550 = vector.broadcast %parallel_loop3A_540 : i32 to vector<16xi32>
        %parallel_loop3A_551 = arith.addi %parallel_loop3A_550, %iota3A : vector<16xi32>
        %parallel_loop3A_552 = vector.broadcast %squeeze3A_354 : i32 to vector<16xi32>
        %parallel_loop3A_553 = arith.cmpi sle, %parallel_loop3A_551, %parallel_loop3A_552 : vector<16xi32>
        %parallel_loop3A_554 = arith.constant 0 : i32
        %parallel_loop3A_555 = vector.broadcast %parallel_loop3A_554 : i32 to vector<16xi32>
        %parallel_loop3A_556 = arith.select %parallel_loop3A_553, %parallel_loop3A_549, %parallel_loop3A_555 : vector<16xi1>, vector<16xi32>
        %parallel_loop3A_557 = arith.addi %add3A_360, %parallel_loop3A_540 : i32
        %parallel_loop3A_558 = arith.index_cast %parallel_loop3A_557 : i32 to index
        %parallel_loop3A_559 = tpu.vector_load %arg7[%parallel_loop3A_558] {strides = array<i32>} : memref<16384xi32, #tpu.memory_space<vmem>>, vector<16xi32>,
        tpu.vector_store %arg7[%parallel_loop3A_558], %parallel_loop3A_556 {strides = array<i32>} : memref<16384xi32, #tpu.memory_space<vmem>>, vector<16xi32>,
      } {sc.loop_unroll_factor = 4 : i64, sc.parallel_access}
      %parallel_loop3A_369 = arith.constant 32 : i32
      %parallel_loop3A_370 = arith.constant 1 : i32
      scf.for %parallel_loop3A_538 = %add3A_366 to %parallel_loop3A_369 step %parallel_loop3A_370  : i32 {
        %parallel_loop3A_539 = arith.constant 16 : i32
        %parallel_loop3A_540 = arith.muli %parallel_loop3A_538, %parallel_loop3A_539 : i32
        %parallel_loop3A_541 = arith.addi %add3A_360, %parallel_loop3A_540 : i32
        %parallel_loop3A_542 = arith.index_cast %parallel_loop3A_541 : i32 to index
        %parallel_loop3A_543 = tpu.vector_load %arg7[%parallel_loop3A_542] {strides = array<i32>} : memref<16384xi32, #tpu.memory_space<vmem>>, vector<16xi32>,
        tpu.vector_store %arg7[%parallel_loop3A_542], %broadcast_in_dim3A_10 {strides = array<i32>} : memref<16384xi32, #tpu.memory_space<vmem>>, vector<16xi32>,
      } {sc.loop_unroll_factor = 4 : i64, sc.parallel_access}
      %eq3A_371 = arith.constant 0 : i32
      %eq3A_372 = vector.broadcast %eq3A_371 : i32 to vector<16xi32>
      %eq3A_373 = arith.cmpi eq, %iota3A, %eq3A_372 : vector<16xi32>
      %add3A_374 = arith.constant 1 : i32
      %add3A_375 = arith.addi %squeeze3A_354, %add3A_374 : i32
      %jit3A_376 = arith.constant 0 : i32
      %broadcast_in_dim3A_377 = vector.broadcast %jit3A_376 : i32 to vector<16xi32>
      %broadcast_in_dim3A_378 = vector.broadcast %add3A_375 : i32 to vector<16xi32>
      %select_n3A_379 = arith.select %eq3A_373, %broadcast_in_dim3A_377, %broadcast_in_dim3A_378 : vector<16xi1>, vector<16xi32>
      %add3A_380 = vector.broadcast %add3A_360 : i32 to vector<16xi32>
      %add3A_381 = arith.addi %add3A_380, %select_n3A_379 : vector<16xi32>
      tpu.vector_store_idx %arg7[%add3A_381], %select_n3A masked %lt3A_8 : memref<16384xi32, #tpu.memory_space<vmem>>[vector<16xi32>], vector<16xi32>, vector<16xi1>
      %slice3A_382 = vector.extract_strided_slice %get3A_61 {offsets = [11], sizes = [1], strides = [1]} : vector<16xi32> to vector<1xi32>
      %squeeze3A_383 = vector.extract %slice3A_382[0] : i32 from vector<1xi32>
      %add3A_384 = arith.constant 5500 : i32
      %add3A_385 = arith.addi %add3A_65, %add3A_384 : i32
      %sub3A_386 = arith.constant 1 : i32
      %sub3A_387 = arith.subi %add3A_385, %sub3A_386 : i32
      %add3A_388 = arith.constant 5632 : i32
      %add3A_389 = arith.addi %mul3A_67, %add3A_388 : i32
      %add3A_390 = arith.constant 1 : i32
      %add3A_391 = arith.addi %squeeze3A_383, %add3A_390 : i32
      %shift_right_logical3A_392 = arith.constant 4 : i32
      %shift_right_logical3A_393 = arith.shrui %add3A_391, %shift_right_logical3A_392 : i32
      %add3A_394 = arith.constant 1 : i32
      %add3A_395 = arith.addi %shift_right_logical3A_393, %add3A_394 : i32
      %parallel_loop3A_396 = arith.constant 0 : i32
      %parallel_loop3A_397 = arith.constant 1 : i32
      scf.for %parallel_loop3A_538 = %parallel_loop3A_396 to %add3A_395 step %parallel_loop3A_397  : i32 {
        %parallel_loop3A_539 = arith.constant 16 : i32
        %parallel_loop3A_540 = arith.muli %parallel_loop3A_538, %parallel_loop3A_539 : i32
        %parallel_loop3A_541 = arith.addi %sub3A_387, %parallel_loop3A_540 : i32
        %parallel_loop3A_542 = arith.index_cast %parallel_loop3A_541 : i32 to index
        %parallel_loop3A_543 = tpu.vector_load %arg6[%parallel_loop3A_542] {strides = array<i32>} : memref<16064xi32, #tpu.memory_space<vmem>>, vector<16xi32>,
        %parallel_loop3A_544 = arith.constant 0 : i32
        %parallel_loop3A_545 = vector.broadcast %parallel_loop3A_544 : i32 to vector<16xi32>
        %parallel_loop3A_546 = arith.cmpi eq, %parallel_loop3A_543, %parallel_loop3A_545 : vector<16xi32>
        %parallel_loop3A_547 = arith.constant 32001 : i32
        %parallel_loop3A_548 = vector.broadcast %parallel_loop3A_547 : i32 to vector<16xi32>
        %parallel_loop3A_549 = arith.select %parallel_loop3A_546, %parallel_loop3A_548, %parallel_loop3A_543 : vector<16xi1>, vector<16xi32>
        %parallel_loop3A_550 = vector.broadcast %parallel_loop3A_540 : i32 to vector<16xi32>
        %parallel_loop3A_551 = arith.addi %parallel_loop3A_550, %iota3A : vector<16xi32>
        %parallel_loop3A_552 = vector.broadcast %squeeze3A_383 : i32 to vector<16xi32>
        %parallel_loop3A_553 = arith.cmpi sle, %parallel_loop3A_551, %parallel_loop3A_552 : vector<16xi32>
        %parallel_loop3A_554 = arith.constant 0 : i32
        %parallel_loop3A_555 = vector.broadcast %parallel_loop3A_554 : i32 to vector<16xi32>
        %parallel_loop3A_556 = arith.select %parallel_loop3A_553, %parallel_loop3A_549, %parallel_loop3A_555 : vector<16xi1>, vector<16xi32>
        %parallel_loop3A_557 = arith.addi %add3A_389, %parallel_loop3A_540 : i32
        %parallel_loop3A_558 = arith.index_cast %parallel_loop3A_557 : i32 to index
        %parallel_loop3A_559 = tpu.vector_load %arg7[%parallel_loop3A_558] {strides = array<i32>} : memref<16384xi32, #tpu.memory_space<vmem>>, vector<16xi32>,
        tpu.vector_store %arg7[%parallel_loop3A_558], %parallel_loop3A_556 {strides = array<i32>} : memref<16384xi32, #tpu.memory_space<vmem>>, vector<16xi32>,
      } {sc.loop_unroll_factor = 4 : i64, sc.parallel_access}
      %parallel_loop3A_398 = arith.constant 32 : i32
      %parallel_loop3A_399 = arith.constant 1 : i32
      scf.for %parallel_loop3A_538 = %add3A_395 to %parallel_loop3A_398 step %parallel_loop3A_399  : i32 {
        %parallel_loop3A_539 = arith.constant 16 : i32
        %parallel_loop3A_540 = arith.muli %parallel_loop3A_538, %parallel_loop3A_539 : i32
        %parallel_loop3A_541 = arith.addi %add3A_389, %parallel_loop3A_540 : i32
        %parallel_loop3A_542 = arith.index_cast %parallel_loop3A_541 : i32 to index
        %parallel_loop3A_543 = tpu.vector_load %arg7[%parallel_loop3A_542] {strides = array<i32>} : memref<16384xi32, #tpu.memory_space<vmem>>, vector<16xi32>,
        tpu.vector_store %arg7[%parallel_loop3A_542], %broadcast_in_dim3A_10 {strides = array<i32>} : memref<16384xi32, #tpu.memory_space<vmem>>, vector<16xi32>,
      } {sc.loop_unroll_factor = 4 : i64, sc.parallel_access}
      %eq3A_400 = arith.constant 0 : i32
      %eq3A_401 = vector.broadcast %eq3A_400 : i32 to vector<16xi32>
      %eq3A_402 = arith.cmpi eq, %iota3A, %eq3A_401 : vector<16xi32>
      %add3A_403 = arith.constant 1 : i32
      %add3A_404 = arith.addi %squeeze3A_383, %add3A_403 : i32
      %jit3A_405 = arith.constant 0 : i32
      %broadcast_in_dim3A_406 = vector.broadcast %jit3A_405 : i32 to vector<16xi32>
      %broadcast_in_dim3A_407 = vector.broadcast %add3A_404 : i32 to vector<16xi32>
      %select_n3A_408 = arith.select %eq3A_402, %broadcast_in_dim3A_406, %broadcast_in_dim3A_407 : vector<16xi1>, vector<16xi32>
      %add3A_409 = vector.broadcast %add3A_389 : i32 to vector<16xi32>
      %add3A_410 = arith.addi %add3A_409, %select_n3A_408 : vector<16xi32>
      tpu.vector_store_idx %arg7[%add3A_410], %select_n3A masked %lt3A_8 : memref<16384xi32, #tpu.memory_space<vmem>>[vector<16xi32>], vector<16xi32>, vector<16xi1>
      %slice3A_411 = vector.extract_strided_slice %get3A_61 {offsets = [12], sizes = [1], strides = [1]} : vector<16xi32> to vector<1xi32>
      %squeeze3A_412 = vector.extract %slice3A_411[0] : i32 from vector<1xi32>
      %add3A_413 = arith.constant 6000 : i32
      %add3A_414 = arith.addi %add3A_65, %add3A_413 : i32
      %sub3A_415 = arith.constant 1 : i32
      %sub3A_416 = arith.subi %add3A_414, %sub3A_415 : i32
      %add3A_417 = arith.constant 6144 : i32
      %add3A_418 = arith.addi %mul3A_67, %add3A_417 : i32
      %add3A_419 = arith.constant 1 : i32
      %add3A_420 = arith.addi %squeeze3A_412, %add3A_419 : i32
      %shift_right_logical3A_421 = arith.constant 4 : i32
      %shift_right_logical3A_422 = arith.shrui %add3A_420, %shift_right_logical3A_421 : i32
      %add3A_423 = arith.constant 1 : i32
      %add3A_424 = arith.addi %shift_right_logical3A_422, %add3A_423 : i32
      %parallel_loop3A_425 = arith.constant 0 : i32
      %parallel_loop3A_426 = arith.constant 1 : i32
      scf.for %parallel_loop3A_538 = %parallel_loop3A_425 to %add3A_424 step %parallel_loop3A_426  : i32 {
        %parallel_loop3A_539 = arith.constant 16 : i32
        %parallel_loop3A_540 = arith.muli %parallel_loop3A_538, %parallel_loop3A_539 : i32
        %parallel_loop3A_541 = arith.addi %sub3A_416, %parallel_loop3A_540 : i32
        %parallel_loop3A_542 = arith.index_cast %parallel_loop3A_541 : i32 to index
        %parallel_loop3A_543 = tpu.vector_load %arg6[%parallel_loop3A_542] {strides = array<i32>} : memref<16064xi32, #tpu.memory_space<vmem>>, vector<16xi32>,
        %parallel_loop3A_544 = arith.constant 0 : i32
        %parallel_loop3A_545 = vector.broadcast %parallel_loop3A_544 : i32 to vector<16xi32>
        %parallel_loop3A_546 = arith.cmpi eq, %parallel_loop3A_543, %parallel_loop3A_545 : vector<16xi32>
        %parallel_loop3A_547 = arith.constant 32001 : i32
        %parallel_loop3A_548 = vector.broadcast %parallel_loop3A_547 : i32 to vector<16xi32>
        %parallel_loop3A_549 = arith.select %parallel_loop3A_546, %parallel_loop3A_548, %parallel_loop3A_543 : vector<16xi1>, vector<16xi32>
        %parallel_loop3A_550 = vector.broadcast %parallel_loop3A_540 : i32 to vector<16xi32>
        %parallel_loop3A_551 = arith.addi %parallel_loop3A_550, %iota3A : vector<16xi32>
        %parallel_loop3A_552 = vector.broadcast %squeeze3A_412 : i32 to vector<16xi32>
        %parallel_loop3A_553 = arith.cmpi sle, %parallel_loop3A_551, %parallel_loop3A_552 : vector<16xi32>
        %parallel_loop3A_554 = arith.constant 0 : i32
        %parallel_loop3A_555 = vector.broadcast %parallel_loop3A_554 : i32 to vector<16xi32>
        %parallel_loop3A_556 = arith.select %parallel_loop3A_553, %parallel_loop3A_549, %parallel_loop3A_555 : vector<16xi1>, vector<16xi32>
        %parallel_loop3A_557 = arith.addi %add3A_418, %parallel_loop3A_540 : i32
        %parallel_loop3A_558 = arith.index_cast %parallel_loop3A_557 : i32 to index
        %parallel_loop3A_559 = tpu.vector_load %arg7[%parallel_loop3A_558] {strides = array<i32>} : memref<16384xi32, #tpu.memory_space<vmem>>, vector<16xi32>,
        tpu.vector_store %arg7[%parallel_loop3A_558], %parallel_loop3A_556 {strides = array<i32>} : memref<16384xi32, #tpu.memory_space<vmem>>, vector<16xi32>,
      } {sc.loop_unroll_factor = 4 : i64, sc.parallel_access}
      %parallel_loop3A_427 = arith.constant 32 : i32
      %parallel_loop3A_428 = arith.constant 1 : i32
      scf.for %parallel_loop3A_538 = %add3A_424 to %parallel_loop3A_427 step %parallel_loop3A_428  : i32 {
        %parallel_loop3A_539 = arith.constant 16 : i32
        %parallel_loop3A_540 = arith.muli %parallel_loop3A_538, %parallel_loop3A_539 : i32
        %parallel_loop3A_541 = arith.addi %add3A_418, %parallel_loop3A_540 : i32
        %parallel_loop3A_542 = arith.index_cast %parallel_loop3A_541 : i32 to index
        %parallel_loop3A_543 = tpu.vector_load %arg7[%parallel_loop3A_542] {strides = array<i32>} : memref<16384xi32, #tpu.memory_space<vmem>>, vector<16xi32>,
        tpu.vector_store %arg7[%parallel_loop3A_542], %broadcast_in_dim3A_10 {strides = array<i32>} : memref<16384xi32, #tpu.memory_space<vmem>>, vector<16xi32>,
      } {sc.loop_unroll_factor = 4 : i64, sc.parallel_access}
      %eq3A_429 = arith.constant 0 : i32
      %eq3A_430 = vector.broadcast %eq3A_429 : i32 to vector<16xi32>
      %eq3A_431 = arith.cmpi eq, %iota3A, %eq3A_430 : vector<16xi32>
      %add3A_432 = arith.constant 1 : i32
      %add3A_433 = arith.addi %squeeze3A_412, %add3A_432 : i32
      %jit3A_434 = arith.constant 0 : i32
      %broadcast_in_dim3A_435 = vector.broadcast %jit3A_434 : i32 to vector<16xi32>
      %broadcast_in_dim3A_436 = vector.broadcast %add3A_433 : i32 to vector<16xi32>
      %select_n3A_437 = arith.select %eq3A_431, %broadcast_in_dim3A_435, %broadcast_in_dim3A_436 : vector<16xi1>, vector<16xi32>
      %add3A_438 = vector.broadcast %add3A_418 : i32 to vector<16xi32>
      %add3A_439 = arith.addi %add3A_438, %select_n3A_437 : vector<16xi32>
      tpu.vector_store_idx %arg7[%add3A_439], %select_n3A masked %lt3A_8 : memref<16384xi32, #tpu.memory_space<vmem>>[vector<16xi32>], vector<16xi32>, vector<16xi1>
      %slice3A_440 = vector.extract_strided_slice %get3A_61 {offsets = [13], sizes = [1], strides = [1]} : vector<16xi32> to vector<1xi32>
      %squeeze3A_441 = vector.extract %slice3A_440[0] : i32 from vector<1xi32>
      %add3A_442 = arith.constant 6500 : i32
      %add3A_443 = arith.addi %add3A_65, %add3A_442 : i32
      %sub3A_444 = arith.constant 1 : i32
      %sub3A_445 = arith.subi %add3A_443, %sub3A_444 : i32
      %add3A_446 = arith.constant 6656 : i32
      %add3A_447 = arith.addi %mul3A_67, %add3A_446 : i32
      %add3A_448 = arith.constant 1 : i32
      %add3A_449 = arith.addi %squeeze3A_441, %add3A_448 : i32
      %shift_right_logical3A_450 = arith.constant 4 : i32
      %shift_right_logical3A_451 = arith.shrui %add3A_449, %shift_right_logical3A_450 : i32
      %add3A_452 = arith.constant 1 : i32
      %add3A_453 = arith.addi %shift_right_logical3A_451, %add3A_452 : i32
      %parallel_loop3A_454 = arith.constant 0 : i32
      %parallel_loop3A_455 = arith.constant 1 : i32
      scf.for %parallel_loop3A_538 = %parallel_loop3A_454 to %add3A_453 step %parallel_loop3A_455  : i32 {
        %parallel_loop3A_539 = arith.constant 16 : i32
        %parallel_loop3A_540 = arith.muli %parallel_loop3A_538, %parallel_loop3A_539 : i32
        %parallel_loop3A_541 = arith.addi %sub3A_445, %parallel_loop3A_540 : i32
        %parallel_loop3A_542 = arith.index_cast %parallel_loop3A_541 : i32 to index
        %parallel_loop3A_543 = tpu.vector_load %arg6[%parallel_loop3A_542] {strides = array<i32>} : memref<16064xi32, #tpu.memory_space<vmem>>, vector<16xi32>,
        %parallel_loop3A_544 = arith.constant 0 : i32
        %parallel_loop3A_545 = vector.broadcast %parallel_loop3A_544 : i32 to vector<16xi32>
        %parallel_loop3A_546 = arith.cmpi eq, %parallel_loop3A_543, %parallel_loop3A_545 : vector<16xi32>
        %parallel_loop3A_547 = arith.constant 32001 : i32
        %parallel_loop3A_548 = vector.broadcast %parallel_loop3A_547 : i32 to vector<16xi32>
        %parallel_loop3A_549 = arith.select %parallel_loop3A_546, %parallel_loop3A_548, %parallel_loop3A_543 : vector<16xi1>, vector<16xi32>
        %parallel_loop3A_550 = vector.broadcast %parallel_loop3A_540 : i32 to vector<16xi32>
        %parallel_loop3A_551 = arith.addi %parallel_loop3A_550, %iota3A : vector<16xi32>
        %parallel_loop3A_552 = vector.broadcast %squeeze3A_441 : i32 to vector<16xi32>
        %parallel_loop3A_553 = arith.cmpi sle, %parallel_loop3A_551, %parallel_loop3A_552 : vector<16xi32>
        %parallel_loop3A_554 = arith.constant 0 : i32
        %parallel_loop3A_555 = vector.broadcast %parallel_loop3A_554 : i32 to vector<16xi32>
        %parallel_loop3A_556 = arith.select %parallel_loop3A_553, %parallel_loop3A_549, %parallel_loop3A_555 : vector<16xi1>, vector<16xi32>
        %parallel_loop3A_557 = arith.addi %add3A_447, %parallel_loop3A_540 : i32
        %parallel_loop3A_558 = arith.index_cast %parallel_loop3A_557 : i32 to index
        %parallel_loop3A_559 = tpu.vector_load %arg7[%parallel_loop3A_558] {strides = array<i32>} : memref<16384xi32, #tpu.memory_space<vmem>>, vector<16xi32>,
        tpu.vector_store %arg7[%parallel_loop3A_558], %parallel_loop3A_556 {strides = array<i32>} : memref<16384xi32, #tpu.memory_space<vmem>>, vector<16xi32>,
      } {sc.loop_unroll_factor = 4 : i64, sc.parallel_access}
      %parallel_loop3A_456 = arith.constant 32 : i32
      %parallel_loop3A_457 = arith.constant 1 : i32
      scf.for %parallel_loop3A_538 = %add3A_453 to %parallel_loop3A_456 step %parallel_loop3A_457  : i32 {
        %parallel_loop3A_539 = arith.constant 16 : i32
        %parallel_loop3A_540 = arith.muli %parallel_loop3A_538, %parallel_loop3A_539 : i32
        %parallel_loop3A_541 = arith.addi %add3A_447, %parallel_loop3A_540 : i32
        %parallel_loop3A_542 = arith.index_cast %parallel_loop3A_541 : i32 to index
        %parallel_loop3A_543 = tpu.vector_load %arg7[%parallel_loop3A_542] {strides = array<i32>} : memref<16384xi32, #tpu.memory_space<vmem>>, vector<16xi32>,
        tpu.vector_store %arg7[%parallel_loop3A_542], %broadcast_in_dim3A_10 {strides = array<i32>} : memref<16384xi32, #tpu.memory_space<vmem>>, vector<16xi32>,
      } {sc.loop_unroll_factor = 4 : i64, sc.parallel_access}
      %eq3A_458 = arith.constant 0 : i32
      %eq3A_459 = vector.broadcast %eq3A_458 : i32 to vector<16xi32>
      %eq3A_460 = arith.cmpi eq, %iota3A, %eq3A_459 : vector<16xi32>
      %add3A_461 = arith.constant 1 : i32
      %add3A_462 = arith.addi %squeeze3A_441, %add3A_461 : i32
      %jit3A_463 = arith.constant 0 : i32
      %broadcast_in_dim3A_464 = vector.broadcast %jit3A_463 : i32 to vector<16xi32>
      %broadcast_in_dim3A_465 = vector.broadcast %add3A_462 : i32 to vector<16xi32>
      %select_n3A_466 = arith.select %eq3A_460, %broadcast_in_dim3A_464, %broadcast_in_dim3A_465 : vector<16xi1>, vector<16xi32>
      %add3A_467 = vector.broadcast %add3A_447 : i32 to vector<16xi32>
      %add3A_468 = arith.addi %add3A_467, %select_n3A_466 : vector<16xi32>
      tpu.vector_store_idx %arg7[%add3A_468], %select_n3A masked %lt3A_8 : memref<16384xi32, #tpu.memory_space<vmem>>[vector<16xi32>], vector<16xi32>, vector<16xi1>
      %slice3A_469 = vector.extract_strided_slice %get3A_61 {offsets = [14], sizes = [1], strides = [1]} : vector<16xi32> to vector<1xi32>
      %squeeze3A_470 = vector.extract %slice3A_469[0] : i32 from vector<1xi32>
      %add3A_471 = arith.constant 7000 : i32
      %add3A_472 = arith.addi %add3A_65, %add3A_471 : i32
      %sub3A_473 = arith.constant 1 : i32
      %sub3A_474 = arith.subi %add3A_472, %sub3A_473 : i32
      %add3A_475 = arith.constant 7168 : i32
      %add3A_476 = arith.addi %mul3A_67, %add3A_475 : i32
      %add3A_477 = arith.constant 1 : i32
      %add3A_478 = arith.addi %squeeze3A_470, %add3A_477 : i32
      %shift_right_logical3A_479 = arith.constant 4 : i32
      %shift_right_logical3A_480 = arith.shrui %add3A_478, %shift_right_logical3A_479 : i32
      %add3A_481 = arith.constant 1 : i32
      %add3A_482 = arith.addi %shift_right_logical3A_480, %add3A_481 : i32
      %parallel_loop3A_483 = arith.constant 0 : i32
      %parallel_loop3A_484 = arith.constant 1 : i32
      scf.for %parallel_loop3A_538 = %parallel_loop3A_483 to %add3A_482 step %parallel_loop3A_484  : i32 {
        %parallel_loop3A_539 = arith.constant 16 : i32
        %parallel_loop3A_540 = arith.muli %parallel_loop3A_538, %parallel_loop3A_539 : i32
        %parallel_loop3A_541 = arith.addi %sub3A_474, %parallel_loop3A_540 : i32
        %parallel_loop3A_542 = arith.index_cast %parallel_loop3A_541 : i32 to index
        %parallel_loop3A_543 = tpu.vector_load %arg6[%parallel_loop3A_542] {strides = array<i32>} : memref<16064xi32, #tpu.memory_space<vmem>>, vector<16xi32>,
        %parallel_loop3A_544 = arith.constant 0 : i32
        %parallel_loop3A_545 = vector.broadcast %parallel_loop3A_544 : i32 to vector<16xi32>
        %parallel_loop3A_546 = arith.cmpi eq, %parallel_loop3A_543, %parallel_loop3A_545 : vector<16xi32>
        %parallel_loop3A_547 = arith.constant 32001 : i32
        %parallel_loop3A_548 = vector.broadcast %parallel_loop3A_547 : i32 to vector<16xi32>
        %parallel_loop3A_549 = arith.select %parallel_loop3A_546, %parallel_loop3A_548, %parallel_loop3A_543 : vector<16xi1>, vector<16xi32>
        %parallel_loop3A_550 = vector.broadcast %parallel_loop3A_540 : i32 to vector<16xi32>
        %parallel_loop3A_551 = arith.addi %parallel_loop3A_550, %iota3A : vector<16xi32>
        %parallel_loop3A_552 = vector.broadcast %squeeze3A_470 : i32 to vector<16xi32>
        %parallel_loop3A_553 = arith.cmpi sle, %parallel_loop3A_551, %parallel_loop3A_552 : vector<16xi32>
        %parallel_loop3A_554 = arith.constant 0 : i32
        %parallel_loop3A_555 = vector.broadcast %parallel_loop3A_554 : i32 to vector<16xi32>
        %parallel_loop3A_556 = arith.select %parallel_loop3A_553, %parallel_loop3A_549, %parallel_loop3A_555 : vector<16xi1>, vector<16xi32>
        %parallel_loop3A_557 = arith.addi %add3A_476, %parallel_loop3A_540 : i32
        %parallel_loop3A_558 = arith.index_cast %parallel_loop3A_557 : i32 to index
        %parallel_loop3A_559 = tpu.vector_load %arg7[%parallel_loop3A_558] {strides = array<i32>} : memref<16384xi32, #tpu.memory_space<vmem>>, vector<16xi32>,
        tpu.vector_store %arg7[%parallel_loop3A_558], %parallel_loop3A_556 {strides = array<i32>} : memref<16384xi32, #tpu.memory_space<vmem>>, vector<16xi32>,
      } {sc.loop_unroll_factor = 4 : i64, sc.parallel_access}
      %parallel_loop3A_485 = arith.constant 32 : i32
      %parallel_loop3A_486 = arith.constant 1 : i32
      scf.for %parallel_loop3A_538 = %add3A_482 to %parallel_loop3A_485 step %parallel_loop3A_486  : i32 {
        %parallel_loop3A_539 = arith.constant 16 : i32
        %parallel_loop3A_540 = arith.muli %parallel_loop3A_538, %parallel_loop3A_539 : i32
        %parallel_loop3A_541 = arith.addi %add3A_476, %parallel_loop3A_540 : i32
        %parallel_loop3A_542 = arith.index_cast %parallel_loop3A_541 : i32 to index
        %parallel_loop3A_543 = tpu.vector_load %arg7[%parallel_loop3A_542] {strides = array<i32>} : memref<16384xi32, #tpu.memory_space<vmem>>, vector<16xi32>,
        tpu.vector_store %arg7[%parallel_loop3A_542], %broadcast_in_dim3A_10 {strides = array<i32>} : memref<16384xi32, #tpu.memory_space<vmem>>, vector<16xi32>,
      } {sc.loop_unroll_factor = 4 : i64, sc.parallel_access}
      %eq3A_487 = arith.constant 0 : i32
      %eq3A_488 = vector.broadcast %eq3A_487 : i32 to vector<16xi32>
      %eq3A_489 = arith.cmpi eq, %iota3A, %eq3A_488 : vector<16xi32>
      %add3A_490 = arith.constant 1 : i32
      %add3A_491 = arith.addi %squeeze3A_470, %add3A_490 : i32
      %jit3A_492 = arith.constant 0 : i32
      %broadcast_in_dim3A_493 = vector.broadcast %jit3A_492 : i32 to vector<16xi32>
      %broadcast_in_dim3A_494 = vector.broadcast %add3A_491 : i32 to vector<16xi32>
      %select_n3A_495 = arith.select %eq3A_489, %broadcast_in_dim3A_493, %broadcast_in_dim3A_494 : vector<16xi1>, vector<16xi32>
      %add3A_496 = vector.broadcast %add3A_476 : i32 to vector<16xi32>
      %add3A_497 = arith.addi %add3A_496, %select_n3A_495 : vector<16xi32>
      tpu.vector_store_idx %arg7[%add3A_497], %select_n3A masked %lt3A_8 : memref<16384xi32, #tpu.memory_space<vmem>>[vector<16xi32>], vector<16xi32>, vector<16xi1>
      %slice3A_498 = vector.extract_strided_slice %get3A_61 {offsets = [15], sizes = [1], strides = [1]} : vector<16xi32> to vector<1xi32>
      %squeeze3A_499 = vector.extract %slice3A_498[0] : i32 from vector<1xi32>
      %add3A_500 = arith.constant 7500 : i32
      %add3A_501 = arith.addi %add3A_65, %add3A_500 : i32
      %sub3A_502 = arith.constant 1 : i32
      %sub3A_503 = arith.subi %add3A_501, %sub3A_502 : i32
      %add3A_504 = arith.constant 7680 : i32
      %add3A_505 = arith.addi %mul3A_67, %add3A_504 : i32
      %add3A_506 = arith.constant 1 : i32
      %add3A_507 = arith.addi %squeeze3A_499, %add3A_506 : i32
      %shift_right_logical3A_508 = arith.constant 4 : i32
      %shift_right_logical3A_509 = arith.shrui %add3A_507, %shift_right_logical3A_508 : i32
      %add3A_510 = arith.constant 1 : i32
      %add3A_511 = arith.addi %shift_right_logical3A_509, %add3A_510 : i32
      %parallel_loop3A_512 = arith.constant 0 : i32
      %parallel_loop3A_513 = arith.constant 1 : i32
      scf.for %parallel_loop3A_538 = %parallel_loop3A_512 to %add3A_511 step %parallel_loop3A_513  : i32 {
        %parallel_loop3A_539 = arith.constant 16 : i32
        %parallel_loop3A_540 = arith.muli %parallel_loop3A_538, %parallel_loop3A_539 : i32
        %parallel_loop3A_541 = arith.addi %sub3A_503, %parallel_loop3A_540 : i32
        %parallel_loop3A_542 = arith.index_cast %parallel_loop3A_541 : i32 to index
        %parallel_loop3A_543 = tpu.vector_load %arg6[%parallel_loop3A_542] {strides = array<i32>} : memref<16064xi32, #tpu.memory_space<vmem>>, vector<16xi32>,
        %parallel_loop3A_544 = arith.constant 0 : i32
        %parallel_loop3A_545 = vector.broadcast %parallel_loop3A_544 : i32 to vector<16xi32>
        %parallel_loop3A_546 = arith.cmpi eq, %parallel_loop3A_543, %parallel_loop3A_545 : vector<16xi32>
        %parallel_loop3A_547 = arith.constant 32001 : i32
        %parallel_loop3A_548 = vector.broadcast %parallel_loop3A_547 : i32 to vector<16xi32>
        %parallel_loop3A_549 = arith.select %parallel_loop3A_546, %parallel_loop3A_548, %parallel_loop3A_543 : vector<16xi1>, vector<16xi32>
        %parallel_loop3A_550 = vector.broadcast %parallel_loop3A_540 : i32 to vector<16xi32>
        %parallel_loop3A_551 = arith.addi %parallel_loop3A_550, %iota3A : vector<16xi32>
        %parallel_loop3A_552 = vector.broadcast %squeeze3A_499 : i32 to vector<16xi32>
        %parallel_loop3A_553 = arith.cmpi sle, %parallel_loop3A_551, %parallel_loop3A_552 : vector<16xi32>
        %parallel_loop3A_554 = arith.constant 0 : i32
        %parallel_loop3A_555 = vector.broadcast %parallel_loop3A_554 : i32 to vector<16xi32>
        %parallel_loop3A_556 = arith.select %parallel_loop3A_553, %parallel_loop3A_549, %parallel_loop3A_555 : vector<16xi1>, vector<16xi32>
        %parallel_loop3A_557 = arith.addi %add3A_505, %parallel_loop3A_540 : i32
        %parallel_loop3A_558 = arith.index_cast %parallel_loop3A_557 : i32 to index
        %parallel_loop3A_559 = tpu.vector_load %arg7[%parallel_loop3A_558] {strides = array<i32>} : memref<16384xi32, #tpu.memory_space<vmem>>, vector<16xi32>,
        tpu.vector_store %arg7[%parallel_loop3A_558], %parallel_loop3A_556 {strides = array<i32>} : memref<16384xi32, #tpu.memory_space<vmem>>, vector<16xi32>,
      } {sc.loop_unroll_factor = 4 : i64, sc.parallel_access}
      %parallel_loop3A_514 = arith.constant 32 : i32
      %parallel_loop3A_515 = arith.constant 1 : i32
      scf.for %parallel_loop3A_538 = %add3A_511 to %parallel_loop3A_514 step %parallel_loop3A_515  : i32 {
        %parallel_loop3A_539 = arith.constant 16 : i32
        %parallel_loop3A_540 = arith.muli %parallel_loop3A_538, %parallel_loop3A_539 : i32
        %parallel_loop3A_541 = arith.addi %add3A_505, %parallel_loop3A_540 : i32
        %parallel_loop3A_542 = arith.index_cast %parallel_loop3A_541 : i32 to index
        %parallel_loop3A_543 = tpu.vector_load %arg7[%parallel_loop3A_542] {strides = array<i32>} : memref<16384xi32, #tpu.memory_space<vmem>>, vector<16xi32>,
        tpu.vector_store %arg7[%parallel_loop3A_542], %broadcast_in_dim3A_10 {strides = array<i32>} : memref<16384xi32, #tpu.memory_space<vmem>>, vector<16xi32>,
      } {sc.loop_unroll_factor = 4 : i64, sc.parallel_access}
      %eq3A_516 = arith.constant 0 : i32
      %eq3A_517 = vector.broadcast %eq3A_516 : i32 to vector<16xi32>
      %eq3A_518 = arith.cmpi eq, %iota3A, %eq3A_517 : vector<16xi32>
      %add3A_519 = arith.constant 1 : i32
      %add3A_520 = arith.addi %squeeze3A_499, %add3A_519 : i32
      %jit3A_521 = arith.constant 0 : i32
      %broadcast_in_dim3A_522 = vector.broadcast %jit3A_521 : i32 to vector<16xi32>
      %broadcast_in_dim3A_523 = vector.broadcast %add3A_520 : i32 to vector<16xi32>
      %select_n3A_524 = arith.select %eq3A_518, %broadcast_in_dim3A_522, %broadcast_in_dim3A_523 : vector<16xi1>, vector<16xi32>
      %add3A_525 = vector.broadcast %add3A_505 : i32 to vector<16xi32>
      %add3A_526 = arith.addi %add3A_525, %select_n3A_524 : vector<16xi32>
      tpu.vector_store_idx %arg7[%add3A_526], %select_n3A masked %lt3A_8 : memref<16384xi32, #tpu.memory_space<vmem>>[vector<16xi32>], vector<16xi32>, vector<16xi1>
      %mul3A_527 = arith.constant 8192 : i32
      %mul3A_528 = arith.muli %rem3A_41, %mul3A_527 : i32
      %mul3A_529 = arith.constant 16 : i32
      %mul3A_530 = arith.muli %scan3A_40, %mul3A_529 : i32
      %add3A_531 = arith.addi %mul3A_2, %mul3A_530 : i32
      %mul3A_532 = arith.constant 512 : i32
      %mul3A_533 = arith.muli %add3A_531, %mul3A_532 : i32
      %dma_start3A_534 = tpu.memref_slice %arg7[%mul3A_528] : memref<16384xi32, #tpu.memory_space<vmem>> -> memref<8192xi32, #tpu.memory_space<vmem>>
      %dma_start3A_535 = tpu.memref_slice %arg4[%mul3A_533] : memref<2097152xi32, #tpu.memory_space<hbm>> -> memref<8192xi32, #tpu.memory_space<hbm>>
      %dma_start3A_536 = tpu.memref_slice %arg4[%mul3A_533] : memref<2097152xi32, #tpu.memory_space<hbm>> -> memref<8192xi32, #tpu.memory_space<hbm>>
      %dma_start3A_537 = tpu.memref_slice %arg7[%mul3A_528] : memref<16384xi32, #tpu.memory_space<vmem>> -> memref<8192xi32, #tpu.memory_space<vmem>>
      tpu.enqueue_dma source(%dma_start3A_537 : memref<8192xi32, #tpu.memory_space<vmem>>) target(%dma_start3A_536 : memref<8192xi32, #tpu.memory_space<hbm>>) target_semaphore(%arg9 : memref<!tpu.dma_semaphore, #tpu.memory_space<semaphore_mem>>)
    }
    %scan3A_24 = arith.constant 8 : i32
    %dma_wait3A = arith.constant 0 : i32
    %dma_wait3A_25 = tpu.memref_slice %arg7[%dma_wait3A] : memref<16384xi32, #tpu.memory_space<vmem>> -> memref<8192xi32, #tpu.memory_space<vmem>>
    %dma_wait3A_26 = arith.constant 0 : i32
    %dma_wait3A_27 = tpu.memref_slice %arg4[%dma_wait3A_26] : memref<2097152xi32, #tpu.memory_space<hbm>> -> memref<8192xi32, #tpu.memory_space<hbm>>
    %dma_wait3A_28 = arith.constant 0 : i32
    %dma_wait3A_29 = tpu.memref_slice %arg4[%dma_wait3A_28] : memref<2097152xi32, #tpu.memory_space<hbm>> -> memref<8192xi32, #tpu.memory_space<hbm>>
    %dma_wait3A_30 = arith.constant 0 : i32
    %dma_wait3A_31 = tpu.memref_slice %arg7[%dma_wait3A_30] : memref<16384xi32, #tpu.memory_space<vmem>> -> memref<8192xi32, #tpu.memory_space<vmem>>
    tpu.wait_dma2 semaphore(%arg9 : memref<!tpu.dma_semaphore, #tpu.memory_space<semaphore_mem>>) src(%dma_wait3A_31 : memref<8192xi32, #tpu.memory_space<vmem>>) dst(%dma_wait3A_29 : memref<8192xi32, #tpu.memory_space<hbm>>)
    %dma_wait3A_32 = arith.constant 0 : i32
    %dma_wait3A_33 = tpu.memref_slice %arg7[%dma_wait3A_32] : memref<16384xi32, #tpu.memory_space<vmem>> -> memref<8192xi32, #tpu.memory_space<vmem>>
    %dma_wait3A_34 = arith.constant 0 : i32
    %dma_wait3A_35 = tpu.memref_slice %arg4[%dma_wait3A_34] : memref<2097152xi32, #tpu.memory_space<hbm>> -> memref<8192xi32, #tpu.memory_space<hbm>>
    %dma_wait3A_36 = arith.constant 0 : i32
    %dma_wait3A_37 = tpu.memref_slice %arg4[%dma_wait3A_36] : memref<2097152xi32, #tpu.memory_space<hbm>> -> memref<8192xi32, #tpu.memory_space<hbm>>
    %dma_wait3A_38 = arith.constant 0 : i32
    %dma_wait3A_39 = tpu.memref_slice %arg7[%dma_wait3A_38] : memref<16384xi32, #tpu.memory_space<vmem>> -> memref<8192xi32, #tpu.memory_space<vmem>>
    tpu.wait_dma2 semaphore(%arg9 : memref<!tpu.dma_semaphore, #tpu.memory_space<semaphore_mem>>) src(%dma_wait3A_39 : memref<8192xi32, #tpu.memory_space<vmem>>) dst(%dma_wait3A_37 : memref<8192xi32, #tpu.memory_space<hbm>>)
    return
  }
}

</mosaic_0001>

<sc_bundles>
// kernel: kernel.3.cloned.1.call-start
scs
__scs_entry_jumppad:
0x0: {  	(pc) =	sbr.rel $0x88, $3  }
0x1: {  	(tag) =	ssettag $0x0;
	lr =	simm.s32 $0x1  }
0x2: {  	[smem:$0x3F9F] =	sst lr;
	_ =	strace $0xD0000000  }
0x3: {  	_ = 	snop  }
0x4: {  	_ = 	snop  }
0x5: {  	_ = 	snop  }
0x6: {  	_ = 	snop  }
0x7: {  	_ = 	snop  }
__scs_overlays_trampoline_lowered:
0x8: {  	[smem:$0x3FAE] =	sst s0  }
0x9: {  	[smem:$0x3FAF] =	sst s1  }
0xa: {  	[smem:$0x3FB0] =	sst s2  }
0xb: {  	[smem:$0x3FB1] =	sst s3  }
0xc: {  	[smem:$0x3FB2] =	sst s4  }
0xd: {  	[smem:$0x3FB3] =	sst s5  }
0xe: {  	[smem:$0x3FB4] =	sst s6  }
0xf: {  	[smem:$0x3FB5] =	sst s7  }
0x10: {  	[smem:$0x3FB6] =	sst s8  }
0x11: {  	[smem:$0x3FB7] =	sst s9;
	s0 =	simm.s32 @!p0 $0x0  }
0x12: {  	s1 =	sld [smem:$0x3F9D];
	s0 =	simm.s32 @p0 $0x1  }
0x13: {  	[smem:$0x3FB8] =	sst s0;
	s0 =	simm.s32 @!p1 $0x0  }
0x14: {  	s2 =	sld [smem:$0x3F9C];
	s0 =	simm.s32 @p1 $0x1  }
0x15: {  	[smem:$0x3FB9] =	sst s0;
	s0 =	simm.s32 @!p2 $0x0  }
0x16: {  	s3 =	sld [smem:$0x3FDB];
	s0 =	simm.s32 @p2 $0x1  }
0x17: {  	s4 =	simm.s32 $0x1BF5;
	[smem:$0x3FBB] =	sst s0  }
0x18: {  	s0 =	sld [smem:$0x3F9E];
	_ =	swait.ge [sflag:s4], $0x0  }
0x19: {  	s7 =	sld [smem:$0x3F9F]  }
0x1a: {  	s8 =	sadd.s32 $0xFFFFE003, lr  }
0x1b: {  	s9 =	sadd.s32 $0xFFFFFEF7, lr;
	s5 =	simm.s32 $0xFFFFFFFF;
	p2 =	slt.u32 s8, $0xFFFFF086  }
0x1c: {  	p1 =	slt.u32 s9, $0xF7A;
	s5 =	simm.s32 @!p2 $0x0  }
0x1d: {  	s5 =	simm.s32 @p1 $0x1;
	p0 =	seq.s32 s7, s2  }
0x1e: {  	s7 =	smul.u32 @!p0 $0xF7A, s2;
	p2 =	seq.s32 @!p0 s5, $0x0  }
0x1f: {  	s9 =	smul.u32 $0xF7A, s1;
	s8 =	simm.s32 @!p0 $0x1BF5;
	p2 =	por !p2, p0  }
0x20: {  	[sflag:s8] =	ssyncset.s32 @!p0 $0xFFFFF086;
	s6 =	sadd.s32 @!p0 s3, s7;
	s7 =	simm.s32 @!p0 $0x108  }
0x21: {  	s3 =	sadd.s32 s3, s9;
	s6 =	sadd.s32 @!p0 $0x88, s6;
	s7 =	simm.s32 @p2 $0x1082  }
0x22: {  	[simem:s7], [sflag:s8] =	dma.local @!p0 [hbm:s6], $0xF7A  }
0x23: {  	s9 =	sor.u32 $0xD0000000, s2;
	s6 =	simm.s32 $0x108;
	_ =	swait.ge @!p0 [sflag:s8], $0x0  }
0x24: {  	s3 =	sadd.s32 $0x88, s3;
	s6 =	simm.s32 @!p1 $0x1082;
	[sflag:s4] =	ssyncset.s32 $0xFFFFF086  }
0x25: {  	[simem:s6], [sflag:s4] =	dma.local [hbm:s3], $0xF7A  }
0x26: {  	[smem:$0x3F9F] =	sst s1;
	(tag) =	ssettag s2;
	_ =	strace s9  }
0x27: {  	s1 =	sld [smem:$0x3FAF]  }
0x28: {  	s2 =	sld [smem:$0x3FB0]  }
0x29: {  	s4 =	sld [smem:$0x3FB2]  }
0x2a: {  	p0 =	seq.s32 s5, $0x0;
	s5 =	sld [smem:$0x3FB3]  }
0x2b: {  	s6 =	sld [smem:$0x3FB4]  }
0x2c: {  	s7 =	sld [smem:$0x3FB5]  }
0x2d: {  	s3 =	simm.s32 $0x108;
	s8 =	sld [smem:$0x3FB6]  }
0x2e: {  	s3 =	simm.s32 @!p0 $0x1082;
	s9 =	sld [smem:$0x3FB7]  }
0x2f: {  	lr =	sadd.s32 s0, s3;
	s0 =	sld [smem:$0x3FAE]  }
0x30: {  	s3 =	sld [smem:$0x3FB1]  }
0x31: {  	[smem:$0x3FBA] =	sst s10  }
0x32: {  	s10 =	sld [smem:$0x3FB8];
	_ =	sdelay $0x3  }
0x33: {  	p0 =	seq.s32 s10, $0x1;
	s10 =	sld [smem:$0x3FBA];
	_ =	sdelay $0x3  }
0x34: {  	[smem:$0x3FBA] =	sst s10  }
0x35: {  	s10 =	sld [smem:$0x3FB9];
	_ =	sdelay $0x3  }
0x36: {  	p1 =	seq.s32 s10, $0x1;
	s10 =	sld [smem:$0x3FBA];
	_ =	sdelay $0x3  }
0x37: {  	[smem:$0x3FBA] =	sst s10  }
0x38: {  	s10 =	sld [smem:$0x3FBB]  }
0x39: {  	_ = 	snop;
	(pc) =	sbr.ind lr, $3  }
0x3a: {  	_ = 	snop  }
0x3b: {  	_ = 	snop  }
0x3c: {  	p2 =	seq.s32 s10, $0x1;
	s10 =	sld [smem:$0x3FBA]  }
0x3d: {  	_ =	shalt  }
0x3e: {  	_ =	shalt  }
0x3f: {  	_ =	shalt  }
0x40: {  	_ =	shalt  }
0x41: {  	_ =	shalt  }
0x42: {  	_ =	shalt  }
0x43: {  	_ =	shalt  }
0x44: {  	_ =	shalt  }
0x45: {  	_ =	shalt  }
0x46: {  	_ =	shalt  }
0x47: {  	_ =	shalt  }
0x48: {  	_ =	shalt  }
0x49: {  	_ =	shalt  }
0x4a: {  	_ =	shalt  }
0x4b: {  	_ =	shalt  }
0x4c: {  	_ =	shalt  }
0x4d: {  	_ =	shalt  }
0x4e: {  	_ =	shalt  }
0x4f: {  	_ =	shalt  }
0x50: {  	_ =	shalt  }
0x51: {  	_ =	shalt  }
0x52: {  	_ =	shalt  }
0x53: {  	_ =	shalt  }
0x54: {  	_ =	shalt  }
0x55: {  	_ =	shalt  }
0x56: {  	_ =	shalt  }
0x57: {  	_ =	shalt  }
0x58: {  	_ =	shalt  }
0x59: {  	_ =	shalt  }
0x5a: {  	_ =	shalt  }
0x5b: {  	_ =	shalt  }
0x5c: {  	_ =	shalt  }
0x5d: {  	_ =	shalt  }
0x5e: {  	_ =	shalt  }
0x5f: {  	_ =	shalt  }
0x60: {  	_ =	shalt  }
0x61: {  	_ =	shalt  }
0x62: {  	_ =	shalt  }
0x63: {  	_ =	shalt  }
0x64: {  	_ =	shalt  }
0x65: {  	_ =	shalt  }
0x66: {  	_ =	shalt  }
0x67: {  	_ =	shalt  }
0x68: {  	_ =	shalt  }
0x69: {  	_ =	shalt  }
0x6a: {  	_ =	shalt  }
0x6b: {  	_ =	shalt  }
0x6c: {  	_ =	shalt  }
0x6d: {  	_ =	shalt  }
0x6e: {  	_ =	shalt  }
0x6f: {  	_ =	shalt  }
0x70: {  	_ =	shalt  }
0x71: {  	_ =	shalt  }
0x72: {  	_ =	shalt  }
0x73: {  	_ =	shalt  }
0x74: {  	_ =	shalt  }
0x75: {  	_ =	shalt  }
0x76: {  	_ =	shalt  }
0x77: {  	_ =	shalt  }
0x78: {  	_ =	shalt  }
0x79: {  	_ =	shalt  }
0x7a: {  	_ =	shalt  }
0x7b: {  	_ =	shalt  }
0x7c: {  	_ =	shalt  }
0x7d: {  	_ =	shalt  }
0x7e: {  	_ =	shalt  }
0x7f: {  	_ =	shalt  }
0x80: {  	_ =	shalt  }
0x81: {  	_ =	shalt  }
0x82: {  	_ =	shalt  }
0x83: {  	_ =	shalt  }
0x84: {  	_ =	shalt  }
0x85: {  	_ =	shalt  }
0x86: {  	_ =	shalt  }
0x87: {  	_ =	shalt  }
.Lfunc_end0:
.L_simem_size_0:
called_computation_lowered:
.L_overlay_start_0:
0x88: {  	s2 =	sld [smem:$0x3FD9]  }
0x89: {  	s3 =	sld [smem:$0x3FFE];
	_ =	sdelay $0x1  }
0x8a: {  	s1 =	srdreg.scid  }
0x8b: {  	s0 =	sand.u32 $0x1, s1  }
0x8c: {  	s15 =	sshll.u32 s0, $0xA;
	s2 =	sadd.s32 s3, s2  }
0x8d: {  	s2 =	sadd.s32 s2, s15  }
0x8e: {  	[smem:$0x3FC6] =	sst s2  }
0x8f: {  	_ = 	snop  }
0x90: {  	s2 =	sld [smem:$0x3FD0];
	_ =	sdelay $0x2  }
0x91: {  	s4 =	simm.s32 $0xA;
	s5 =	simm.s32 $0x10;
	s16 =	sld [smem:$0x3FC8]  }
0x92: {  	[smem:s5], [sflag:s4] =	dma.local [hbm:s2], $0x1  }
0x93: {  	_ =	swait.eq [sflag:s4], $0x1  }
0x94: {  	[sflag:s4] =	ssyncset.done $0x0  }
0x95: {  	s17 =	sld [smem:$0x10];
	[sflag:s4] =	ssyncadd.s32 $0xFFFFFFFF  }
0x96: {  	s18 =	sld [smem:$0x11];
	(tm) =	ssettm $0x1  }
0x97: {  	s19 =	sld [smem:$0x3FFB];
	_ =	sdelay $0x3  }
0x98: {  	_ =	strace s19  }
0x99: {  	s5 =	sld [smem:$0x3FFC];
	_ =	sdelay $0x3  }
0x9a: {  	_ =	strace s5  }
0x9b: {  	s5 =	sld [smem:$0x3FFD];
	_ =	sdelay $0x3  }
0x9c: {  	_ =	strace s5  }
0x9d: {  	_ =	strace $0x8FFFFFFF  }
0x9e: {  	s20 =	sld [smem:$0x3FDB];
	_ =	sdelay $0x1  }
0x9f: {  	s6 =	simm.s32 $_scs_section_size  }
0xa0: {  	s7 =	simm.s32 $_size__tile_overlayer_lowered;
	s8 =	simm.s32 $_tile_overlayer_lowered  }
0xa1: {  	s23 =	simm.s32 $0x1BFF;
	s22 =	sshll.u32 s8, $0x1;
	s5 =	sadd.s32 s6, s20  }
0xa2: {  	s9 =	simm.s32 $0x0;
	s21 =	sshll.u32 s7, $0x1;
	s7 =	sadd.s32 s22, s5  }
0xa3: {  	[timem:s9], [sflag:s23] =	dma.local [hbm:s7], s21  }
0xa4: {  	_ =	swait.ge [sflag:s23], s21  }
0xa5: {  	s6 =	ssub.s32 $0x0, s21;
	[sflag:s23] =	ssyncset.done $0x0  }
0xa6: {  	[sflag:s23] =	ssyncadd.s32 s6;
	_ =	sdelay $0x1  }
0xa7: {  	s24 =	simm.s32 $0x1B8B  }
0xa8: {  	_ =	swait.ge [sflag:s24], $0x1  }
0xa9: {  	[sflag:s24] =	ssyncset.done $0x0  }
0xaa: {  	s25 =	simm.s32 $0x1B8E;
	[sflag:s24] =	ssyncadd.s32 $0xFFFFFFFF  }
0xab: {  	s26 =	simm.s32 $execute0_lowered;
	[smem:$0x3FD2] =	sst s25  }
0xac: {  	s6 =	sshll.u32 s26, $0x1;
	_ =	strace $0x80000046;
	[dreg:$0x1] =	wrdreg $0xFFFFFFFF  }
0xad: {  	s28 =	simm.s32 $_size_execute0_lowered;
	s5 =	sadd.s32 s5, s6;
	[dreg:$0x0] =	wrdreg $0x0  }
0xae: {  	s6 =	sshll.u32 s28, $0x1;
	[dreg:$0x2] =	wrdreg s5  }
0xaf: {  	[dreg:$0x3] =	wrdreg s6  }
0xb0: {  	[dreg:$0x4] =	wrdreg $0xC0  }
0xb1: {  	_ =	task [dreg:s9], $0x5FFFF  }
0xb2: {  	[dreg:$0x1] =	wrdreg $0xFFFFFFFF  }
0xb3: {  	[dreg:$0x0] =	wrdreg $0x60  }
0xb4: {  	[dreg:$0x2] =	wrdreg s17  }
0xb5: {  	[dreg:$0x3] =	wrdreg s16  }
0xb6: {  	[dreg:$0x4] =	wrdreg s18  }
0xb7: {  	[dreg:$0x5] =	wrdreg $0x9  }
0xb8: {  	_ =	task.clear_ibuf [dreg:s9], $0x6FFFF;
	_ =	strace $0x90000046  }
0xb9: {  	s29 =	simm.s32 $0x9;
	_ =	strace $0x80000048  }
0xba: {  	_ =	swait.ge [sflag:s29], $0x1  }
0xbb: {  	[sflag:s29] =	ssyncadd.s32 $0xFFFFFFFF  }
0xbc: {  	_ =	strace $0x90000048  }
0xbd: {  	_ =	sfence  }
0xbe: {  	s30 =	sld [smem:$0x0];
	_ =	sdelay $0x2  }
0xbf: {  	s31 =	sshll.u32 s1, $0xD;
	s1 =	sshrl.u32 s1, $0x2  }
0xc0: {  	s3 =	sand.u32 $0x4000, s31;
	s1 =	sadd.s32 s1, s30  }
0xc1: {  	s0 =	sor.u32 s3, s0;
	s1 =	sshll.u32 s1, $0x11  }
0xc2: {  	s0 =	sor.u32 s1, s0  }
0xc3: {  	s0 =	sadd.s32 $0x8F2B, s0  }
0xc4: {  	[sflag:s0] =	ssyncadd.remote.s32 $0x1  }
0xc5: {  	_ =	sfence.sel $0xFFFF  }
0xc6: {  	[dreg:$0x0] =	wrdreg $0xFFFFFFFF;
	(pc) =	sbr.abs _section_cstart, $3  }
0xc7: {  	[dreg:$0x1] =	wrdreg $0xFFFFFFFF  }
0xc8: {  	_ =	task.clear_ibuf [dreg:s9], $0x2FFFF;
	_ =	strace $0x9FFFFFFF  }
0xc9: {  	(tm) =	ssettm $0x7FFFFFFF  }
tec
execute0_lowered:
.L_overlay_start_1:
0x0: {  	(tag) =	ssettag $0x1  }
0x1: {  	s1 =	rddreg [dreg:$0x0]  }
0x2: {  	s0 =	rddreg [dreg:$0x1]  }
0x3: {  	s3 =	rddreg [dreg:$0x2]  }
0x4: {  	s5 =	srdreg.scid;
	s2 =	stileid.u32  }
0x5: {  	s4 =	simm.s32 $0x0;
	s11 =	simm.s32 $0x1;
	s12 =	simm.s32 $0x2  }
0x6: {  	s13 =	simm.s32 $0x3F40;
	s14 =	simm.s32 $0x0;
	s5 =	sand.u32 $0x1, s5  }
.Ltmp0:
0x7: {  	s6 =	sshll.u32 s2, $0x1;
	s7 =	ssub.s32 $0x2, s5;
	(pc) =	sbr.rel .LBB2_1-.Ltmp0, $4  }
0x8: {  	[smem:$0x7FF] =	sst s4;
	s6 =	sor.u32 s5, s6;
	s31 =	sshrl.u32 s7, $0x1  }
0x9: {  	s8 =	smul.u32 $0x1F40, s6;
	s5 =	sshll.u32 s6, $0x7;
	s6 =	sshll.u32 s6, $0x4  }
0xa: {  	v2 =	vimm.s32 $0x7D03;
	vm0 =	vcmask $0x300;
	_ =	strace $0x80000047;
	s9 =	ssub.s32 s7, s31;
	s6 =	sadd.s32 s0, s6  }
0xb: {  	v0 =	vimm.s32 $0x0;
	v1 =	vlaneseq.u32;
	v2 =	vsel vm0, $0x7D02, v2;
	s7 =	sadd.s32 s1, s8;
	s8 =	smax.u32 s9, $0x1;
	s9 =	simm.s32 $0x3  }
.LBB2_286:
0xc: {  	s14 =	sadd.s32 $0x1, s14  }
0xd: {  	_ =	swait.ge [sflag:s12], $0x2000;
	p0 =	sne.s32 s14, s8  }
.Ltmp1:
0xe: {  	[sflag:s12] =	ssyncset.done $0x0;
	(pc) =	sbr.rel @!p0 .LBB2_287-.Ltmp1, $4  }
0xf: {  	[sflag:s12] =	ssyncadd.s32 $0xFFFFE000  }
0x10: {  	_ =	swait.ge [sflag:s12], $0x2000  }
0x11: {  	[sflag:s12] =	ssyncset.done $0x0  }
0x12: {  	[sflag:s12] =	ssyncadd.s32 $0xFFFFE000  }
.LBB2_1:
0x13: {  	[tilespmem:s4], [sflag:$0x3] =	stream.linear.gather [hbm4b:s6+s4], $0x80, $0x38;
	[tilespmem:$0x7F40] =	vst v63  }
.Ltmp2:
0x14: {  	_ =	swait.ge [sflag:s9], $0x80;
	(pc) =	sbr.rel .LBB2_2-.Ltmp2, $4  }
0x15: {  	[sflag:s9] =	ssyncset.done $0x0  }
0x16: {  	s0 =	simm.s32 $0x90;
	[sflag:s9] =	ssyncadd.s32 $0xFFFFFF80  }
0x17: {  	[tilespmem:s0], [sflag:$0x1] =	stream.linear.gather [hbm4b:s7+s4], $0x1F40, $0x38;
	[tilespmem:$0x7F40] =	vst v63  }
0x18: {  	p0 =	por $0x0, $0x0;
	s0 =	simm.s32 $0x0  }
.LBB2_285:
0x19: {  	v3 =	vmov s22;
	vm0 =	veq.s32 v1, $0x0  }
0x1a: {  	s0 =	sor.u32 $0x1E00, s19;
	v3 =	vsel vm0, $0x0, v3  }
0x1b: {  	v3 =	vadd.s32 s0, v3;
	_ =	sdelay $0x1  }
0x1c: {  	p1 =	sne.s32 s15, $0x8  }
.Ltmp3:
0x1d: {  	s31 =	sadd.s32 s5, s16;
	(pc) =	sbr.rel @!p1 .LBB2_286-.Ltmp3, $4  }
0x1e: {  	s0 =	sshll.u32 s31, $0x6  }
0x1f: {  	s2 =	sadd.s32 $0x3F40, s19;
	s0 =	sadd.s32 s3, s0;
	[tilespmem:v3+s13+$0x0] =	vst.idx.msk $0x3, v2  }
0x20: {  	[hbm4b:s0+s4] =	stream.linear.scatter [tilespmem:s2], [sflag:$0x2], $0x2000, $0x38;
	[tilespmem:$0x7F40] =	vst v63  }
0x21: {  	p0 =	por !p0, !p0;
	s0 =	smov.u32 s15  }
.LBB2_2:
0x22: {  	s19 =	sand.u32 $0x1, s0;
	s15 =	sadd.s32 $0x1, s0;
	p1 =	seq.s32 s0, $0x7  }
0x23: {  	s16 =	sxor.u32 @!p1 $0x1, s19;
	s17 =	sshll.u32 @!p1 s15, $0x4  }
0x24: {  	s16 =	smul.u32 @!p1 $0x7D80, s16;
	s17 =	sadd.s32 @!p1 s5, s17  }
0x25: {  	_ =	swait.ge [sflag:s11], $0x1F40;
	s17 =	smul.u32 @!p1 $0x1F4, s17  }
0x26: {  	[sflag:s11] =	ssyncset.done $0x0;
	s18 =	simm.s32 @!p1 $0x0  }
0x27: {  	p2 =	slt.u32 @!p1 s0, $0x2;
	s16 =	sshrl.u32 @!p1 s16, $0x2;
	s17 =	sshrl.u32 @!p1 s17, $0x3  }
0x28: {  	[sflag:s11] =	ssyncadd.s32 $0xFFFFE0C0;
	s16 =	sadd.s32 @!p1 $0x90, s16;
	s17 =	sadd.s32 @!p1 s1, s17  }
0x29: {  	[tilespmem:s16], [sflag:$0x1] =	stream.linear.gather @!p1 [hbm4b:s17+s18], $0x1F40, $0x38;
	[tilespmem:$0x7F40] =	vst v63  }
0x2a: {  	p1 =	por p1, !p2  }
0x2b: {  	_ =	swait.ge @p1 [sflag:s12], $0x2000  }
0x2c: {  	[sflag:s12] =	ssyncset.done @p1 $0x0  }
0x2d: {  	s16 =	sshll.u32 s0, $0x4;
	[sflag:s12] =	ssyncadd.s32 @p1 $0xFFFFE000  }
0x2e: {  	v3 =	vld [tilespmem:s16+$0x0];
	_ =	sdelay $0x4  }
0x2f: {  	(v2sf) =	vpush v3, $0x0;
	_ =	sdelay $0xe  }
0x30: {  	s31 =	spop (v2sf)  }
0x31: {  	s22 =	sadd.s32 $0x1, s31  }
0x32: {  	s24 =	sshrl.u32 s22, $0x4  }
0x33: {  	s23 =	sadd.s32 $0x1, s24  }
0x34: {  	s25 =	sand.u32 $0x1FFFFFFC, s23  }
0x35: {  	p1 =	seq.s32 s25, $0x0  }
.Ltmp4:
0x36: {  	s0 =	simm.s32 $0x1;
	(pc) =	sbr.rel @p1 .LBB2_5-.Ltmp4, $4  }
0x37: {  	s0 =	simm.s32 @!p0 $0x0  }
0x38: {  	s18 =	smul.u32 $0x7D80, s0  }
0x39: {  	s17 =	sshll.u32 s0, $0xF  }
0x3a: {  	s21 =	sshrl.u32 s17, $0x2;
	s20 =	sshrl.u32 s18, $0x2  }
0x3b: {  	s0 =	sadd.s32 $0xAF, s20  }
0x3c: {  	v8 =	vld [tilespmem:s0+$0x10]  }
0x3d: {  	p2 =	sgt.u32 s25, $0x4;
	v11 =	vld [tilespmem:s0+$0xFFFFFFF0]  }
.Ltmp5:
0x3e: {  	_ = 	snop;
	(pc) =	sbr.rel @!p2 .LBB2_4-.Ltmp5, $4  }
0x3f: {  	s28 =	simm.s32 $0x0  }
0x40: {  	v4 =	vbroadcast v3, $0x0;
	s30 =	simm.s32 $0x10;
	s29 =	simm.s32 $0x30;
	v5 =	vor.u32 s28, v1  }
0x41: {  	s26 =	sadd.s32 $0x3F60, s21;
	v6 =	vld [tilespmem:s0+$0x0];
	v9 =	vor.u32 s30, v1;
	v12 =	vor.u32 s29, v1;
	vm1 =	veq.s32 v8, $0x0  }
0x42: {  	s31 =	simm.s32 $0x20;
	p1 =	por $0x0, $0x0;
	v7 =	vld [tilespmem:s0+$0xFFFFFFE0];
	s0 =	sadd.s32 $0x40, s0;
	vm0 =	veq.s32 v11, $0x0;
	v10 =	vsel vm1, $0x7D01, v8;
	vm1 =	vgt.s32 v12, v4  }
0x43: {  	_ =	sdelay $0x1  }
0x44: {  	v13 =	vor.u32 s31, v1  }
0x45: {  	v10 =	vsel vm1, $0x0, v10;
	v11 =	vsel vm0, $0x7D01, v11;
	vm2 =	veq.s32 v6, $0x0  }
0x46: {  	v12 =	vld [tilespmem:s0+$0x10];
	vm0 =	vgt.s32 v9, v4;
	vm1 =	veq.s32 v7, $0x0;
	v6 =	vsel vm2, $0x7D01, v6  }
0x47: {  	v8 =	vld [tilespmem:s0+$0xFFFFFFF0];
	p2 =	sgt.u32 s25, $0x8;
	vm2 =	vgt.s32 v5, v4;
	v7 =	vsel vm1, $0x7D01, v7;
	vm1 =	vgt.s32 v13, v4  }
.Ltmp6:
0x48: {  	v9 =	vsel vm0, $0x0, v11;
	v11 =	vsel vm1, $0x0, v6;
	v7 =	vsel vm2, $0x0, v7;
	v6 =	vld [tilespmem:s0+$0x0];
	(pc) =	sbr.rel @!p2 .LBB2_19-.Ltmp6, $4  }
0x49: {  	s31 =	simm.s32 $0x70;
	[tilespmem:s26+$0xFFFFFFE0] =	vst v7;
	v7 =	vld [tilespmem:s0+$0xFFFFFFE0]  }
0x4a: {  	s28 =	simm.s32 $0x40;
	s30 =	simm.s32 $0x50;
	[tilespmem:s26+$0x10] =	vst v10;
	v63 =	vor.u32 s31, v1  }
0x4b: {  	s29 =	simm.s32 $0x8;
	p1 =	por $0x1, $0x1;
	[tilespmem:s26+$0xFFFFFFF0] =	vst v9;
	v9 =	vor.u32 s30, v1;
	v5 =	vor.u32 s28, v1;
	vm1 =	veq.s32 v12, $0x0  }
0x4c: {  	s31 =	simm.s32 $0x60;
	s30 =	smov.u32 s26;
	vm0 =	veq.s32 v8, $0x0;
	v10 =	vsel vm1, $0x7D01, v12;
	vm1 =	vgt.s32 v63, v4;
	s0 =	sadd.s32 $0x40, s0;
	[tilespmem:s26+$0x0] =	vst v11  }
.LBB2_20:
0x4d: {  	v11 =	vld [tilespmem:s0+$0x10];
	s29 =	sadd.s32 $0x4, s29;
	vm2 =	veq.s32 v6, $0x0;
	v12 =	vor.u32 s31, v1;
	v10 =	vsel vm1, $0x0, v10;
	s30 =	sadd.s32 $0x40, s30  }
0x4e: {  	v13 =	vsel vm0, $0x7D01, v8;
	p2 =	slt.u32 s29, s25;
	vm1 =	veq.s32 v7, $0x0;
	v8 =	vld [tilespmem:s0+$0xFFFFFFF0];
	v14 =	vsel vm2, $0x7D01, v6;
	[tilespmem:s30+$0x10] =	vst v10  }
.Ltmp7:
0x4f: {  	vm0 =	vgt.s32 v9, v4;
	v6 =	vld [tilespmem:s0+$0x0];
	v10 =	vsel vm1, $0x7D01, v7;
	vm1 =	vgt.s32 v12, v4;
	(pc) =	sbr.rel @p2 .LBB2_20-.Ltmp7, $4  }
0x50: {  	s28 =	sadd.s32 $0x40, s28;
	vm2 =	vgt.s32 v5, v4;
	v9 =	vsel vm0, $0x0, v13;
	v7 =	vld [tilespmem:s0+$0xFFFFFFE0];
	v12 =	vsel vm1, $0x0, v14  }
0x51: {  	v5 =	vor.u32 s28, v1;
	s2 =	sadd.s32 $0x10, s28;
	s31 =	sadd.s32 $0x20, s28;
	s10 =	sadd.s32 $0x30, s28;
	v10 =	vsel vm2, $0x0, v10;
	[tilespmem:s30+$0xFFFFFFF0] =	vst v9  }
0x52: {  	v13 =	vor.u32 s10, v1;
	v9 =	vor.u32 s2, v1;
	vm1 =	veq.s32 v11, $0x0;
	[tilespmem:s30+$0xFFFFFFE0] =	vst v10  }
0x53: {  	s0 =	sadd.s32 $0x40, s0;
	vm0 =	veq.s32 v8, $0x0;
	v10 =	vsel vm1, $0x7D01, v11;
	vm1 =	vgt.s32 v13, v4;
	[tilespmem:s30+$0x0] =	vst v12  }
0x54: {  	v11 =	vmov v8  }
.LBB2_22:
0x55: {  	vm2 =	veq.s32 v6, $0x0;
	v8 =	vor.u32 s31, v1;
	v10 =	vsel vm1, $0x0, v10;
	s0 =	sadd.s32 @p1 $0x40, s30  }
0x56: {  	vm12 =	veq.s32 v7, $0x0;
	v11 =	vsel vm0, $0x7D01, v11;
	vm13 =	vgt.s32 v9, v4;
	s26 =	smov.u32 @p1 s0  }
0x57: {  	vm14 =	vgt.s32 v5, v4;
	v7 =	vsel vm12, $0x7D01, v7;
	v5 =	vsel vm13, $0x0, v11;
	[tilespmem:s26+$0x10] =	vst v10  }
0x58: {  	v6 =	vsel vm2, $0x7D01, v6;
	vm15 =	vgt.s32 v8, v4;
	v4 =	vsel vm14, $0x0, v7;
	[tilespmem:s26+$0xFFFFFFF0] =	vst v5  }
0x59: {  	v5 =	vsel vm15, $0x0, v6;
	[tilespmem:s26+$0xFFFFFFE0] =	vst v4  }
0x5a: {  	[tilespmem:s26+$0x0] =	vst v5  }
.LBB2_5:
0x5b: {  	p1 =	sgt.u32 s25, s24  }
.Ltmp8:
0x5c: {  	_ = 	snop;
	(pc) =	sbr.rel @p1 .LBB2_8-.Ltmp8, $1  }
0x5d: {  	_ =	sdelay $0x3  }
0x5e: {  	s28 =	sshrl.u32 s23, $0x2  }
0x5f: {  	s0 =	sshll.u32 s28, $0x8  }
0x60: {  	s25 =	ssub.s32 s24, s25;
	s26 =	sadd.s32 s0, s17;
	s29 =	sadd.s32 s0, s18  }
0x61: {  	s28 =	sshll.u32 s28, $0x6;
	s30 =	sshra.s32 s26, $0x2;
	s31 =	sshra.s32 s29, $0x2  }
0x62: {  	v4 =	vbroadcast v3, $0x0;
	s0 =	sadd.s32 $0x1, s25;
	s25 =	sadd.s32 $0x3F40, s30;
	s26 =	sadd.s32 $0x8F, s31  }
.LBB2_7:
0x63: {  	v5 =	vld [tilespmem:s26+$0x0];
	_ =	sdelay $0x2  }
0x64: {  	p1 =	sne.s32 s0, $0x1  }
.Ltmp9:
0x65: {  	_ = 	snop;
	(pc) =	sbr.rel @p1 .LBB2_7-.Ltmp9, $4  }
0x66: {  	v6 =	vor.u32 s28, v1;
	vm0 =	veq.s32 v5, $0x0  }
0x67: {  	vm15 =	vgt.s32 v6, v4;
	v5 =	vsel vm0, $0x7D01, v5  }
0x68: {  	s26 =	sadd.s32 $0x10, s26;
	v5 =	vsel vm15, $0x0, v5  }
0x69: {  	s28 =	sadd.s32 $0x10, s28;
	s0 =	sadd.s32 $0xFFFFFFFF, s0;
	[tilespmem:s25+$0x0] =	vst v5;
	s25 =	sadd.s32 $0x10, s25  }
.LBB2_8:
0x6a: {  	s0 =	ssub.s32 $0x1F, s24  }
0x6b: {  	s2 =	sshrl.u32 s0, $0x1E  }
0x6c: {  	s2 =	sadd.s32 s2, s0  }
0x6d: {  	s25 =	sand.u32 $0xFFFFFFFC, s2  }
0x6e: {  	p1 =	slt.s32 s25, $0x1  }
.Ltmp10:
0x6f: {  	_ = 	snop;
	(pc) =	sbr.rel @p1 .LBB2_12-.Ltmp10, $2  }
0x70: {  	_ =	sdelay $0x2  }
0x71: {  	s26 =	sadd.s32 s23, s25  }
0x72: {  	s2 =	sshll.u32 s24, $0x6;
	s23 =	sadd.s32 $0x4, s23  }
0x73: {  	s2 =	sadd.s32 s2, s17;
	p1 =	slt.u32 s23, s26  }
.Ltmp11:
0x74: {  	s2 =	sshra.s32 s2, $0x2;
	(pc) =	sbr.rel @!p1 .LBB2_11-.Ltmp11, $4  }
0x75: {  	s24 =	sadd.s32 $0x3F60, s2  }
0x76: {  	[tilespmem:s24+$0xFFFFFFF0] =	vst v0  }
0x77: {  	[tilespmem:s24+$0x20] =	vst v0  }
0x78: {  	[tilespmem:s24+$0x10] =	vst v0  }
.LBB2_10:
0x79: {  	s23 =	sadd.s32 $0x4, s23  }
0x7a: {  	[tilespmem:s24+$0x0] =	vst v0;
	s24 =	sadd.s32 $0x40, s24;
	p1 =	slt.u32 s23, s26  }
.Ltmp12:
0x7b: {  	[tilespmem:s24+$0xFFFFFFF0] =	vst v0;
	(pc) =	sbr.rel @p1 .LBB2_10-.Ltmp12, $3  }
0x7c: {  	_ =	sdelay $0x1  }
0x7d: {  	[tilespmem:s24+$0x20] =	vst v0  }
0x7e: {  	[tilespmem:s24+$0x10] =	vst v0  }
.LBB2_11:
0x7f: {  	[tilespmem:s24+$0x0] =	vst v0  }
.LBB2_12:
0x80: {  	p1 =	sgt.s32 s26, $0x1F  }
.Ltmp13:
0x81: {  	_ = 	snop;
	(pc) =	sbr.rel @p1 .LBB2_15-.Ltmp13, $1  }
0x82: {  	_ =	sdelay $0x3  }
0x83: {  	s0 =	ssub.s32 s0, s25  }
0x84: {  	s2 =	sshll.u32 s0, $0x6  }
0x85: {  	s2 =	ssub.s32 s17, s2  }
0x86: {  	s2 =	sshra.s32 s2, $0x2  }
0x87: {  	s23 =	sadd.s32 $0x4140, s2  }
.LBB2_14:
0x88: {  	p1 =	sne.s32 s0, $0x1  }
.Ltmp14:
0x89: {  	_ = 	snop;
	(pc) =	sbr.rel @p1 .LBB2_14-.Ltmp14, $2  }
0x8a: {  	_ =	sdelay $0x2  }
0x8b: {  	[tilespmem:s23+$0x0] =	vst v0;
	s23 =	sadd.s32 $0x10, s23;
	s0 =	sadd.s32 $0xFFFFFFFF, s0  }
.LBB2_15:
0x8c: {  	(v2sf) =	vpush v3, $0x1;
	_ =	sdelay $0xe  }
0x8d: {  	s0 =	spop (v2sf)  }
0x8e: {  	v4 =	vmov s22;
	s22 =	sadd.s32 $0x1, s0  }
0x8f: {  	s24 =	sshrl.u32 s22, $0x4  }
0x90: {  	vm0 =	veq.s32 v1, $0x0;
	s23 =	sadd.s32 $0x1, s24  }
0x91: {  	s19 =	sshll.u32 s19, $0xD;
	v4 =	vsel vm0, $0x0, v4;
	s25 =	sand.u32 $0x1FFFFFFC, s23  }
0x92: {  	v4 =	vadd.s32 s19, v4;
	p1 =	seq.s32 s25, $0x0  }
.Ltmp15:
0x93: {  	_ = 	snop;
	(pc) =	sbr.rel @p1 .LBB2_23-.Ltmp15, $2  }
0x94: {  	_ =	sdelay $0x2  }
0x95: {  	[tilespmem:v4+s13+$0x0] =	vst.idx.msk $0x3, v2  }
0x96: {  	s0 =	sadd.s32 $0x2B3, s20  }
0x97: {  	v8 =	vld [tilespmem:s0+$0x0]  }
0x98: {  	p2 =	sgt.u32 s25, $0x4;
	v11 =	vld [tilespmem:s0+$0xFFFFFFE0]  }
.Ltmp16:
0x99: {  	_ = 	snop;
	(pc) =	sbr.rel @!p2 .LBB2_17-.Ltmp16, $4  }
0x9a: {  	s28 =	simm.s32 $0x0  }
0x9b: {  	v4 =	vbroadcast v3, $0x1;
	s2 =	simm.s32 $0x10;
	s10 =	simm.s32 $0x30;
	v5 =	vor.u32 s28, v1  }
0x9c: {  	s26 =	sor.u32 $0x4170, s21;
	v6 =	vld [tilespmem:s0+$0xFFFFFFF0];
	v9 =	vor.u32 s2, v1;
	v12 =	vor.u32 s10, v1;
	vm1 =	veq.s32 v8, $0x0  }
0x9d: {  	s31 =	simm.s32 $0x20;
	p1 =	por $0x0, $0x0;
	v7 =	vld [tilespmem:s0+$0xFFFFFFD0];
	s0 =	sadd.s32 $0x40, s0;
	vm0 =	veq.s32 v11, $0x0;
	v10 =	vsel vm1, $0x7D01, v8;
	vm1 =	vgt.s32 v12, v4  }
0x9e: {  	_ =	sdelay $0x1  }
0x9f: {  	v13 =	vor.u32 s31, v1  }
0xa0: {  	v10 =	vsel vm1, $0x0, v10;
	v11 =	vsel vm0, $0x7D01, v11;
	vm2 =	veq.s32 v6, $0x0  }
0xa1: {  	v12 =	vld [tilespmem:s0+$0x0];
	vm0 =	vgt.s32 v9, v4;
	vm1 =	veq.s32 v7, $0x0;
	v6 =	vsel vm2, $0x7D01, v6  }
0xa2: {  	v8 =	vld [tilespmem:s0+$0xFFFFFFE0];
	p2 =	sgt.u32 s25, $0x8;
	vm2 =	vgt.s32 v5, v4;
	v7 =	vsel vm1, $0x7D01, v7;
	vm1 =	vgt.s32 v13, v4  }
.Ltmp17:
0xa3: {  	v9 =	vsel vm0, $0x0, v11;
	v11 =	vsel vm1, $0x0, v6;
	v7 =	vsel vm2, $0x0, v7;
	v6 =	vld [tilespmem:s0+$0xFFFFFFF0];
	(pc) =	sbr.rel @!p2 .LBB2_37-.Ltmp17, $4  }
0xa4: {  	s10 =	simm.s32 $0x70;
	[tilespmem:s26+$0xFFFFFFD0] =	vst v7;
	v7 =	vld [tilespmem:s0+$0xFFFFFFD0]  }
0xa5: {  	s28 =	simm.s32 $0x40;
	s2 =	simm.s32 $0x50;
	[tilespmem:s26+$0x0] =	vst v10;
	v63 =	vor.u32 s10, v1  }
0xa6: {  	s29 =	simm.s32 $0x8;
	s31 =	simm.s32 $0x60;
	[tilespmem:s26+$0xFFFFFFE0] =	vst v9;
	v9 =	vor.u32 s2, v1;
	v5 =	vor.u32 s28, v1;
	vm1 =	veq.s32 v12, $0x0  }
0xa7: {  	p1 =	por $0x1, $0x1;
	s30 =	smov.u32 s26;
	vm0 =	veq.s32 v8, $0x0;
	v10 =	vsel vm1, $0x7D01, v12;
	vm1 =	vgt.s32 v63, v4;
	s0 =	sadd.s32 $0x40, s0;
	[tilespmem:s26+$0xFFFFFFF0] =	vst v11  }
.LBB2_38:
0xa8: {  	v11 =	vld [tilespmem:s0+$0x0];
	s29 =	sadd.s32 $0x4, s29;
	vm2 =	veq.s32 v6, $0x0;
	v12 =	vor.u32 s31, v1;
	v10 =	vsel vm1, $0x0, v10;
	s30 =	sadd.s32 $0x40, s30  }
0xa9: {  	v13 =	vsel vm0, $0x7D01, v8;
	p2 =	slt.u32 s29, s25;
	vm1 =	veq.s32 v7, $0x0;
	v8 =	vld [tilespmem:s0+$0xFFFFFFE0];
	v14 =	vsel vm2, $0x7D01, v6;
	[tilespmem:s30+$0x0] =	vst v10  }
.Ltmp18:
0xaa: {  	vm0 =	vgt.s32 v9, v4;
	v6 =	vld [tilespmem:s0+$0xFFFFFFF0];
	v10 =	vsel vm1, $0x7D01, v7;
	vm1 =	vgt.s32 v12, v4;
	(pc) =	sbr.rel @p2 .LBB2_38-.Ltmp18, $4  }
0xab: {  	s28 =	sadd.s32 $0x40, s28;
	vm2 =	vgt.s32 v5, v4;
	v9 =	vsel vm0, $0x0, v13;
	v7 =	vld [tilespmem:s0+$0xFFFFFFD0];
	v12 =	vsel vm1, $0x0, v14  }
0xac: {  	v5 =	vor.u32 s28, v1;
	s2 =	sadd.s32 $0x10, s28;
	s31 =	sadd.s32 $0x20, s28;
	s10 =	sadd.s32 $0x30, s28;
	v10 =	vsel vm2, $0x0, v10;
	[tilespmem:s30+$0xFFFFFFE0] =	vst v9  }
0xad: {  	v13 =	vor.u32 s10, v1;
	v9 =	vor.u32 s2, v1;
	vm1 =	veq.s32 v11, $0x0;
	[tilespmem:s30+$0xFFFFFFD0] =	vst v10  }
0xae: {  	s0 =	sadd.s32 $0x40, s0;
	vm0 =	veq.s32 v8, $0x0;
	v10 =	vsel vm1, $0x7D01, v11;
	vm1 =	vgt.s32 v13, v4;
	[tilespmem:s30+$0xFFFFFFF0] =	vst v12  }
0xaf: {  	v11 =	vmov v8  }
.LBB2_40:
0xb0: {  	vm2 =	veq.s32 v6, $0x0;
	v8 =	vor.u32 s31, v1;
	v10 =	vsel vm1, $0x0, v10;
	s0 =	sadd.s32 @p1 $0x40, s30  }
0xb1: {  	vm12 =	veq.s32 v7, $0x0;
	v11 =	vsel vm0, $0x7D01, v11;
	vm13 =	vgt.s32 v9, v4;
	s26 =	smov.u32 @p1 s0  }
0xb2: {  	vm14 =	vgt.s32 v5, v4;
	v7 =	vsel vm12, $0x7D01, v7;
	v5 =	vsel vm13, $0x0, v11;
	[tilespmem:s26+$0x0] =	vst v10  }
0xb3: {  	v6 =	vsel vm2, $0x7D01, v6;
	vm15 =	vgt.s32 v8, v4;
	v4 =	vsel vm14, $0x0, v7;
	[tilespmem:s26+$0xFFFFFFE0] =	vst v5  }
0xb4: {  	v5 =	vsel vm15, $0x0, v6;
	[tilespmem:s26+$0xFFFFFFD0] =	vst v4  }
0xb5: {  	[tilespmem:s26+$0xFFFFFFF0] =	vst v5  }
.LBB2_23:
0xb6: {  	p1 =	sgt.u32 s25, s24  }
.Ltmp19:
0xb7: {  	_ = 	snop;
	(pc) =	sbr.rel @p1 .LBB2_26-.Ltmp19, $1  }
0xb8: {  	_ =	sdelay $0x3  }
0xb9: {  	s2 =	sshrl.u32 s23, $0x2  }
0xba: {  	s0 =	sshll.u32 s2, $0x8  }
0xbb: {  	s10 =	ssub.s32 s24, s25;
	s30 =	sadd.s32 s0, s17;
	s26 =	sadd.s32 s0, s18  }
0xbc: {  	s28 =	sshll.u32 s2, $0x6;
	s31 =	sshra.s32 s30, $0x2;
	s26 =	sshra.s32 s26, $0x2  }
0xbd: {  	v4 =	vbroadcast v3, $0x1;
	s0 =	sadd.s32 $0x1, s10;
	s25 =	sadd.s32 $0x4140, s31;
	s26 =	sadd.s32 $0x283, s26  }
.LBB2_25:
0xbe: {  	v5 =	vld [tilespmem:s26+$0x0];
	_ =	sdelay $0x2  }
0xbf: {  	p1 =	sne.s32 s0, $0x1  }
.Ltmp20:
0xc0: {  	_ = 	snop;
	(pc) =	sbr.rel @p1 .LBB2_25-.Ltmp20, $4  }
0xc1: {  	v6 =	vor.u32 s28, v1;
	vm0 =	veq.s32 v5, $0x0  }
0xc2: {  	vm15 =	vgt.s32 v6, v4;
	v5 =	vsel vm0, $0x7D01, v5  }
0xc3: {  	s26 =	sadd.s32 $0x10, s26;
	v5 =	vsel vm15, $0x0, v5  }
0xc4: {  	s28 =	sadd.s32 $0x10, s28;
	s0 =	sadd.s32 $0xFFFFFFFF, s0;
	[tilespmem:s25+$0x0] =	vst v5;
	s25 =	sadd.s32 $0x10, s25  }
.LBB2_26:
0xc5: {  	s0 =	ssub.s32 $0x1F, s24  }
0xc6: {  	s2 =	sshrl.u32 s0, $0x1E  }
0xc7: {  	s2 =	sadd.s32 s2, s0  }
0xc8: {  	s25 =	sand.u32 $0xFFFFFFFC, s2  }
0xc9: {  	p1 =	slt.s32 s25, $0x1  }
.Ltmp21:
0xca: {  	_ = 	snop;
	(pc) =	sbr.rel @p1 .LBB2_30-.Ltmp21, $2  }
0xcb: {  	_ =	sdelay $0x2  }
0xcc: {  	s26 =	sadd.s32 s23, s25  }
0xcd: {  	s2 =	sshll.u32 s24, $0x6;
	s23 =	sadd.s32 $0x4, s23  }
0xce: {  	s2 =	sadd.s32 s2, s17;
	p1 =	slt.u32 s23, s26  }
.Ltmp22:
0xcf: {  	s2 =	sshra.s32 s2, $0x2;
	(pc) =	sbr.rel @!p1 .LBB2_29-.Ltmp22, $4  }
0xd0: {  	s24 =	sadd.s32 $0x4180, s2  }
0xd1: {  	[tilespmem:s24+$0xFFFFFFD0] =	vst v0  }
0xd2: {  	[tilespmem:s24+$0x0] =	vst v0  }
0xd3: {  	[tilespmem:s24+$0xFFFFFFF0] =	vst v0  }
.LBB2_28:
0xd4: {  	s23 =	sadd.s32 $0x4, s23  }
0xd5: {  	[tilespmem:s24+$0xFFFFFFE0] =	vst v0;
	s24 =	sadd.s32 $0x40, s24;
	p1 =	slt.u32 s23, s26  }
.Ltmp23:
0xd6: {  	[tilespmem:s24+$0xFFFFFFD0] =	vst v0;
	(pc) =	sbr.rel @p1 .LBB2_28-.Ltmp23, $3  }
0xd7: {  	_ =	sdelay $0x1  }
0xd8: {  	[tilespmem:s24+$0x0] =	vst v0  }
0xd9: {  	[tilespmem:s24+$0xFFFFFFF0] =	vst v0  }
.LBB2_29:
0xda: {  	[tilespmem:s24+$0xFFFFFFE0] =	vst v0  }
.LBB2_30:
0xdb: {  	p1 =	sgt.s32 s26, $0x1F  }
.Ltmp24:
0xdc: {  	_ = 	snop;
	(pc) =	sbr.rel @p1 .LBB2_33-.Ltmp24, $1  }
0xdd: {  	_ =	sdelay $0x3  }
0xde: {  	s0 =	ssub.s32 s0, s25  }
0xdf: {  	s2 =	sshll.u32 s0, $0x6  }
0xe0: {  	s2 =	ssub.s32 s17, s2  }
0xe1: {  	s2 =	sshra.s32 s2, $0x2  }
0xe2: {  	s23 =	sadd.s32 $0x4340, s2  }
.LBB2_32:
0xe3: {  	p1 =	sne.s32 s0, $0x1  }
.Ltmp25:
0xe4: {  	_ = 	snop;
	(pc) =	sbr.rel @p1 .LBB2_32-.Ltmp25, $2  }
0xe5: {  	_ =	sdelay $0x2  }
0xe6: {  	[tilespmem:s23+$0x0] =	vst v0;
	s23 =	sadd.s32 $0x10, s23;
	s0 =	sadd.s32 $0xFFFFFFFF, s0  }
.LBB2_33:
0xe7: {  	(v2sf) =	vpush v3, $0x2;
	_ =	sdelay $0xe  }
0xe8: {  	s2 =	spop (v2sf)  }
0xe9: {  	v4 =	vmov s22;
	s22 =	sadd.s32 $0x1, s2  }
0xea: {  	s24 =	sshrl.u32 s22, $0x4  }
0xeb: {  	vm0 =	veq.s32 v1, $0x0;
	s23 =	sadd.s32 $0x1, s24  }
0xec: {  	s0 =	sor.u32 $0x200, s19;
	v4 =	vsel vm0, $0x0, v4;
	s25 =	sand.u32 $0x1FFFFFFC, s23  }
0xed: {  	v4 =	vadd.s32 s0, v4;
	p1 =	seq.s32 s25, $0x0  }
.Ltmp26:
0xee: {  	_ = 	snop;
	(pc) =	sbr.rel @p1 .LBB2_41-.Ltmp26, $2  }
0xef: {  	_ =	sdelay $0x2  }
0xf0: {  	[tilespmem:v4+s13+$0x0] =	vst.idx.msk $0x3, v2  }
0xf1: {  	s0 =	sadd.s32 $0x4A7, s20  }
0xf2: {  	v8 =	vld [tilespmem:s0+$0x0]  }
0xf3: {  	p2 =	sgt.u32 s25, $0x4;
	v11 =	vld [tilespmem:s0+$0xFFFFFFE0]  }
.Ltmp27:
0xf4: {  	_ = 	snop;
	(pc) =	sbr.rel @!p2 .LBB2_35-.Ltmp27, $4  }
0xf5: {  	s28 =	simm.s32 $0x0  }
0xf6: {  	v4 =	vbroadcast v3, $0x2;
	s2 =	simm.s32 $0x10;
	s10 =	simm.s32 $0x30;
	v5 =	vor.u32 s28, v1  }
0xf7: {  	s26 =	sor.u32 $0x4370, s21;
	v6 =	vld [tilespmem:s0+$0xFFFFFFF0];
	v9 =	vor.u32 s2, v1;
	v12 =	vor.u32 s10, v1;
	vm1 =	veq.s32 v8, $0x0  }
0xf8: {  	s31 =	simm.s32 $0x20;
	p1 =	por $0x0, $0x0;
	v7 =	vld [tilespmem:s0+$0xFFFFFFD0];
	s0 =	sadd.s32 $0x40, s0;
	vm0 =	veq.s32 v11, $0x0;
	v10 =	vsel vm1, $0x7D01, v8;
	vm1 =	vgt.s32 v12, v4  }
0xf9: {  	_ =	sdelay $0x1  }
0xfa: {  	v13 =	vor.u32 s31, v1  }
0xfb: {  	v10 =	vsel vm1, $0x0, v10;
	v11 =	vsel vm0, $0x7D01, v11;
	vm2 =	veq.s32 v6, $0x0  }
0xfc: {  	v12 =	vld [tilespmem:s0+$0x0];
	vm0 =	vgt.s32 v9, v4;
	vm1 =	veq.s32 v7, $0x0;
	v6 =	vsel vm2, $0x7D01, v6  }
0xfd: {  	v8 =	vld [tilespmem:s0+$0xFFFFFFE0];
	p2 =	sgt.u32 s25, $0x8;
	vm2 =	vgt.s32 v5, v4;
	v7 =	vsel vm1, $0x7D01, v7;
	vm1 =	vgt.s32 v13, v4  }
.Ltmp28:
0xfe: {  	v9 =	vsel vm0, $0x0, v11;
	v11 =	vsel vm1, $0x0, v6;
	v7 =	vsel vm2, $0x0, v7;
	v6 =	vld [tilespmem:s0+$0xFFFFFFF0];
	(pc) =	sbr.rel @!p2 .LBB2_55-.Ltmp28, $4  }
0xff: {  	s10 =	simm.s32 $0x70;
	[tilespmem:s26+$0xFFFFFFD0] =	vst v7;
	v7 =	vld [tilespmem:s0+$0xFFFFFFD0]  }
0x100: {  	s28 =	simm.s32 $0x40;
	s2 =	simm.s32 $0x50;
	[tilespmem:s26+$0x0] =	vst v10;
	v63 =	vor.u32 s10, v1  }
0x101: {  	s29 =	simm.s32 $0x8;
	s31 =	simm.s32 $0x60;
	[tilespmem:s26+$0xFFFFFFE0] =	vst v9;
	v9 =	vor.u32 s2, v1;
	v5 =	vor.u32 s28, v1;
	vm1 =	veq.s32 v12, $0x0  }
0x102: {  	p1 =	por $0x1, $0x1;
	s30 =	smov.u32 s26;
	vm0 =	veq.s32 v8, $0x0;
	v10 =	vsel vm1, $0x7D01, v12;
	vm1 =	vgt.s32 v63, v4;
	s0 =	sadd.s32 $0x40, s0;
	[tilespmem:s26+$0xFFFFFFF0] =	vst v11  }
.LBB2_56:
0x103: {  	v11 =	vld [tilespmem:s0+$0x0];
	s29 =	sadd.s32 $0x4, s29;
	vm2 =	veq.s32 v6, $0x0;
	v12 =	vor.u32 s31, v1;
	v10 =	vsel vm1, $0x0, v10;
	s30 =	sadd.s32 $0x40, s30  }
0x104: {  	v13 =	vsel vm0, $0x7D01, v8;
	p2 =	slt.u32 s29, s25;
	vm1 =	veq.s32 v7, $0x0;
	v8 =	vld [tilespmem:s0+$0xFFFFFFE0];
	v14 =	vsel vm2, $0x7D01, v6;
	[tilespmem:s30+$0x0] =	vst v10  }
.Ltmp29:
0x105: {  	vm0 =	vgt.s32 v9, v4;
	v6 =	vld [tilespmem:s0+$0xFFFFFFF0];
	v10 =	vsel vm1, $0x7D01, v7;
	vm1 =	vgt.s32 v12, v4;
	(pc) =	sbr.rel @p2 .LBB2_56-.Ltmp29, $4  }
0x106: {  	s28 =	sadd.s32 $0x40, s28;
	vm2 =	vgt.s32 v5, v4;
	v9 =	vsel vm0, $0x0, v13;
	v7 =	vld [tilespmem:s0+$0xFFFFFFD0];
	v12 =	vsel vm1, $0x0, v14  }
0x107: {  	v5 =	vor.u32 s28, v1;
	s2 =	sadd.s32 $0x10, s28;
	s31 =	sadd.s32 $0x20, s28;
	s10 =	sadd.s32 $0x30, s28;
	v10 =	vsel vm2, $0x0, v10;
	[tilespmem:s30+$0xFFFFFFE0] =	vst v9  }
0x108: {  	v13 =	vor.u32 s10, v1;
	v9 =	vor.u32 s2, v1;
	vm1 =	veq.s32 v11, $0x0;
	[tilespmem:s30+$0xFFFFFFD0] =	vst v10  }
0x109: {  	s0 =	sadd.s32 $0x40, s0;
	vm0 =	veq.s32 v8, $0x0;
	v10 =	vsel vm1, $0x7D01, v11;
	vm1 =	vgt.s32 v13, v4;
	[tilespmem:s30+$0xFFFFFFF0] =	vst v12  }
0x10a: {  	v11 =	vmov v8  }
.LBB2_58:
0x10b: {  	vm2 =	veq.s32 v6, $0x0;
	v8 =	vor.u32 s31, v1;
	v10 =	vsel vm1, $0x0, v10;
	s0 =	sadd.s32 @p1 $0x40, s30  }
0x10c: {  	vm12 =	veq.s32 v7, $0x0;
	v11 =	vsel vm0, $0x7D01, v11;
	vm13 =	vgt.s32 v9, v4;
	s26 =	smov.u32 @p1 s0  }
0x10d: {  	vm14 =	vgt.s32 v5, v4;
	v7 =	vsel vm12, $0x7D01, v7;
	v5 =	vsel vm13, $0x0, v11;
	[tilespmem:s26+$0x0] =	vst v10  }
0x10e: {  	v6 =	vsel vm2, $0x7D01, v6;
	vm15 =	vgt.s32 v8, v4;
	v4 =	vsel vm14, $0x0, v7;
	[tilespmem:s26+$0xFFFFFFE0] =	vst v5  }
0x10f: {  	v5 =	vsel vm15, $0x0, v6;
	[tilespmem:s26+$0xFFFFFFD0] =	vst v4  }
0x110: {  	[tilespmem:s26+$0xFFFFFFF0] =	vst v5  }
.LBB2_41:
0x111: {  	p1 =	sgt.u32 s25, s24  }
.Ltmp30:
0x112: {  	_ = 	snop;
	(pc) =	sbr.rel @p1 .LBB2_44-.Ltmp30, $1  }
0x113: {  	_ =	sdelay $0x3  }
0x114: {  	s2 =	sshrl.u32 s23, $0x2  }
0x115: {  	s0 =	sshll.u32 s2, $0x8  }
0x116: {  	s10 =	ssub.s32 s24, s25;
	s30 =	sadd.s32 s0, s17;
	s26 =	sadd.s32 s0, s18  }
0x117: {  	s28 =	sshll.u32 s2, $0x6;
	s31 =	sshra.s32 s30, $0x2;
	s26 =	sshra.s32 s26, $0x2  }
0x118: {  	v4 =	vbroadcast v3, $0x2;
	s0 =	sadd.s32 $0x1, s10;
	s25 =	sadd.s32 $0x4340, s31;
	s26 =	sadd.s32 $0x477, s26  }
.LBB2_43:
0x119: {  	v5 =	vld [tilespmem:s26+$0x0];
	_ =	sdelay $0x2  }
0x11a: {  	p1 =	sne.s32 s0, $0x1  }
.Ltmp31:
0x11b: {  	_ = 	snop;
	(pc) =	sbr.rel @p1 .LBB2_43-.Ltmp31, $4  }
0x11c: {  	v6 =	vor.u32 s28, v1;
	vm0 =	veq.s32 v5, $0x0  }
0x11d: {  	vm15 =	vgt.s32 v6, v4;
	v5 =	vsel vm0, $0x7D01, v5  }
0x11e: {  	s26 =	sadd.s32 $0x10, s26;
	v5 =	vsel vm15, $0x0, v5  }
0x11f: {  	s28 =	sadd.s32 $0x10, s28;
	s0 =	sadd.s32 $0xFFFFFFFF, s0;
	[tilespmem:s25+$0x0] =	vst v5;
	s25 =	sadd.s32 $0x10, s25  }
.LBB2_44:
0x120: {  	s0 =	ssub.s32 $0x1F, s24  }
0x121: {  	s2 =	sshrl.u32 s0, $0x1E  }
0x122: {  	s2 =	sadd.s32 s2, s0  }
0x123: {  	s25 =	sand.u32 $0xFFFFFFFC, s2  }
0x124: {  	p1 =	slt.s32 s25, $0x1  }
.Ltmp32:
0x125: {  	_ = 	snop;
	(pc) =	sbr.rel @p1 .LBB2_48-.Ltmp32, $2  }
0x126: {  	_ =	sdelay $0x2  }
0x127: {  	s26 =	sadd.s32 s23, s25  }
0x128: {  	s2 =	sshll.u32 s24, $0x6;
	s23 =	sadd.s32 $0x4, s23  }
0x129: {  	s2 =	sadd.s32 s2, s17;
	p1 =	slt.u32 s23, s26  }
.Ltmp33:
0x12a: {  	s2 =	sshra.s32 s2, $0x2;
	(pc) =	sbr.rel @!p1 .LBB2_47-.Ltmp33, $4  }
0x12b: {  	s24 =	sadd.s32 $0x4380, s2  }
0x12c: {  	[tilespmem:s24+$0xFFFFFFD0] =	vst v0  }
0x12d: {  	[tilespmem:s24+$0x0] =	vst v0  }
0x12e: {  	[tilespmem:s24+$0xFFFFFFF0] =	vst v0  }
.LBB2_46:
0x12f: {  	s23 =	sadd.s32 $0x4, s23  }
0x130: {  	[tilespmem:s24+$0xFFFFFFE0] =	vst v0;
	s24 =	sadd.s32 $0x40, s24;
	p1 =	slt.u32 s23, s26  }
.Ltmp34:
0x131: {  	[tilespmem:s24+$0xFFFFFFD0] =	vst v0;
	(pc) =	sbr.rel @p1 .LBB2_46-.Ltmp34, $3  }
0x132: {  	_ =	sdelay $0x1  }
0x133: {  	[tilespmem:s24+$0x0] =	vst v0  }
0x134: {  	[tilespmem:s24+$0xFFFFFFF0] =	vst v0  }
.LBB2_47:
0x135: {  	[tilespmem:s24+$0xFFFFFFE0] =	vst v0  }
.LBB2_48:
0x136: {  	p1 =	sgt.s32 s26, $0x1F  }
.Ltmp35:
0x137: {  	_ = 	snop;
	(pc) =	sbr.rel @p1 .LBB2_51-.Ltmp35, $1  }
0x138: {  	_ =	sdelay $0x3  }
0x139: {  	s0 =	ssub.s32 s0, s25  }
0x13a: {  	s2 =	sshll.u32 s0, $0x6  }
0x13b: {  	s2 =	ssub.s32 s17, s2  }
0x13c: {  	s2 =	sshra.s32 s2, $0x2  }
0x13d: {  	s23 =	sadd.s32 $0x4540, s2  }
.LBB2_50:
0x13e: {  	p1 =	sne.s32 s0, $0x1  }
.Ltmp36:
0x13f: {  	_ = 	snop;
	(pc) =	sbr.rel @p1 .LBB2_50-.Ltmp36, $2  }
0x140: {  	_ =	sdelay $0x2  }
0x141: {  	[tilespmem:s23+$0x0] =	vst v0;
	s23 =	sadd.s32 $0x10, s23;
	s0 =	sadd.s32 $0xFFFFFFFF, s0  }
.LBB2_51:
0x142: {  	(v2sf) =	vpush v3, $0x3;
	_ =	sdelay $0xe  }
0x143: {  	s2 =	spop (v2sf)  }
0x144: {  	v4 =	vmov s22;
	s22 =	sadd.s32 $0x1, s2  }
0x145: {  	s24 =	sshrl.u32 s22, $0x4  }
0x146: {  	vm0 =	veq.s32 v1, $0x0;
	s23 =	sadd.s32 $0x1, s24  }
0x147: {  	s0 =	sor.u32 $0x400, s19;
	v4 =	vsel vm0, $0x0, v4;
	s25 =	sand.u32 $0x1FFFFFFC, s23  }
0x148: {  	v4 =	vadd.s32 s0, v4;
	p1 =	seq.s32 s25, $0x0  }
.Ltmp37:
0x149: {  	_ = 	snop;
	(pc) =	sbr.rel @p1 .LBB2_59-.Ltmp37, $2  }
0x14a: {  	_ =	sdelay $0x2  }
0x14b: {  	[tilespmem:v4+s13+$0x0] =	vst.idx.msk $0x3, v2  }
0x14c: {  	s0 =	sadd.s32 $0x69B, s20  }
0x14d: {  	v8 =	vld [tilespmem:s0+$0x0]  }
0x14e: {  	p2 =	sgt.u32 s25, $0x4;
	v11 =	vld [tilespmem:s0+$0xFFFFFFE0]  }
.Ltmp38:
0x14f: {  	_ = 	snop;
	(pc) =	sbr.rel @!p2 .LBB2_53-.Ltmp38, $4  }
0x150: {  	s28 =	simm.s32 $0x0  }
0x151: {  	v4 =	vbroadcast v3, $0x3;
	s2 =	simm.s32 $0x10;
	s10 =	simm.s32 $0x30;
	v5 =	vor.u32 s28, v1  }
0x152: {  	s26 =	sor.u32 $0x4570, s21;
	v6 =	vld [tilespmem:s0+$0xFFFFFFF0];
	v9 =	vor.u32 s2, v1;
	v12 =	vor.u32 s10, v1;
	vm1 =	veq.s32 v8, $0x0  }
0x153: {  	s31 =	simm.s32 $0x20;
	p1 =	por $0x0, $0x0;
	v7 =	vld [tilespmem:s0+$0xFFFFFFD0];
	s0 =	sadd.s32 $0x40, s0;
	vm0 =	veq.s32 v11, $0x0;
	v10 =	vsel vm1, $0x7D01, v8;
	vm1 =	vgt.s32 v12, v4  }
0x154: {  	_ =	sdelay $0x1  }
0x155: {  	v13 =	vor.u32 s31, v1  }
0x156: {  	v10 =	vsel vm1, $0x0, v10;
	v11 =	vsel vm0, $0x7D01, v11;
	vm2 =	veq.s32 v6, $0x0  }
0x157: {  	v12 =	vld [tilespmem:s0+$0x0];
	vm0 =	vgt.s32 v9, v4;
	vm1 =	veq.s32 v7, $0x0;
	v6 =	vsel vm2, $0x7D01, v6  }
0x158: {  	v8 =	vld [tilespmem:s0+$0xFFFFFFE0];
	p2 =	sgt.u32 s25, $0x8;
	vm2 =	vgt.s32 v5, v4;
	v7 =	vsel vm1, $0x7D01, v7;
	vm1 =	vgt.s32 v13, v4  }
.Ltmp39:
0x159: {  	v9 =	vsel vm0, $0x0, v11;
	v11 =	vsel vm1, $0x0, v6;
	v7 =	vsel vm2, $0x0, v7;
	v6 =	vld [tilespmem:s0+$0xFFFFFFF0];
	(pc) =	sbr.rel @!p2 .LBB2_73-.Ltmp39, $4  }
0x15a: {  	s10 =	simm.s32 $0x70;
	[tilespmem:s26+$0xFFFFFFD0] =	vst v7;
	v7 =	vld [tilespmem:s0+$0xFFFFFFD0]  }
0x15b: {  	s28 =	simm.s32 $0x40;
	s2 =	simm.s32 $0x50;
	[tilespmem:s26+$0x0] =	vst v10;
	v63 =	vor.u32 s10, v1  }
0x15c: {  	s29 =	simm.s32 $0x8;
	s31 =	simm.s32 $0x60;
	[tilespmem:s26+$0xFFFFFFE0] =	vst v9;
	v9 =	vor.u32 s2, v1;
	v5 =	vor.u32 s28, v1;
	vm1 =	veq.s32 v12, $0x0  }
0x15d: {  	p1 =	por $0x1, $0x1;
	s30 =	smov.u32 s26;
	vm0 =	veq.s32 v8, $0x0;
	v10 =	vsel vm1, $0x7D01, v12;
	vm1 =	vgt.s32 v63, v4;
	s0 =	sadd.s32 $0x40, s0;
	[tilespmem:s26+$0xFFFFFFF0] =	vst v11  }
.LBB2_74:
0x15e: {  	v11 =	vld [tilespmem:s0+$0x0];
	s29 =	sadd.s32 $0x4, s29;
	vm2 =	veq.s32 v6, $0x0;
	v12 =	vor.u32 s31, v1;
	v10 =	vsel vm1, $0x0, v10;
	s30 =	sadd.s32 $0x40, s30  }
0x15f: {  	v13 =	vsel vm0, $0x7D01, v8;
	p2 =	slt.u32 s29, s25;
	vm1 =	veq.s32 v7, $0x0;
	v8 =	vld [tilespmem:s0+$0xFFFFFFE0];
	v14 =	vsel vm2, $0x7D01, v6;
	[tilespmem:s30+$0x0] =	vst v10  }
.Ltmp40:
0x160: {  	vm0 =	vgt.s32 v9, v4;
	v6 =	vld [tilespmem:s0+$0xFFFFFFF0];
	v10 =	vsel vm1, $0x7D01, v7;
	vm1 =	vgt.s32 v12, v4;
	(pc) =	sbr.rel @p2 .LBB2_74-.Ltmp40, $4  }
0x161: {  	s28 =	sadd.s32 $0x40, s28;
	vm2 =	vgt.s32 v5, v4;
	v9 =	vsel vm0, $0x0, v13;
	v7 =	vld [tilespmem:s0+$0xFFFFFFD0];
	v12 =	vsel vm1, $0x0, v14  }
0x162: {  	v5 =	vor.u32 s28, v1;
	s2 =	sadd.s32 $0x10, s28;
	s31 =	sadd.s32 $0x20, s28;
	s10 =	sadd.s32 $0x30, s28;
	v10 =	vsel vm2, $0x0, v10;
	[tilespmem:s30+$0xFFFFFFE0] =	vst v9  }
0x163: {  	v13 =	vor.u32 s10, v1;
	v9 =	vor.u32 s2, v1;
	vm1 =	veq.s32 v11, $0x0;
	[tilespmem:s30+$0xFFFFFFD0] =	vst v10  }
0x164: {  	s0 =	sadd.s32 $0x40, s0;
	vm0 =	veq.s32 v8, $0x0;
	v10 =	vsel vm1, $0x7D01, v11;
	vm1 =	vgt.s32 v13, v4;
	[tilespmem:s30+$0xFFFFFFF0] =	vst v12  }
0x165: {  	v11 =	vmov v8  }
.LBB2_76:
0x166: {  	vm2 =	veq.s32 v6, $0x0;
	v8 =	vor.u32 s31, v1;
	v10 =	vsel vm1, $0x0, v10;
	s0 =	sadd.s32 @p1 $0x40, s30  }
0x167: {  	vm12 =	veq.s32 v7, $0x0;
	v11 =	vsel vm0, $0x7D01, v11;
	vm13 =	vgt.s32 v9, v4;
	s26 =	smov.u32 @p1 s0  }
0x168: {  	vm14 =	vgt.s32 v5, v4;
	v7 =	vsel vm12, $0x7D01, v7;
	v5 =	vsel vm13, $0x0, v11;
	[tilespmem:s26+$0x0] =	vst v10  }
0x169: {  	v6 =	vsel vm2, $0x7D01, v6;
	vm15 =	vgt.s32 v8, v4;
	v4 =	vsel vm14, $0x0, v7;
	[tilespmem:s26+$0xFFFFFFE0] =	vst v5  }
0x16a: {  	v5 =	vsel vm15, $0x0, v6;
	[tilespmem:s26+$0xFFFFFFD0] =	vst v4  }
0x16b: {  	[tilespmem:s26+$0xFFFFFFF0] =	vst v5  }
.LBB2_59:
0x16c: {  	p1 =	sgt.u32 s25, s24  }
.Ltmp41:
0x16d: {  	_ = 	snop;
	(pc) =	sbr.rel @p1 .LBB2_62-.Ltmp41, $1  }
0x16e: {  	_ =	sdelay $0x3  }
0x16f: {  	s2 =	sshrl.u32 s23, $0x2  }
0x170: {  	s0 =	sshll.u32 s2, $0x8  }
0x171: {  	s10 =	ssub.s32 s24, s25;
	s30 =	sadd.s32 s0, s17;
	s26 =	sadd.s32 s0, s18  }
0x172: {  	s28 =	sshll.u32 s2, $0x6;
	s31 =	sshra.s32 s30, $0x2;
	s26 =	sshra.s32 s26, $0x2  }
0x173: {  	v4 =	vbroadcast v3, $0x3;
	s0 =	sadd.s32 $0x1, s10;
	s25 =	sadd.s32 $0x4540, s31;
	s26 =	sadd.s32 $0x66B, s26  }
.LBB2_61:
0x174: {  	v5 =	vld [tilespmem:s26+$0x0];
	_ =	sdelay $0x2  }
0x175: {  	p1 =	sne.s32 s0, $0x1  }
.Ltmp42:
0x176: {  	_ = 	snop;
	(pc) =	sbr.rel @p1 .LBB2_61-.Ltmp42, $4  }
0x177: {  	v6 =	vor.u32 s28, v1;
	vm0 =	veq.s32 v5, $0x0  }
0x178: {  	vm15 =	vgt.s32 v6, v4;
	v5 =	vsel vm0, $0x7D01, v5  }
0x179: {  	s26 =	sadd.s32 $0x10, s26;
	v5 =	vsel vm15, $0x0, v5  }
0x17a: {  	s28 =	sadd.s32 $0x10, s28;
	s0 =	sadd.s32 $0xFFFFFFFF, s0;
	[tilespmem:s25+$0x0] =	vst v5;
	s25 =	sadd.s32 $0x10, s25  }
.LBB2_62:
0x17b: {  	s0 =	ssub.s32 $0x1F, s24  }
0x17c: {  	s2 =	sshrl.u32 s0, $0x1E  }
0x17d: {  	s2 =	sadd.s32 s2, s0  }
0x17e: {  	s25 =	sand.u32 $0xFFFFFFFC, s2  }
0x17f: {  	p1 =	slt.s32 s25, $0x1  }
.Ltmp43:
0x180: {  	_ = 	snop;
	(pc) =	sbr.rel @p1 .LBB2_66-.Ltmp43, $2  }
0x181: {  	_ =	sdelay $0x2  }
0x182: {  	s26 =	sadd.s32 s23, s25  }
0x183: {  	s2 =	sshll.u32 s24, $0x6;
	s23 =	sadd.s32 $0x4, s23  }
0x184: {  	s2 =	sadd.s32 s2, s17;
	p1 =	slt.u32 s23, s26  }
.Ltmp44:
0x185: {  	s2 =	sshra.s32 s2, $0x2;
	(pc) =	sbr.rel @!p1 .LBB2_65-.Ltmp44, $4  }
0x186: {  	s24 =	sadd.s32 $0x4580, s2  }
0x187: {  	[tilespmem:s24+$0xFFFFFFD0] =	vst v0  }
0x188: {  	[tilespmem:s24+$0x0] =	vst v0  }
0x189: {  	[tilespmem:s24+$0xFFFFFFF0] =	vst v0  }
.LBB2_64:
0x18a: {  	s23 =	sadd.s32 $0x4, s23  }
0x18b: {  	[tilespmem:s24+$0xFFFFFFE0] =	vst v0;
	s24 =	sadd.s32 $0x40, s24;
	p1 =	slt.u32 s23, s26  }
.Ltmp45:
0x18c: {  	[tilespmem:s24+$0xFFFFFFD0] =	vst v0;
	(pc) =	sbr.rel @p1 .LBB2_64-.Ltmp45, $3  }
0x18d: {  	_ =	sdelay $0x1  }
0x18e: {  	[tilespmem:s24+$0x0] =	vst v0  }
0x18f: {  	[tilespmem:s24+$0xFFFFFFF0] =	vst v0  }
.LBB2_65:
0x190: {  	[tilespmem:s24+$0xFFFFFFE0] =	vst v0  }
.LBB2_66:
0x191: {  	p1 =	sgt.s32 s26, $0x1F  }
.Ltmp46:
0x192: {  	_ = 	snop;
	(pc) =	sbr.rel @p1 .LBB2_69-.Ltmp46, $1  }
0x193: {  	_ =	sdelay $0x3  }
0x194: {  	s0 =	ssub.s32 s0, s25  }
0x195: {  	s2 =	sshll.u32 s0, $0x6  }
0x196: {  	s2 =	ssub.s32 s17, s2  }
0x197: {  	s2 =	sshra.s32 s2, $0x2  }
0x198: {  	s23 =	sadd.s32 $0x4740, s2  }
.LBB2_68:
0x199: {  	p1 =	sne.s32 s0, $0x1  }
.Ltmp47:
0x19a: {  	_ = 	snop;
	(pc) =	sbr.rel @p1 .LBB2_68-.Ltmp47, $2  }
0x19b: {  	_ =	sdelay $0x2  }
0x19c: {  	[tilespmem:s23+$0x0] =	vst v0;
	s23 =	sadd.s32 $0x10, s23;
	s0 =	sadd.s32 $0xFFFFFFFF, s0  }
.LBB2_69:
0x19d: {  	(v2sf) =	vpush v3, $0x4;
	_ =	sdelay $0xe  }
0x19e: {  	s2 =	spop (v2sf)  }
0x19f: {  	v4 =	vmov s22;
	s22 =	sadd.s32 $0x1, s2  }
0x1a0: {  	s24 =	sshrl.u32 s22, $0x4  }
0x1a1: {  	vm0 =	veq.s32 v1, $0x0;
	s23 =	sadd.s32 $0x1, s24  }
0x1a2: {  	s0 =	sor.u32 $0x600, s19;
	v4 =	vsel vm0, $0x0, v4;
	s25 =	sand.u32 $0x1FFFFFFC, s23  }
0x1a3: {  	v4 =	vadd.s32 s0, v4;
	p1 =	seq.s32 s25, $0x0  }
.Ltmp48:
0x1a4: {  	_ = 	snop;
	(pc) =	sbr.rel @p1 .LBB2_77-.Ltmp48, $2  }
0x1a5: {  	_ =	sdelay $0x2  }
0x1a6: {  	[tilespmem:v4+s13+$0x0] =	vst.idx.msk $0x3, v2  }
0x1a7: {  	s0 =	sadd.s32 $0x88F, s20  }
0x1a8: {  	v8 =	vld [tilespmem:s0+$0x0]  }
0x1a9: {  	p2 =	sgt.u32 s25, $0x4;
	v11 =	vld [tilespmem:s0+$0xFFFFFFE0]  }
.Ltmp49:
0x1aa: {  	_ = 	snop;
	(pc) =	sbr.rel @!p2 .LBB2_71-.Ltmp49, $4  }
0x1ab: {  	s28 =	simm.s32 $0x0  }
0x1ac: {  	v4 =	vbroadcast v3, $0x4;
	s2 =	simm.s32 $0x10;
	s10 =	simm.s32 $0x30;
	v5 =	vor.u32 s28, v1  }
0x1ad: {  	s26 =	sor.u32 $0x4770, s21;
	v6 =	vld [tilespmem:s0+$0xFFFFFFF0];
	v9 =	vor.u32 s2, v1;
	v12 =	vor.u32 s10, v1;
	vm1 =	veq.s32 v8, $0x0  }
0x1ae: {  	s31 =	simm.s32 $0x20;
	p1 =	por $0x0, $0x0;
	v7 =	vld [tilespmem:s0+$0xFFFFFFD0];
	s0 =	sadd.s32 $0x40, s0;
	vm0 =	veq.s32 v11, $0x0;
	v10 =	vsel vm1, $0x7D01, v8;
	vm1 =	vgt.s32 v12, v4  }
0x1af: {  	_ =	sdelay $0x1  }
0x1b0: {  	v13 =	vor.u32 s31, v1  }
0x1b1: {  	v10 =	vsel vm1, $0x0, v10;
	v11 =	vsel vm0, $0x7D01, v11;
	vm2 =	veq.s32 v6, $0x0  }
0x1b2: {  	v12 =	vld [tilespmem:s0+$0x0];
	vm0 =	vgt.s32 v9, v4;
	vm1 =	veq.s32 v7, $0x0;
	v6 =	vsel vm2, $0x7D01, v6  }
0x1b3: {  	v8 =	vld [tilespmem:s0+$0xFFFFFFE0];
	p2 =	sgt.u32 s25, $0x8;
	vm2 =	vgt.s32 v5, v4;
	v7 =	vsel vm1, $0x7D01, v7;
	vm1 =	vgt.s32 v13, v4  }
.Ltmp50:
0x1b4: {  	v9 =	vsel vm0, $0x0, v11;
	v11 =	vsel vm1, $0x0, v6;
	v7 =	vsel vm2, $0x0, v7;
	v6 =	vld [tilespmem:s0+$0xFFFFFFF0];
	(pc) =	sbr.rel @!p2 .LBB2_91-.Ltmp50, $4  }
0x1b5: {  	s10 =	simm.s32 $0x70;
	[tilespmem:s26+$0xFFFFFFD0] =	vst v7;
	v7 =	vld [tilespmem:s0+$0xFFFFFFD0]  }
0x1b6: {  	s28 =	simm.s32 $0x40;
	s2 =	simm.s32 $0x50;
	[tilespmem:s26+$0x0] =	vst v10;
	v63 =	vor.u32 s10, v1  }
0x1b7: {  	s29 =	simm.s32 $0x8;
	s31 =	simm.s32 $0x60;
	[tilespmem:s26+$0xFFFFFFE0] =	vst v9;
	v9 =	vor.u32 s2, v1;
	v5 =	vor.u32 s28, v1;
	vm1 =	veq.s32 v12, $0x0  }
0x1b8: {  	p1 =	por $0x1, $0x1;
	s30 =	smov.u32 s26;
	vm0 =	veq.s32 v8, $0x0;
	v10 =	vsel vm1, $0x7D01, v12;
	vm1 =	vgt.s32 v63, v4;
	s0 =	sadd.s32 $0x40, s0;
	[tilespmem:s26+$0xFFFFFFF0] =	vst v11  }
.LBB2_92:
0x1b9: {  	v11 =	vld [tilespmem:s0+$0x0];
	s29 =	sadd.s32 $0x4, s29;
	vm2 =	veq.s32 v6, $0x0;
	v12 =	vor.u32 s31, v1;
	v10 =	vsel vm1, $0x0, v10;
	s30 =	sadd.s32 $0x40, s30  }
0x1ba: {  	v13 =	vsel vm0, $0x7D01, v8;
	p2 =	slt.u32 s29, s25;
	vm1 =	veq.s32 v7, $0x0;
	v8 =	vld [tilespmem:s0+$0xFFFFFFE0];
	v14 =	vsel vm2, $0x7D01, v6;
	[tilespmem:s30+$0x0] =	vst v10  }
.Ltmp51:
0x1bb: {  	vm0 =	vgt.s32 v9, v4;
	v6 =	vld [tilespmem:s0+$0xFFFFFFF0];
	v10 =	vsel vm1, $0x7D01, v7;
	vm1 =	vgt.s32 v12, v4;
	(pc) =	sbr.rel @p2 .LBB2_92-.Ltmp51, $4  }
0x1bc: {  	s28 =	sadd.s32 $0x40, s28;
	vm2 =	vgt.s32 v5, v4;
	v9 =	vsel vm0, $0x0, v13;
	v7 =	vld [tilespmem:s0+$0xFFFFFFD0];
	v12 =	vsel vm1, $0x0, v14  }
0x1bd: {  	v5 =	vor.u32 s28, v1;
	s2 =	sadd.s32 $0x10, s28;
	s31 =	sadd.s32 $0x20, s28;
	s10 =	sadd.s32 $0x30, s28;
	v10 =	vsel vm2, $0x0, v10;
	[tilespmem:s30+$0xFFFFFFE0] =	vst v9  }
0x1be: {  	v13 =	vor.u32 s10, v1;
	v9 =	vor.u32 s2, v1;
	vm1 =	veq.s32 v11, $0x0;
	[tilespmem:s30+$0xFFFFFFD0] =	vst v10  }
0x1bf: {  	s0 =	sadd.s32 $0x40, s0;
	vm0 =	veq.s32 v8, $0x0;
	v10 =	vsel vm1, $0x7D01, v11;
	vm1 =	vgt.s32 v13, v4;
	[tilespmem:s30+$0xFFFFFFF0] =	vst v12  }
0x1c0: {  	v11 =	vmov v8  }
.LBB2_94:
0x1c1: {  	vm2 =	veq.s32 v6, $0x0;
	v8 =	vor.u32 s31, v1;
	v10 =	vsel vm1, $0x0, v10;
	s0 =	sadd.s32 @p1 $0x40, s30  }
0x1c2: {  	vm12 =	veq.s32 v7, $0x0;
	v11 =	vsel vm0, $0x7D01, v11;
	vm13 =	vgt.s32 v9, v4;
	s26 =	smov.u32 @p1 s0  }
0x1c3: {  	vm14 =	vgt.s32 v5, v4;
	v7 =	vsel vm12, $0x7D01, v7;
	v5 =	vsel vm13, $0x0, v11;
	[tilespmem:s26+$0x0] =	vst v10  }
0x1c4: {  	v6 =	vsel vm2, $0x7D01, v6;
	vm15 =	vgt.s32 v8, v4;
	v4 =	vsel vm14, $0x0, v7;
	[tilespmem:s26+$0xFFFFFFE0] =	vst v5  }
0x1c5: {  	v5 =	vsel vm15, $0x0, v6;
	[tilespmem:s26+$0xFFFFFFD0] =	vst v4  }
0x1c6: {  	[tilespmem:s26+$0xFFFFFFF0] =	vst v5  }
.LBB2_77:
0x1c7: {  	p1 =	sgt.u32 s25, s24  }
.Ltmp52:
0x1c8: {  	_ = 	snop;
	(pc) =	sbr.rel @p1 .LBB2_80-.Ltmp52, $1  }
0x1c9: {  	_ =	sdelay $0x3  }
0x1ca: {  	s2 =	sshrl.u32 s23, $0x2  }
0x1cb: {  	s0 =	sshll.u32 s2, $0x8  }
0x1cc: {  	s10 =	ssub.s32 s24, s25;
	s30 =	sadd.s32 s0, s17;
	s26 =	sadd.s32 s0, s18  }
0x1cd: {  	s28 =	sshll.u32 s2, $0x6;
	s31 =	sshra.s32 s30, $0x2;
	s26 =	sshra.s32 s26, $0x2  }
0x1ce: {  	v4 =	vbroadcast v3, $0x4;
	s0 =	sadd.s32 $0x1, s10;
	s25 =	sadd.s32 $0x4740, s31;
	s26 =	sadd.s32 $0x85F, s26  }
.LBB2_79:
0x1cf: {  	v5 =	vld [tilespmem:s26+$0x0];
	_ =	sdelay $0x2  }
0x1d0: {  	p1 =	sne.s32 s0, $0x1  }
.Ltmp53:
0x1d1: {  	_ = 	snop;
	(pc) =	sbr.rel @p1 .LBB2_79-.Ltmp53, $4  }
0x1d2: {  	v6 =	vor.u32 s28, v1;
	vm0 =	veq.s32 v5, $0x0  }
0x1d3: {  	vm15 =	vgt.s32 v6, v4;
	v5 =	vsel vm0, $0x7D01, v5  }
0x1d4: {  	s26 =	sadd.s32 $0x10, s26;
	v5 =	vsel vm15, $0x0, v5  }
0x1d5: {  	s28 =	sadd.s32 $0x10, s28;
	s0 =	sadd.s32 $0xFFFFFFFF, s0;
	[tilespmem:s25+$0x0] =	vst v5;
	s25 =	sadd.s32 $0x10, s25  }
.LBB2_80:
0x1d6: {  	s0 =	ssub.s32 $0x1F, s24  }
0x1d7: {  	s2 =	sshrl.u32 s0, $0x1E  }
0x1d8: {  	s2 =	sadd.s32 s2, s0  }
0x1d9: {  	s25 =	sand.u32 $0xFFFFFFFC, s2  }
0x1da: {  	p1 =	slt.s32 s25, $0x1  }
.Ltmp54:
0x1db: {  	_ = 	snop;
	(pc) =	sbr.rel @p1 .LBB2_84-.Ltmp54, $2  }
0x1dc: {  	_ =	sdelay $0x2  }
0x1dd: {  	s26 =	sadd.s32 s23, s25  }
0x1de: {  	s2 =	sshll.u32 s24, $0x6;
	s23 =	sadd.s32 $0x4, s23  }
0x1df: {  	s2 =	sadd.s32 s2, s17;
	p1 =	slt.u32 s23, s26  }
.Ltmp55:
0x1e0: {  	s2 =	sshra.s32 s2, $0x2;
	(pc) =	sbr.rel @!p1 .LBB2_83-.Ltmp55, $4  }
0x1e1: {  	s24 =	sadd.s32 $0x4780, s2  }
0x1e2: {  	[tilespmem:s24+$0xFFFFFFD0] =	vst v0  }
0x1e3: {  	[tilespmem:s24+$0x0] =	vst v0  }
0x1e4: {  	[tilespmem:s24+$0xFFFFFFF0] =	vst v0  }
.LBB2_82:
0x1e5: {  	s23 =	sadd.s32 $0x4, s23  }
0x1e6: {  	[tilespmem:s24+$0xFFFFFFE0] =	vst v0;
	s24 =	sadd.s32 $0x40, s24;
	p1 =	slt.u32 s23, s26  }
.Ltmp56:
0x1e7: {  	[tilespmem:s24+$0xFFFFFFD0] =	vst v0;
	(pc) =	sbr.rel @p1 .LBB2_82-.Ltmp56, $3  }
0x1e8: {  	_ =	sdelay $0x1  }
0x1e9: {  	[tilespmem:s24+$0x0] =	vst v0  }
0x1ea: {  	[tilespmem:s24+$0xFFFFFFF0] =	vst v0  }
.LBB2_83:
0x1eb: {  	[tilespmem:s24+$0xFFFFFFE0] =	vst v0  }
.LBB2_84:
0x1ec: {  	p1 =	sgt.s32 s26, $0x1F  }
.Ltmp57:
0x1ed: {  	_ = 	snop;
	(pc) =	sbr.rel @p1 .LBB2_87-.Ltmp57, $1  }
0x1ee: {  	_ =	sdelay $0x3  }
0x1ef: {  	s0 =	ssub.s32 s0, s25  }
0x1f0: {  	s2 =	sshll.u32 s0, $0x6  }
0x1f1: {  	s2 =	ssub.s32 s17, s2  }
0x1f2: {  	s2 =	sshra.s32 s2, $0x2  }
0x1f3: {  	s23 =	sadd.s32 $0x4940, s2  }
.LBB2_86:
0x1f4: {  	p1 =	sne.s32 s0, $0x1  }
.Ltmp58:
0x1f5: {  	_ = 	snop;
	(pc) =	sbr.rel @p1 .LBB2_86-.Ltmp58, $2  }
0x1f6: {  	_ =	sdelay $0x2  }
0x1f7: {  	[tilespmem:s23+$0x0] =	vst v0;
	s23 =	sadd.s32 $0x10, s23;
	s0 =	sadd.s32 $0xFFFFFFFF, s0  }
.LBB2_87:
0x1f8: {  	(v2sf) =	vpush v3, $0x5;
	_ =	sdelay $0xe  }
0x1f9: {  	s2 =	spop (v2sf)  }
0x1fa: {  	v4 =	vmov s22;
	s22 =	sadd.s32 $0x1, s2  }
0x1fb: {  	s24 =	sshrl.u32 s22, $0x4  }
0x1fc: {  	vm0 =	veq.s32 v1, $0x0;
	s23 =	sadd.s32 $0x1, s24  }
0x1fd: {  	s0 =	sor.u32 $0x800, s19;
	v4 =	vsel vm0, $0x0, v4;
	s25 =	sand.u32 $0x1FFFFFFC, s23  }
0x1fe: {  	v4 =	vadd.s32 s0, v4;
	p1 =	seq.s32 s25, $0x0  }
.Ltmp59:
0x1ff: {  	_ = 	snop;
	(pc) =	sbr.rel @p1 .LBB2_95-.Ltmp59, $2  }
0x200: {  	_ =	sdelay $0x2  }
0x201: {  	[tilespmem:v4+s13+$0x0] =	vst.idx.msk $0x3, v2  }
0x202: {  	s0 =	sadd.s32 $0xA83, s20  }
0x203: {  	v8 =	vld [tilespmem:s0+$0x0]  }
0x204: {  	p2 =	sgt.u32 s25, $0x4;
	v11 =	vld [tilespmem:s0+$0xFFFFFFE0]  }
.Ltmp60:
0x205: {  	_ = 	snop;
	(pc) =	sbr.rel @!p2 .LBB2_89-.Ltmp60, $4  }
0x206: {  	s28 =	simm.s32 $0x0  }
0x207: {  	v4 =	vbroadcast v3, $0x5;
	s2 =	simm.s32 $0x10;
	s10 =	simm.s32 $0x30;
	v5 =	vor.u32 s28, v1  }
0x208: {  	s26 =	sor.u32 $0x4970, s21;
	v6 =	vld [tilespmem:s0+$0xFFFFFFF0];
	v9 =	vor.u32 s2, v1;
	v12 =	vor.u32 s10, v1;
	vm1 =	veq.s32 v8, $0x0  }
0x209: {  	s31 =	simm.s32 $0x20;
	p1 =	por $0x0, $0x0;
	v7 =	vld [tilespmem:s0+$0xFFFFFFD0];
	s0 =	sadd.s32 $0x40, s0;
	vm0 =	veq.s32 v11, $0x0;
	v10 =	vsel vm1, $0x7D01, v8;
	vm1 =	vgt.s32 v12, v4  }
0x20a: {  	_ =	sdelay $0x1  }
0x20b: {  	v13 =	vor.u32 s31, v1  }
0x20c: {  	v10 =	vsel vm1, $0x0, v10;
	v11 =	vsel vm0, $0x7D01, v11;
	vm2 =	veq.s32 v6, $0x0  }
0x20d: {  	v12 =	vld [tilespmem:s0+$0x0];
	vm0 =	vgt.s32 v9, v4;
	vm1 =	veq.s32 v7, $0x0;
	v6 =	vsel vm2, $0x7D01, v6  }
0x20e: {  	v8 =	vld [tilespmem:s0+$0xFFFFFFE0];
	p2 =	sgt.u32 s25, $0x8;
	vm2 =	vgt.s32 v5, v4;
	v7 =	vsel vm1, $0x7D01, v7;
	vm1 =	vgt.s32 v13, v4  }
.Ltmp61:
0x20f: {  	v9 =	vsel vm0, $0x0, v11;
	v11 =	vsel vm1, $0x0, v6;
	v7 =	vsel vm2, $0x0, v7;
	v6 =	vld [tilespmem:s0+$0xFFFFFFF0];
	(pc) =	sbr.rel @!p2 .LBB2_109-.Ltmp61, $4  }
0x210: {  	s10 =	simm.s32 $0x70;
	[tilespmem:s26+$0xFFFFFFD0] =	vst v7;
	v7 =	vld [tilespmem:s0+$0xFFFFFFD0]  }
0x211: {  	s28 =	simm.s32 $0x40;
	s2 =	simm.s32 $0x50;
	[tilespmem:s26+$0x0] =	vst v10;
	v63 =	vor.u32 s10, v1  }
0x212: {  	s29 =	simm.s32 $0x8;
	s31 =	simm.s32 $0x60;
	[tilespmem:s26+$0xFFFFFFE0] =	vst v9;
	v9 =	vor.u32 s2, v1;
	v5 =	vor.u32 s28, v1;
	vm1 =	veq.s32 v12, $0x0  }
0x213: {  	p1 =	por $0x1, $0x1;
	s30 =	smov.u32 s26;
	vm0 =	veq.s32 v8, $0x0;
	v10 =	vsel vm1, $0x7D01, v12;
	vm1 =	vgt.s32 v63, v4;
	s0 =	sadd.s32 $0x40, s0;
	[tilespmem:s26+$0xFFFFFFF0] =	vst v11  }
.LBB2_110:
0x214: {  	v11 =	vld [tilespmem:s0+$0x0];
	s29 =	sadd.s32 $0x4, s29;
	vm2 =	veq.s32 v6, $0x0;
	v12 =	vor.u32 s31, v1;
	v10 =	vsel vm1, $0x0, v10;
	s30 =	sadd.s32 $0x40, s30  }
0x215: {  	v13 =	vsel vm0, $0x7D01, v8;
	p2 =	slt.u32 s29, s25;
	vm1 =	veq.s32 v7, $0x0;
	v8 =	vld [tilespmem:s0+$0xFFFFFFE0];
	v14 =	vsel vm2, $0x7D01, v6;
	[tilespmem:s30+$0x0] =	vst v10  }
.Ltmp62:
0x216: {  	vm0 =	vgt.s32 v9, v4;
	v6 =	vld [tilespmem:s0+$0xFFFFFFF0];
	v10 =	vsel vm1, $0x7D01, v7;
	vm1 =	vgt.s32 v12, v4;
	(pc) =	sbr.rel @p2 .LBB2_110-.Ltmp62, $4  }
0x217: {  	s28 =	sadd.s32 $0x40, s28;
	vm2 =	vgt.s32 v5, v4;
	v9 =	vsel vm0, $0x0, v13;
	v7 =	vld [tilespmem:s0+$0xFFFFFFD0];
	v12 =	vsel vm1, $0x0, v14  }
0x218: {  	v5 =	vor.u32 s28, v1;
	s2 =	sadd.s32 $0x10, s28;
	s31 =	sadd.s32 $0x20, s28;
	s10 =	sadd.s32 $0x30, s28;
	v10 =	vsel vm2, $0x0, v10;
	[tilespmem:s30+$0xFFFFFFE0] =	vst v9  }
0x219: {  	v13 =	vor.u32 s10, v1;
	v9 =	vor.u32 s2, v1;
	vm1 =	veq.s32 v11, $0x0;
	[tilespmem:s30+$0xFFFFFFD0] =	vst v10  }
0x21a: {  	s0 =	sadd.s32 $0x40, s0;
	vm0 =	veq.s32 v8, $0x0;
	v10 =	vsel vm1, $0x7D01, v11;
	vm1 =	vgt.s32 v13, v4;
	[tilespmem:s30+$0xFFFFFFF0] =	vst v12  }
0x21b: {  	v11 =	vmov v8  }
.LBB2_112:
0x21c: {  	vm2 =	veq.s32 v6, $0x0;
	v8 =	vor.u32 s31, v1;
	v10 =	vsel vm1, $0x0, v10;
	s0 =	sadd.s32 @p1 $0x40, s30  }
0x21d: {  	vm12 =	veq.s32 v7, $0x0;
	v11 =	vsel vm0, $0x7D01, v11;
	vm13 =	vgt.s32 v9, v4;
	s26 =	smov.u32 @p1 s0  }
0x21e: {  	vm14 =	vgt.s32 v5, v4;
	v7 =	vsel vm12, $0x7D01, v7;
	v5 =	vsel vm13, $0x0, v11;
	[tilespmem:s26+$0x0] =	vst v10  }
0x21f: {  	v6 =	vsel vm2, $0x7D01, v6;
	vm15 =	vgt.s32 v8, v4;
	v4 =	vsel vm14, $0x0, v7;
	[tilespmem:s26+$0xFFFFFFE0] =	vst v5  }
0x220: {  	v5 =	vsel vm15, $0x0, v6;
	[tilespmem:s26+$0xFFFFFFD0] =	vst v4  }
0x221: {  	[tilespmem:s26+$0xFFFFFFF0] =	vst v5  }
.LBB2_95:
0x222: {  	p1 =	sgt.u32 s25, s24  }
.Ltmp63:
0x223: {  	_ = 	snop;
	(pc) =	sbr.rel @p1 .LBB2_98-.Ltmp63, $1  }
0x224: {  	_ =	sdelay $0x3  }
0x225: {  	s2 =	sshrl.u32 s23, $0x2  }
0x226: {  	s0 =	sshll.u32 s2, $0x8  }
0x227: {  	s10 =	ssub.s32 s24, s25;
	s30 =	sadd.s32 s0, s17;
	s26 =	sadd.s32 s0, s18  }
0x228: {  	s28 =	sshll.u32 s2, $0x6;
	s31 =	sshra.s32 s30, $0x2;
	s26 =	sshra.s32 s26, $0x2  }
0x229: {  	v4 =	vbroadcast v3, $0x5;
	s0 =	sadd.s32 $0x1, s10;
	s25 =	sadd.s32 $0x4940, s31;
	s26 =	sadd.s32 $0xA53, s26  }
.LBB2_97:
0x22a: {  	v5 =	vld [tilespmem:s26+$0x0];
	_ =	sdelay $0x2  }
0x22b: {  	p1 =	sne.s32 s0, $0x1  }
.Ltmp64:
0x22c: {  	_ = 	snop;
	(pc) =	sbr.rel @p1 .LBB2_97-.Ltmp64, $4  }
0x22d: {  	v6 =	vor.u32 s28, v1;
	vm0 =	veq.s32 v5, $0x0  }
0x22e: {  	vm15 =	vgt.s32 v6, v4;
	v5 =	vsel vm0, $0x7D01, v5  }
0x22f: {  	s26 =	sadd.s32 $0x10, s26;
	v5 =	vsel vm15, $0x0, v5  }
0x230: {  	s28 =	sadd.s32 $0x10, s28;
	s0 =	sadd.s32 $0xFFFFFFFF, s0;
	[tilespmem:s25+$0x0] =	vst v5;
	s25 =	sadd.s32 $0x10, s25  }
.LBB2_98:
0x231: {  	s0 =	ssub.s32 $0x1F, s24  }
0x232: {  	s2 =	sshrl.u32 s0, $0x1E  }
0x233: {  	s2 =	sadd.s32 s2, s0  }
0x234: {  	s25 =	sand.u32 $0xFFFFFFFC, s2  }
0x235: {  	p1 =	slt.s32 s25, $0x1  }
.Ltmp65:
0x236: {  	_ = 	snop;
	(pc) =	sbr.rel @p1 .LBB2_102-.Ltmp65, $2  }
0x237: {  	_ =	sdelay $0x2  }
0x238: {  	s26 =	sadd.s32 s23, s25  }
0x239: {  	s2 =	sshll.u32 s24, $0x6;
	s23 =	sadd.s32 $0x4, s23  }
0x23a: {  	s2 =	sadd.s32 s2, s17;
	p1 =	slt.u32 s23, s26  }
.Ltmp66:
0x23b: {  	s2 =	sshra.s32 s2, $0x2;
	(pc) =	sbr.rel @!p1 .LBB2_101-.Ltmp66, $4  }
0x23c: {  	s24 =	sadd.s32 $0x4980, s2  }
0x23d: {  	[tilespmem:s24+$0xFFFFFFD0] =	vst v0  }
0x23e: {  	[tilespmem:s24+$0x0] =	vst v0  }
0x23f: {  	[tilespmem:s24+$0xFFFFFFF0] =	vst v0  }
.LBB2_100:
0x240: {  	s23 =	sadd.s32 $0x4, s23  }
0x241: {  	[tilespmem:s24+$0xFFFFFFE0] =	vst v0;
	s24 =	sadd.s32 $0x40, s24;
	p1 =	slt.u32 s23, s26  }
.Ltmp67:
0x242: {  	[tilespmem:s24+$0xFFFFFFD0] =	vst v0;
	(pc) =	sbr.rel @p1 .LBB2_100-.Ltmp67, $3  }
0x243: {  	_ =	sdelay $0x1  }
0x244: {  	[tilespmem:s24+$0x0] =	vst v0  }
0x245: {  	[tilespmem:s24+$0xFFFFFFF0] =	vst v0  }
.LBB2_101:
0x246: {  	[tilespmem:s24+$0xFFFFFFE0] =	vst v0  }
.LBB2_102:
0x247: {  	p1 =	sgt.s32 s26, $0x1F  }
.Ltmp68:
0x248: {  	_ = 	snop;
	(pc) =	sbr.rel @p1 .LBB2_105-.Ltmp68, $1  }
0x249: {  	_ =	sdelay $0x3  }
0x24a: {  	s0 =	ssub.s32 s0, s25  }
0x24b: {  	s2 =	sshll.u32 s0, $0x6  }
0x24c: {  	s2 =	ssub.s32 s17, s2  }
0x24d: {  	s2 =	sshra.s32 s2, $0x2  }
0x24e: {  	s23 =	sadd.s32 $0x4B40, s2  }
.LBB2_104:
0x24f: {  	p1 =	sne.s32 s0, $0x1  }
.Ltmp69:
0x250: {  	_ = 	snop;
	(pc) =	sbr.rel @p1 .LBB2_104-.Ltmp69, $2  }
0x251: {  	_ =	sdelay $0x2  }
0x252: {  	[tilespmem:s23+$0x0] =	vst v0;
	s23 =	sadd.s32 $0x10, s23;
	s0 =	sadd.s32 $0xFFFFFFFF, s0  }
.LBB2_105:
0x253: {  	(v2sf) =	vpush v3, $0x6;
	_ =	sdelay $0xe  }
0x254: {  	s2 =	spop (v2sf)  }
0x255: {  	v4 =	vmov s22;
	s22 =	sadd.s32 $0x1, s2  }
0x256: {  	s24 =	sshrl.u32 s22, $0x4  }
0x257: {  	vm0 =	veq.s32 v1, $0x0;
	s23 =	sadd.s32 $0x1, s24  }
0x258: {  	s0 =	sor.u32 $0xA00, s19;
	v4 =	vsel vm0, $0x0, v4;
	s25 =	sand.u32 $0x1FFFFFFC, s23  }
0x259: {  	v4 =	vadd.s32 s0, v4;
	p1 =	seq.s32 s25, $0x0  }
.Ltmp70:
0x25a: {  	_ = 	snop;
	(pc) =	sbr.rel @p1 .LBB2_113-.Ltmp70, $2  }
0x25b: {  	_ =	sdelay $0x2  }
0x25c: {  	[tilespmem:v4+s13+$0x0] =	vst.idx.msk $0x3, v2  }
0x25d: {  	s0 =	sadd.s32 $0xC77, s20  }
0x25e: {  	v8 =	vld [tilespmem:s0+$0x0]  }
0x25f: {  	p2 =	sgt.u32 s25, $0x4;
	v11 =	vld [tilespmem:s0+$0xFFFFFFE0]  }
.Ltmp71:
0x260: {  	_ = 	snop;
	(pc) =	sbr.rel @!p2 .LBB2_107-.Ltmp71, $4  }
0x261: {  	s28 =	simm.s32 $0x0  }
0x262: {  	v4 =	vbroadcast v3, $0x6;
	s2 =	simm.s32 $0x10;
	s10 =	simm.s32 $0x30;
	v5 =	vor.u32 s28, v1  }
0x263: {  	s26 =	sor.u32 $0x4B70, s21;
	v6 =	vld [tilespmem:s0+$0xFFFFFFF0];
	v9 =	vor.u32 s2, v1;
	v12 =	vor.u32 s10, v1;
	vm1 =	veq.s32 v8, $0x0  }
0x264: {  	s31 =	simm.s32 $0x20;
	p1 =	por $0x0, $0x0;
	v7 =	vld [tilespmem:s0+$0xFFFFFFD0];
	s0 =	sadd.s32 $0x40, s0;
	vm0 =	veq.s32 v11, $0x0;
	v10 =	vsel vm1, $0x7D01, v8;
	vm1 =	vgt.s32 v12, v4  }
0x265: {  	_ =	sdelay $0x1  }
0x266: {  	v13 =	vor.u32 s31, v1  }
0x267: {  	v10 =	vsel vm1, $0x0, v10;
	v11 =	vsel vm0, $0x7D01, v11;
	vm2 =	veq.s32 v6, $0x0  }
0x268: {  	v12 =	vld [tilespmem:s0+$0x0];
	vm0 =	vgt.s32 v9, v4;
	vm1 =	veq.s32 v7, $0x0;
	v6 =	vsel vm2, $0x7D01, v6  }
0x269: {  	v8 =	vld [tilespmem:s0+$0xFFFFFFE0];
	p2 =	sgt.u32 s25, $0x8;
	vm2 =	vgt.s32 v5, v4;
	v7 =	vsel vm1, $0x7D01, v7;
	vm1 =	vgt.s32 v13, v4  }
.Ltmp72:
0x26a: {  	v9 =	vsel vm0, $0x0, v11;
	v11 =	vsel vm1, $0x0, v6;
	v7 =	vsel vm2, $0x0, v7;
	v6 =	vld [tilespmem:s0+$0xFFFFFFF0];
	(pc) =	sbr.rel @!p2 .LBB2_127-.Ltmp72, $4  }
0x26b: {  	s10 =	simm.s32 $0x70;
	[tilespmem:s26+$0xFFFFFFD0] =	vst v7;
	v7 =	vld [tilespmem:s0+$0xFFFFFFD0]  }
0x26c: {  	s28 =	simm.s32 $0x40;
	s2 =	simm.s32 $0x50;
	[tilespmem:s26+$0x0] =	vst v10;
	v63 =	vor.u32 s10, v1  }
0x26d: {  	s29 =	simm.s32 $0x8;
	s31 =	simm.s32 $0x60;
	[tilespmem:s26+$0xFFFFFFE0] =	vst v9;
	v9 =	vor.u32 s2, v1;
	v5 =	vor.u32 s28, v1;
	vm1 =	veq.s32 v12, $0x0  }
0x26e: {  	p1 =	por $0x1, $0x1;
	s30 =	smov.u32 s26;
	vm0 =	veq.s32 v8, $0x0;
	v10 =	vsel vm1, $0x7D01, v12;
	vm1 =	vgt.s32 v63, v4;
	s0 =	sadd.s32 $0x40, s0;
	[tilespmem:s26+$0xFFFFFFF0] =	vst v11  }
.LBB2_128:
0x26f: {  	v11 =	vld [tilespmem:s0+$0x0];
	s29 =	sadd.s32 $0x4, s29;
	vm2 =	veq.s32 v6, $0x0;
	v12 =	vor.u32 s31, v1;
	v10 =	vsel vm1, $0x0, v10;
	s30 =	sadd.s32 $0x40, s30  }
0x270: {  	v13 =	vsel vm0, $0x7D01, v8;
	p2 =	slt.u32 s29, s25;
	vm1 =	veq.s32 v7, $0x0;
	v8 =	vld [tilespmem:s0+$0xFFFFFFE0];
	v14 =	vsel vm2, $0x7D01, v6;
	[tilespmem:s30+$0x0] =	vst v10  }
.Ltmp73:
0x271: {  	vm0 =	vgt.s32 v9, v4;
	v6 =	vld [tilespmem:s0+$0xFFFFFFF0];
	v10 =	vsel vm1, $0x7D01, v7;
	vm1 =	vgt.s32 v12, v4;
	(pc) =	sbr.rel @p2 .LBB2_128-.Ltmp73, $4  }
0x272: {  	s28 =	sadd.s32 $0x40, s28;
	vm2 =	vgt.s32 v5, v4;
	v9 =	vsel vm0, $0x0, v13;
	v7 =	vld [tilespmem:s0+$0xFFFFFFD0];
	v12 =	vsel vm1, $0x0, v14  }
0x273: {  	v5 =	vor.u32 s28, v1;
	s2 =	sadd.s32 $0x10, s28;
	s31 =	sadd.s32 $0x20, s28;
	s10 =	sadd.s32 $0x30, s28;
	v10 =	vsel vm2, $0x0, v10;
	[tilespmem:s30+$0xFFFFFFE0] =	vst v9  }
0x274: {  	v13 =	vor.u32 s10, v1;
	v9 =	vor.u32 s2, v1;
	vm1 =	veq.s32 v11, $0x0;
	[tilespmem:s30+$0xFFFFFFD0] =	vst v10  }
0x275: {  	s0 =	sadd.s32 $0x40, s0;
	vm0 =	veq.s32 v8, $0x0;
	v10 =	vsel vm1, $0x7D01, v11;
	vm1 =	vgt.s32 v13, v4;
	[tilespmem:s30+$0xFFFFFFF0] =	vst v12  }
0x276: {  	v11 =	vmov v8  }
.LBB2_130:
0x277: {  	vm2 =	veq.s32 v6, $0x0;
	v8 =	vor.u32 s31, v1;
	v10 =	vsel vm1, $0x0, v10;
	s0 =	sadd.s32 @p1 $0x40, s30  }
0x278: {  	vm12 =	veq.s32 v7, $0x0;
	v11 =	vsel vm0, $0x7D01, v11;
	vm13 =	vgt.s32 v9, v4;
	s26 =	smov.u32 @p1 s0  }
0x279: {  	vm14 =	vgt.s32 v5, v4;
	v7 =	vsel vm12, $0x7D01, v7;
	v5 =	vsel vm13, $0x0, v11;
	[tilespmem:s26+$0x0] =	vst v10  }
0x27a: {  	v6 =	vsel vm2, $0x7D01, v6;
	vm15 =	vgt.s32 v8, v4;
	v4 =	vsel vm14, $0x0, v7;
	[tilespmem:s26+$0xFFFFFFE0] =	vst v5  }
0x27b: {  	v5 =	vsel vm15, $0x0, v6;
	[tilespmem:s26+$0xFFFFFFD0] =	vst v4  }
0x27c: {  	[tilespmem:s26+$0xFFFFFFF0] =	vst v5  }
.LBB2_113:
0x27d: {  	p1 =	sgt.u32 s25, s24  }
.Ltmp74:
0x27e: {  	_ = 	snop;
	(pc) =	sbr.rel @p1 .LBB2_116-.Ltmp74, $1  }
0x27f: {  	_ =	sdelay $0x3  }
0x280: {  	s2 =	sshrl.u32 s23, $0x2  }
0x281: {  	s0 =	sshll.u32 s2, $0x8  }
0x282: {  	s10 =	ssub.s32 s24, s25;
	s30 =	sadd.s32 s0, s17;
	s26 =	sadd.s32 s0, s18  }
0x283: {  	s28 =	sshll.u32 s2, $0x6;
	s31 =	sshra.s32 s30, $0x2;
	s26 =	sshra.s32 s26, $0x2  }
0x284: {  	v4 =	vbroadcast v3, $0x6;
	s0 =	sadd.s32 $0x1, s10;
	s25 =	sadd.s32 $0x4B40, s31;
	s26 =	sadd.s32 $0xC47, s26  }
.LBB2_115:
0x285: {  	v5 =	vld [tilespmem:s26+$0x0];
	_ =	sdelay $0x2  }
0x286: {  	p1 =	sne.s32 s0, $0x1  }
.Ltmp75:
0x287: {  	_ = 	snop;
	(pc) =	sbr.rel @p1 .LBB2_115-.Ltmp75, $4  }
0x288: {  	v6 =	vor.u32 s28, v1;
	vm0 =	veq.s32 v5, $0x0  }
0x289: {  	vm15 =	vgt.s32 v6, v4;
	v5 =	vsel vm0, $0x7D01, v5  }
0x28a: {  	s26 =	sadd.s32 $0x10, s26;
	v5 =	vsel vm15, $0x0, v5  }
0x28b: {  	s28 =	sadd.s32 $0x10, s28;
	s0 =	sadd.s32 $0xFFFFFFFF, s0;
	[tilespmem:s25+$0x0] =	vst v5;
	s25 =	sadd.s32 $0x10, s25  }
.LBB2_116:
0x28c: {  	s0 =	ssub.s32 $0x1F, s24  }
0x28d: {  	s2 =	sshrl.u32 s0, $0x1E  }
0x28e: {  	s2 =	sadd.s32 s2, s0  }
0x28f: {  	s25 =	sand.u32 $0xFFFFFFFC, s2  }
0x290: {  	p1 =	slt.s32 s25, $0x1  }
.Ltmp76:
0x291: {  	_ = 	snop;
	(pc) =	sbr.rel @p1 .LBB2_120-.Ltmp76, $2  }
0x292: {  	_ =	sdelay $0x2  }
0x293: {  	s26 =	sadd.s32 s23, s25  }
0x294: {  	s2 =	sshll.u32 s24, $0x6;
	s23 =	sadd.s32 $0x4, s23  }
0x295: {  	s2 =	sadd.s32 s2, s17;
	p1 =	slt.u32 s23, s26  }
.Ltmp77:
0x296: {  	s2 =	sshra.s32 s2, $0x2;
	(pc) =	sbr.rel @!p1 .LBB2_119-.Ltmp77, $4  }
0x297: {  	s24 =	sadd.s32 $0x4B80, s2  }
0x298: {  	[tilespmem:s24+$0xFFFFFFD0] =	vst v0  }
0x299: {  	[tilespmem:s24+$0x0] =	vst v0  }
0x29a: {  	[tilespmem:s24+$0xFFFFFFF0] =	vst v0  }
.LBB2_118:
0x29b: {  	s23 =	sadd.s32 $0x4, s23  }
0x29c: {  	[tilespmem:s24+$0xFFFFFFE0] =	vst v0;
	s24 =	sadd.s32 $0x40, s24;
	p1 =	slt.u32 s23, s26  }
.Ltmp78:
0x29d: {  	[tilespmem:s24+$0xFFFFFFD0] =	vst v0;
	(pc) =	sbr.rel @p1 .LBB2_118-.Ltmp78, $3  }
0x29e: {  	_ =	sdelay $0x1  }
0x29f: {  	[tilespmem:s24+$0x0] =	vst v0  }
0x2a0: {  	[tilespmem:s24+$0xFFFFFFF0] =	vst v0  }
.LBB2_119:
0x2a1: {  	[tilespmem:s24+$0xFFFFFFE0] =	vst v0  }
.LBB2_120:
0x2a2: {  	p1 =	sgt.s32 s26, $0x1F  }
.Ltmp79:
0x2a3: {  	_ = 	snop;
	(pc) =	sbr.rel @p1 .LBB2_123-.Ltmp79, $1  }
0x2a4: {  	_ =	sdelay $0x3  }
0x2a5: {  	s0 =	ssub.s32 s0, s25  }
0x2a6: {  	s2 =	sshll.u32 s0, $0x6  }
0x2a7: {  	s2 =	ssub.s32 s17, s2  }
0x2a8: {  	s2 =	sshra.s32 s2, $0x2  }
0x2a9: {  	s23 =	sadd.s32 $0x4D40, s2  }
.LBB2_122:
0x2aa: {  	p1 =	sne.s32 s0, $0x1  }
.Ltmp80:
0x2ab: {  	_ = 	snop;
	(pc) =	sbr.rel @p1 .LBB2_122-.Ltmp80, $2  }
0x2ac: {  	_ =	sdelay $0x2  }
0x2ad: {  	[tilespmem:s23+$0x0] =	vst v0;
	s23 =	sadd.s32 $0x10, s23;
	s0 =	sadd.s32 $0xFFFFFFFF, s0  }
.LBB2_123:
0x2ae: {  	(v2sf) =	vpush v3, $0x7;
	_ =	sdelay $0xe  }
0x2af: {  	s2 =	spop (v2sf)  }
0x2b0: {  	v4 =	vmov s22;
	s22 =	sadd.s32 $0x1, s2  }
0x2b1: {  	s24 =	sshrl.u32 s22, $0x4  }
0x2b2: {  	vm0 =	veq.s32 v1, $0x0;
	s23 =	sadd.s32 $0x1, s24  }
0x2b3: {  	s0 =	sor.u32 $0xC00, s19;
	v4 =	vsel vm0, $0x0, v4;
	s25 =	sand.u32 $0x1FFFFFFC, s23  }
0x2b4: {  	v4 =	vadd.s32 s0, v4;
	p1 =	seq.s32 s25, $0x0  }
.Ltmp81:
0x2b5: {  	_ = 	snop;
	(pc) =	sbr.rel @p1 .LBB2_131-.Ltmp81, $2  }
0x2b6: {  	_ =	sdelay $0x2  }
0x2b7: {  	[tilespmem:v4+s13+$0x0] =	vst.idx.msk $0x3, v2  }
0x2b8: {  	s0 =	sadd.s32 $0xE6B, s20  }
0x2b9: {  	v8 =	vld [tilespmem:s0+$0x0]  }
0x2ba: {  	p2 =	sgt.u32 s25, $0x4;
	v11 =	vld [tilespmem:s0+$0xFFFFFFE0]  }
.Ltmp82:
0x2bb: {  	_ = 	snop;
	(pc) =	sbr.rel @!p2 .LBB2_125-.Ltmp82, $4  }
0x2bc: {  	s28 =	simm.s32 $0x0  }
0x2bd: {  	v4 =	vbroadcast v3, $0x7;
	s2 =	simm.s32 $0x10;
	s10 =	simm.s32 $0x30;
	v5 =	vor.u32 s28, v1  }
0x2be: {  	s26 =	sor.u32 $0x4D70, s21;
	v6 =	vld [tilespmem:s0+$0xFFFFFFF0];
	v9 =	vor.u32 s2, v1;
	v12 =	vor.u32 s10, v1;
	vm1 =	veq.s32 v8, $0x0  }
0x2bf: {  	s31 =	simm.s32 $0x20;
	p1 =	por $0x0, $0x0;
	v7 =	vld [tilespmem:s0+$0xFFFFFFD0];
	s0 =	sadd.s32 $0x40, s0;
	vm0 =	veq.s32 v11, $0x0;
	v10 =	vsel vm1, $0x7D01, v8;
	vm1 =	vgt.s32 v12, v4  }
0x2c0: {  	_ =	sdelay $0x1  }
0x2c1: {  	v13 =	vor.u32 s31, v1  }
0x2c2: {  	v10 =	vsel vm1, $0x0, v10;
	v11 =	vsel vm0, $0x7D01, v11;
	vm2 =	veq.s32 v6, $0x0  }
0x2c3: {  	v12 =	vld [tilespmem:s0+$0x0];
	vm0 =	vgt.s32 v9, v4;
	vm1 =	veq.s32 v7, $0x0;
	v6 =	vsel vm2, $0x7D01, v6  }
0x2c4: {  	v8 =	vld [tilespmem:s0+$0xFFFFFFE0];
	p2 =	sgt.u32 s25, $0x8;
	vm2 =	vgt.s32 v5, v4;
	v7 =	vsel vm1, $0x7D01, v7;
	vm1 =	vgt.s32 v13, v4  }
.Ltmp83:
0x2c5: {  	v9 =	vsel vm0, $0x0, v11;
	v11 =	vsel vm1, $0x0, v6;
	v7 =	vsel vm2, $0x0, v7;
	v6 =	vld [tilespmem:s0+$0xFFFFFFF0];
	(pc) =	sbr.rel @!p2 .LBB2_145-.Ltmp83, $4  }
0x2c6: {  	s10 =	simm.s32 $0x70;
	[tilespmem:s26+$0xFFFFFFD0] =	vst v7;
	v7 =	vld [tilespmem:s0+$0xFFFFFFD0]  }
0x2c7: {  	s28 =	simm.s32 $0x40;
	s2 =	simm.s32 $0x50;
	[tilespmem:s26+$0x0] =	vst v10;
	v63 =	vor.u32 s10, v1  }
0x2c8: {  	s29 =	simm.s32 $0x8;
	s31 =	simm.s32 $0x60;
	[tilespmem:s26+$0xFFFFFFE0] =	vst v9;
	v9 =	vor.u32 s2, v1;
	v5 =	vor.u32 s28, v1;
	vm1 =	veq.s32 v12, $0x0  }
0x2c9: {  	p1 =	por $0x1, $0x1;
	s30 =	smov.u32 s26;
	vm0 =	veq.s32 v8, $0x0;
	v10 =	vsel vm1, $0x7D01, v12;
	vm1 =	vgt.s32 v63, v4;
	s0 =	sadd.s32 $0x40, s0;
	[tilespmem:s26+$0xFFFFFFF0] =	vst v11  }
.LBB2_146:
0x2ca: {  	v11 =	vld [tilespmem:s0+$0x0];
	s29 =	sadd.s32 $0x4, s29;
	vm2 =	veq.s32 v6, $0x0;
	v12 =	vor.u32 s31, v1;
	v10 =	vsel vm1, $0x0, v10;
	s30 =	sadd.s32 $0x40, s30  }
0x2cb: {  	v13 =	vsel vm0, $0x7D01, v8;
	p2 =	slt.u32 s29, s25;
	vm1 =	veq.s32 v7, $0x0;
	v8 =	vld [tilespmem:s0+$0xFFFFFFE0];
	v14 =	vsel vm2, $0x7D01, v6;
	[tilespmem:s30+$0x0] =	vst v10  }
.Ltmp84:
0x2cc: {  	vm0 =	vgt.s32 v9, v4;
	v6 =	vld [tilespmem:s0+$0xFFFFFFF0];
	v10 =	vsel vm1, $0x7D01, v7;
	vm1 =	vgt.s32 v12, v4;
	(pc) =	sbr.rel @p2 .LBB2_146-.Ltmp84, $4  }
0x2cd: {  	s28 =	sadd.s32 $0x40, s28;
	vm2 =	vgt.s32 v5, v4;
	v9 =	vsel vm0, $0x0, v13;
	v7 =	vld [tilespmem:s0+$0xFFFFFFD0];
	v12 =	vsel vm1, $0x0, v14  }
0x2ce: {  	v5 =	vor.u32 s28, v1;
	s2 =	sadd.s32 $0x10, s28;
	s31 =	sadd.s32 $0x20, s28;
	s10 =	sadd.s32 $0x30, s28;
	v10 =	vsel vm2, $0x0, v10;
	[tilespmem:s30+$0xFFFFFFE0] =	vst v9  }
0x2cf: {  	v13 =	vor.u32 s10, v1;
	v9 =	vor.u32 s2, v1;
	vm1 =	veq.s32 v11, $0x0;
	[tilespmem:s30+$0xFFFFFFD0] =	vst v10  }
0x2d0: {  	s0 =	sadd.s32 $0x40, s0;
	vm0 =	veq.s32 v8, $0x0;
	v10 =	vsel vm1, $0x7D01, v11;
	vm1 =	vgt.s32 v13, v4;
	[tilespmem:s30+$0xFFFFFFF0] =	vst v12  }
0x2d1: {  	v11 =	vmov v8  }
.LBB2_148:
0x2d2: {  	vm2 =	veq.s32 v6, $0x0;
	v8 =	vor.u32 s31, v1;
	v10 =	vsel vm1, $0x0, v10;
	s0 =	sadd.s32 @p1 $0x40, s30  }
0x2d3: {  	vm12 =	veq.s32 v7, $0x0;
	v11 =	vsel vm0, $0x7D01, v11;
	vm13 =	vgt.s32 v9, v4;
	s26 =	smov.u32 @p1 s0  }
0x2d4: {  	vm14 =	vgt.s32 v5, v4;
	v7 =	vsel vm12, $0x7D01, v7;
	v5 =	vsel vm13, $0x0, v11;
	[tilespmem:s26+$0x0] =	vst v10  }
0x2d5: {  	v6 =	vsel vm2, $0x7D01, v6;
	vm15 =	vgt.s32 v8, v4;
	v4 =	vsel vm14, $0x0, v7;
	[tilespmem:s26+$0xFFFFFFE0] =	vst v5  }
0x2d6: {  	v5 =	vsel vm15, $0x0, v6;
	[tilespmem:s26+$0xFFFFFFD0] =	vst v4  }
0x2d7: {  	[tilespmem:s26+$0xFFFFFFF0] =	vst v5  }
.LBB2_131:
0x2d8: {  	p1 =	sgt.u32 s25, s24  }
.Ltmp85:
0x2d9: {  	_ = 	snop;
	(pc) =	sbr.rel @p1 .LBB2_134-.Ltmp85, $1  }
0x2da: {  	_ =	sdelay $0x3  }
0x2db: {  	s2 =	sshrl.u32 s23, $0x2  }
0x2dc: {  	s0 =	sshll.u32 s2, $0x8  }
0x2dd: {  	s10 =	ssub.s32 s24, s25;
	s30 =	sadd.s32 s0, s17;
	s26 =	sadd.s32 s0, s18  }
0x2de: {  	s28 =	sshll.u32 s2, $0x6;
	s31 =	sshra.s32 s30, $0x2;
	s26 =	sshra.s32 s26, $0x2  }
0x2df: {  	v4 =	vbroadcast v3, $0x7;
	s0 =	sadd.s32 $0x1, s10;
	s25 =	sadd.s32 $0x4D40, s31;
	s26 =	sadd.s32 $0xE3B, s26  }
.LBB2_133:
0x2e0: {  	v5 =	vld [tilespmem:s26+$0x0];
	_ =	sdelay $0x2  }
0x2e1: {  	p1 =	sne.s32 s0, $0x1  }
.Ltmp86:
0x2e2: {  	_ = 	snop;
	(pc) =	sbr.rel @p1 .LBB2_133-.Ltmp86, $4  }
0x2e3: {  	v6 =	vor.u32 s28, v1;
	vm0 =	veq.s32 v5, $0x0  }
0x2e4: {  	vm15 =	vgt.s32 v6, v4;
	v5 =	vsel vm0, $0x7D01, v5  }
0x2e5: {  	s26 =	sadd.s32 $0x10, s26;
	v5 =	vsel vm15, $0x0, v5  }
0x2e6: {  	s28 =	sadd.s32 $0x10, s28;
	s0 =	sadd.s32 $0xFFFFFFFF, s0;
	[tilespmem:s25+$0x0] =	vst v5;
	s25 =	sadd.s32 $0x10, s25  }
.LBB2_134:
0x2e7: {  	s0 =	ssub.s32 $0x1F, s24  }
0x2e8: {  	s2 =	sshrl.u32 s0, $0x1E  }
0x2e9: {  	s2 =	sadd.s32 s2, s0  }
0x2ea: {  	s25 =	sand.u32 $0xFFFFFFFC, s2  }
0x2eb: {  	p1 =	slt.s32 s25, $0x1  }
.Ltmp87:
0x2ec: {  	_ = 	snop;
	(pc) =	sbr.rel @p1 .LBB2_138-.Ltmp87, $2  }
0x2ed: {  	_ =	sdelay $0x2  }
0x2ee: {  	s26 =	sadd.s32 s23, s25  }
0x2ef: {  	s2 =	sshll.u32 s24, $0x6;
	s23 =	sadd.s32 $0x4, s23  }
0x2f0: {  	s2 =	sadd.s32 s2, s17;
	p1 =	slt.u32 s23, s26  }
.Ltmp88:
0x2f1: {  	s2 =	sshra.s32 s2, $0x2;
	(pc) =	sbr.rel @!p1 .LBB2_137-.Ltmp88, $4  }
0x2f2: {  	s24 =	sadd.s32 $0x4D80, s2  }
0x2f3: {  	[tilespmem:s24+$0xFFFFFFD0] =	vst v0  }
0x2f4: {  	[tilespmem:s24+$0x0] =	vst v0  }
0x2f5: {  	[tilespmem:s24+$0xFFFFFFF0] =	vst v0  }
.LBB2_136:
0x2f6: {  	s23 =	sadd.s32 $0x4, s23  }
0x2f7: {  	[tilespmem:s24+$0xFFFFFFE0] =	vst v0;
	s24 =	sadd.s32 $0x40, s24;
	p1 =	slt.u32 s23, s26  }
.Ltmp89:
0x2f8: {  	[tilespmem:s24+$0xFFFFFFD0] =	vst v0;
	(pc) =	sbr.rel @p1 .LBB2_136-.Ltmp89, $3  }
0x2f9: {  	_ =	sdelay $0x1  }
0x2fa: {  	[tilespmem:s24+$0x0] =	vst v0  }
0x2fb: {  	[tilespmem:s24+$0xFFFFFFF0] =	vst v0  }
.LBB2_137:
0x2fc: {  	[tilespmem:s24+$0xFFFFFFE0] =	vst v0  }
.LBB2_138:
0x2fd: {  	p1 =	sgt.s32 s26, $0x1F  }
.Ltmp90:
0x2fe: {  	_ = 	snop;
	(pc) =	sbr.rel @p1 .LBB2_141-.Ltmp90, $1  }
0x2ff: {  	_ =	sdelay $0x3  }
0x300: {  	s0 =	ssub.s32 s0, s25  }
0x301: {  	s2 =	sshll.u32 s0, $0x6  }
0x302: {  	s2 =	ssub.s32 s17, s2  }
0x303: {  	s2 =	sshra.s32 s2, $0x2  }
0x304: {  	s23 =	sadd.s32 $0x4F40, s2  }
.LBB2_140:
0x305: {  	p1 =	sne.s32 s0, $0x1  }
.Ltmp91:
0x306: {  	_ = 	snop;
	(pc) =	sbr.rel @p1 .LBB2_140-.Ltmp91, $2  }
0x307: {  	_ =	sdelay $0x2  }
0x308: {  	[tilespmem:s23+$0x0] =	vst v0;
	s23 =	sadd.s32 $0x10, s23;
	s0 =	sadd.s32 $0xFFFFFFFF, s0  }
.LBB2_141:
0x309: {  	(v2sf) =	vpush v3, $0x8;
	_ =	sdelay $0xe  }
0x30a: {  	s2 =	spop (v2sf)  }
0x30b: {  	v4 =	vmov s22;
	s22 =	sadd.s32 $0x1, s2  }
0x30c: {  	s24 =	sshrl.u32 s22, $0x4  }
0x30d: {  	vm0 =	veq.s32 v1, $0x0;
	s23 =	sadd.s32 $0x1, s24  }
0x30e: {  	s0 =	sor.u32 $0xE00, s19;
	v4 =	vsel vm0, $0x0, v4;
	s25 =	sand.u32 $0x1FFFFFFC, s23  }
0x30f: {  	v4 =	vadd.s32 s0, v4;
	p1 =	seq.s32 s25, $0x0  }
.Ltmp92:
0x310: {  	_ = 	snop;
	(pc) =	sbr.rel @p1 .LBB2_149-.Ltmp92, $2  }
0x311: {  	_ =	sdelay $0x2  }
0x312: {  	[tilespmem:v4+s13+$0x0] =	vst.idx.msk $0x3, v2  }
0x313: {  	s0 =	sadd.s32 $0x105F, s20  }
0x314: {  	v8 =	vld [tilespmem:s0+$0x0]  }
0x315: {  	p2 =	sgt.u32 s25, $0x4;
	v11 =	vld [tilespmem:s0+$0xFFFFFFE0]  }
.Ltmp93:
0x316: {  	_ = 	snop;
	(pc) =	sbr.rel @!p2 .LBB2_143-.Ltmp93, $4  }
0x317: {  	s28 =	simm.s32 $0x0  }
0x318: {  	v4 =	vbroadcast v3, $0x8;
	s2 =	simm.s32 $0x10;
	s10 =	simm.s32 $0x30;
	v5 =	vor.u32 s28, v1  }
0x319: {  	s26 =	sor.u32 $0x4F70, s21;
	v6 =	vld [tilespmem:s0+$0xFFFFFFF0];
	v9 =	vor.u32 s2, v1;
	v12 =	vor.u32 s10, v1;
	vm1 =	veq.s32 v8, $0x0  }
0x31a: {  	s31 =	simm.s32 $0x20;
	p1 =	por $0x0, $0x0;
	v7 =	vld [tilespmem:s0+$0xFFFFFFD0];
	s0 =	sadd.s32 $0x40, s0;
	vm0 =	veq.s32 v11, $0x0;
	v10 =	vsel vm1, $0x7D01, v8;
	vm1 =	vgt.s32 v12, v4  }
0x31b: {  	_ =	sdelay $0x1  }
0x31c: {  	v13 =	vor.u32 s31, v1  }
0x31d: {  	v10 =	vsel vm1, $0x0, v10;
	v11 =	vsel vm0, $0x7D01, v11;
	vm2 =	veq.s32 v6, $0x0  }
0x31e: {  	v12 =	vld [tilespmem:s0+$0x0];
	vm0 =	vgt.s32 v9, v4;
	vm1 =	veq.s32 v7, $0x0;
	v6 =	vsel vm2, $0x7D01, v6  }
0x31f: {  	v8 =	vld [tilespmem:s0+$0xFFFFFFE0];
	p2 =	sgt.u32 s25, $0x8;
	vm2 =	vgt.s32 v5, v4;
	v7 =	vsel vm1, $0x7D01, v7;
	vm1 =	vgt.s32 v13, v4  }
.Ltmp94:
0x320: {  	v9 =	vsel vm0, $0x0, v11;
	v11 =	vsel vm1, $0x0, v6;
	v7 =	vsel vm2, $0x0, v7;
	v6 =	vld [tilespmem:s0+$0xFFFFFFF0];
	(pc) =	sbr.rel @!p2 .LBB2_163-.Ltmp94, $4  }
0x321: {  	s10 =	simm.s32 $0x70;
	[tilespmem:s26+$0xFFFFFFD0] =	vst v7;
	v7 =	vld [tilespmem:s0+$0xFFFFFFD0]  }
0x322: {  	s28 =	simm.s32 $0x40;
	s2 =	simm.s32 $0x50;
	[tilespmem:s26+$0x0] =	vst v10;
	v63 =	vor.u32 s10, v1  }
0x323: {  	s29 =	simm.s32 $0x8;
	s31 =	simm.s32 $0x60;
	[tilespmem:s26+$0xFFFFFFE0] =	vst v9;
	v9 =	vor.u32 s2, v1;
	v5 =	vor.u32 s28, v1;
	vm1 =	veq.s32 v12, $0x0  }
0x324: {  	p1 =	por $0x1, $0x1;
	s30 =	smov.u32 s26;
	vm0 =	veq.s32 v8, $0x0;
	v10 =	vsel vm1, $0x7D01, v12;
	vm1 =	vgt.s32 v63, v4;
	s0 =	sadd.s32 $0x40, s0;
	[tilespmem:s26+$0xFFFFFFF0] =	vst v11  }
.LBB2_164:
0x325: {  	v11 =	vld [tilespmem:s0+$0x0];
	s29 =	sadd.s32 $0x4, s29;
	vm2 =	veq.s32 v6, $0x0;
	v12 =	vor.u32 s31, v1;
	v10 =	vsel vm1, $0x0, v10;
	s30 =	sadd.s32 $0x40, s30  }
0x326: {  	v13 =	vsel vm0, $0x7D01, v8;
	p2 =	slt.u32 s29, s25;
	vm1 =	veq.s32 v7, $0x0;
	v8 =	vld [tilespmem:s0+$0xFFFFFFE0];
	v14 =	vsel vm2, $0x7D01, v6;
	[tilespmem:s30+$0x0] =	vst v10  }
.Ltmp95:
0x327: {  	vm0 =	vgt.s32 v9, v4;
	v6 =	vld [tilespmem:s0+$0xFFFFFFF0];
	v10 =	vsel vm1, $0x7D01, v7;
	vm1 =	vgt.s32 v12, v4;
	(pc) =	sbr.rel @p2 .LBB2_164-.Ltmp95, $4  }
0x328: {  	s28 =	sadd.s32 $0x40, s28;
	vm2 =	vgt.s32 v5, v4;
	v9 =	vsel vm0, $0x0, v13;
	v7 =	vld [tilespmem:s0+$0xFFFFFFD0];
	v12 =	vsel vm1, $0x0, v14  }
0x329: {  	v5 =	vor.u32 s28, v1;
	s2 =	sadd.s32 $0x10, s28;
	s31 =	sadd.s32 $0x20, s28;
	s10 =	sadd.s32 $0x30, s28;
	v10 =	vsel vm2, $0x0, v10;
	[tilespmem:s30+$0xFFFFFFE0] =	vst v9  }
0x32a: {  	v13 =	vor.u32 s10, v1;
	v9 =	vor.u32 s2, v1;
	vm1 =	veq.s32 v11, $0x0;
	[tilespmem:s30+$0xFFFFFFD0] =	vst v10  }
0x32b: {  	s0 =	sadd.s32 $0x40, s0;
	vm0 =	veq.s32 v8, $0x0;
	v10 =	vsel vm1, $0x7D01, v11;
	vm1 =	vgt.s32 v13, v4;
	[tilespmem:s30+$0xFFFFFFF0] =	vst v12  }
0x32c: {  	v11 =	vmov v8  }
.LBB2_166:
0x32d: {  	vm2 =	veq.s32 v6, $0x0;
	v8 =	vor.u32 s31, v1;
	v10 =	vsel vm1, $0x0, v10;
	s0 =	sadd.s32 @p1 $0x40, s30  }
0x32e: {  	vm12 =	veq.s32 v7, $0x0;
	v11 =	vsel vm0, $0x7D01, v11;
	vm13 =	vgt.s32 v9, v4;
	s26 =	smov.u32 @p1 s0  }
0x32f: {  	vm14 =	vgt.s32 v5, v4;
	v7 =	vsel vm12, $0x7D01, v7;
	v5 =	vsel vm13, $0x0, v11;
	[tilespmem:s26+$0x0] =	vst v10  }
0x330: {  	v6 =	vsel vm2, $0x7D01, v6;
	vm15 =	vgt.s32 v8, v4;
	v4 =	vsel vm14, $0x0, v7;
	[tilespmem:s26+$0xFFFFFFE0] =	vst v5  }
0x331: {  	v5 =	vsel vm15, $0x0, v6;
	[tilespmem:s26+$0xFFFFFFD0] =	vst v4  }
0x332: {  	[tilespmem:s26+$0xFFFFFFF0] =	vst v5  }
.LBB2_149:
0x333: {  	p1 =	sgt.u32 s25, s24  }
.Ltmp96:
0x334: {  	_ = 	snop;
	(pc) =	sbr.rel @p1 .LBB2_152-.Ltmp96, $1  }
0x335: {  	_ =	sdelay $0x3  }
0x336: {  	s2 =	sshrl.u32 s23, $0x2  }
0x337: {  	s0 =	sshll.u32 s2, $0x8  }
0x338: {  	s10 =	ssub.s32 s24, s25;
	s30 =	sadd.s32 s0, s17;
	s26 =	sadd.s32 s0, s18  }
0x339: {  	s28 =	sshll.u32 s2, $0x6;
	s31 =	sshra.s32 s30, $0x2;
	s26 =	sshra.s32 s26, $0x2  }
0x33a: {  	v4 =	vbroadcast v3, $0x8;
	s0 =	sadd.s32 $0x1, s10;
	s25 =	sadd.s32 $0x4F40, s31;
	s26 =	sadd.s32 $0x102F, s26  }
.LBB2_151:
0x33b: {  	v5 =	vld [tilespmem:s26+$0x0];
	_ =	sdelay $0x2  }
0x33c: {  	p1 =	sne.s32 s0, $0x1  }
.Ltmp97:
0x33d: {  	_ = 	snop;
	(pc) =	sbr.rel @p1 .LBB2_151-.Ltmp97, $4  }
0x33e: {  	v6 =	vor.u32 s28, v1;
	vm0 =	veq.s32 v5, $0x0  }
0x33f: {  	vm15 =	vgt.s32 v6, v4;
	v5 =	vsel vm0, $0x7D01, v5  }
0x340: {  	s26 =	sadd.s32 $0x10, s26;
	v5 =	vsel vm15, $0x0, v5  }
0x341: {  	s28 =	sadd.s32 $0x10, s28;
	s0 =	sadd.s32 $0xFFFFFFFF, s0;
	[tilespmem:s25+$0x0] =	vst v5;
	s25 =	sadd.s32 $0x10, s25  }
.LBB2_152:
0x342: {  	s0 =	ssub.s32 $0x1F, s24  }
0x343: {  	s2 =	sshrl.u32 s0, $0x1E  }
0x344: {  	s2 =	sadd.s32 s2, s0  }
0x345: {  	s25 =	sand.u32 $0xFFFFFFFC, s2  }
0x346: {  	p1 =	slt.s32 s25, $0x1  }
.Ltmp98:
0x347: {  	_ = 	snop;
	(pc) =	sbr.rel @p1 .LBB2_156-.Ltmp98, $2  }
0x348: {  	_ =	sdelay $0x2  }
0x349: {  	s26 =	sadd.s32 s23, s25  }
0x34a: {  	s2 =	sshll.u32 s24, $0x6;
	s23 =	sadd.s32 $0x4, s23  }
0x34b: {  	s2 =	sadd.s32 s2, s17;
	p1 =	slt.u32 s23, s26  }
.Ltmp99:
0x34c: {  	s2 =	sshra.s32 s2, $0x2;
	(pc) =	sbr.rel @!p1 .LBB2_155-.Ltmp99, $4  }
0x34d: {  	s24 =	sadd.s32 $0x4F80, s2  }
0x34e: {  	[tilespmem:s24+$0xFFFFFFD0] =	vst v0  }
0x34f: {  	[tilespmem:s24+$0x0] =	vst v0  }
0x350: {  	[tilespmem:s24+$0xFFFFFFF0] =	vst v0  }
.LBB2_154:
0x351: {  	s23 =	sadd.s32 $0x4, s23  }
0x352: {  	[tilespmem:s24+$0xFFFFFFE0] =	vst v0;
	s24 =	sadd.s32 $0x40, s24;
	p1 =	slt.u32 s23, s26  }
.Ltmp100:
0x353: {  	[tilespmem:s24+$0xFFFFFFD0] =	vst v0;
	(pc) =	sbr.rel @p1 .LBB2_154-.Ltmp100, $3  }
0x354: {  	_ =	sdelay $0x1  }
0x355: {  	[tilespmem:s24+$0x0] =	vst v0  }
0x356: {  	[tilespmem:s24+$0xFFFFFFF0] =	vst v0  }
.LBB2_155:
0x357: {  	[tilespmem:s24+$0xFFFFFFE0] =	vst v0  }
.LBB2_156:
0x358: {  	p1 =	sgt.s32 s26, $0x1F  }
.Ltmp101:
0x359: {  	_ = 	snop;
	(pc) =	sbr.rel @p1 .LBB2_159-.Ltmp101, $1  }
0x35a: {  	_ =	sdelay $0x3  }
0x35b: {  	s0 =	ssub.s32 s0, s25  }
0x35c: {  	s2 =	sshll.u32 s0, $0x6  }
0x35d: {  	s2 =	ssub.s32 s17, s2  }
0x35e: {  	s2 =	sshra.s32 s2, $0x2  }
0x35f: {  	s23 =	sadd.s32 $0x5140, s2  }
.LBB2_158:
0x360: {  	p1 =	sne.s32 s0, $0x1  }
.Ltmp102:
0x361: {  	_ = 	snop;
	(pc) =	sbr.rel @p1 .LBB2_158-.Ltmp102, $2  }
0x362: {  	_ =	sdelay $0x2  }
0x363: {  	[tilespmem:s23+$0x0] =	vst v0;
	s23 =	sadd.s32 $0x10, s23;
	s0 =	sadd.s32 $0xFFFFFFFF, s0  }
.LBB2_159:
0x364: {  	(v2sf) =	vpush v3, $0x9;
	_ =	sdelay $0xe  }
0x365: {  	s2 =	spop (v2sf)  }
0x366: {  	v4 =	vmov s22;
	s22 =	sadd.s32 $0x1, s2  }
0x367: {  	s24 =	sshrl.u32 s22, $0x4  }
0x368: {  	vm0 =	veq.s32 v1, $0x0;
	s23 =	sadd.s32 $0x1, s24  }
0x369: {  	s0 =	sor.u32 $0x1000, s19;
	v4 =	vsel vm0, $0x0, v4;
	s25 =	sand.u32 $0x1FFFFFFC, s23  }
0x36a: {  	v4 =	vadd.s32 s0, v4;
	p1 =	seq.s32 s25, $0x0  }
.Ltmp103:
0x36b: {  	_ = 	snop;
	(pc) =	sbr.rel @p1 .LBB2_167-.Ltmp103, $2  }
0x36c: {  	_ =	sdelay $0x2  }
0x36d: {  	[tilespmem:v4+s13+$0x0] =	vst.idx.msk $0x3, v2  }
0x36e: {  	s0 =	sadd.s32 $0x1253, s20  }
0x36f: {  	v8 =	vld [tilespmem:s0+$0x0]  }
0x370: {  	p2 =	sgt.u32 s25, $0x4;
	v11 =	vld [tilespmem:s0+$0xFFFFFFE0]  }
.Ltmp104:
0x371: {  	_ = 	snop;
	(pc) =	sbr.rel @!p2 .LBB2_161-.Ltmp104, $4  }
0x372: {  	s28 =	simm.s32 $0x0  }
0x373: {  	v4 =	vbroadcast v3, $0x9;
	s2 =	simm.s32 $0x10;
	s10 =	simm.s32 $0x30;
	v5 =	vor.u32 s28, v1  }
0x374: {  	s26 =	sor.u32 $0x5170, s21;
	v6 =	vld [tilespmem:s0+$0xFFFFFFF0];
	v9 =	vor.u32 s2, v1;
	v12 =	vor.u32 s10, v1;
	vm1 =	veq.s32 v8, $0x0  }
0x375: {  	s31 =	simm.s32 $0x20;
	p1 =	por $0x0, $0x0;
	v7 =	vld [tilespmem:s0+$0xFFFFFFD0];
	s0 =	sadd.s32 $0x40, s0;
	vm0 =	veq.s32 v11, $0x0;
	v10 =	vsel vm1, $0x7D01, v8;
	vm1 =	vgt.s32 v12, v4  }
0x376: {  	_ =	sdelay $0x1  }
0x377: {  	v13 =	vor.u32 s31, v1  }
0x378: {  	v10 =	vsel vm1, $0x0, v10;
	v11 =	vsel vm0, $0x7D01, v11;
	vm2 =	veq.s32 v6, $0x0  }
0x379: {  	v12 =	vld [tilespmem:s0+$0x0];
	vm0 =	vgt.s32 v9, v4;
	vm1 =	veq.s32 v7, $0x0;
	v6 =	vsel vm2, $0x7D01, v6  }
0x37a: {  	v8 =	vld [tilespmem:s0+$0xFFFFFFE0];
	p2 =	sgt.u32 s25, $0x8;
	vm2 =	vgt.s32 v5, v4;
	v7 =	vsel vm1, $0x7D01, v7;
	vm1 =	vgt.s32 v13, v4  }
.Ltmp105:
0x37b: {  	v9 =	vsel vm0, $0x0, v11;
	v11 =	vsel vm1, $0x0, v6;
	v7 =	vsel vm2, $0x0, v7;
	v6 =	vld [tilespmem:s0+$0xFFFFFFF0];
	(pc) =	sbr.rel @!p2 .LBB2_181-.Ltmp105, $4  }
0x37c: {  	s10 =	simm.s32 $0x70;
	[tilespmem:s26+$0xFFFFFFD0] =	vst v7;
	v7 =	vld [tilespmem:s0+$0xFFFFFFD0]  }
0x37d: {  	s28 =	simm.s32 $0x40;
	s2 =	simm.s32 $0x50;
	[tilespmem:s26+$0x0] =	vst v10;
	v63 =	vor.u32 s10, v1  }
0x37e: {  	s29 =	simm.s32 $0x8;
	s31 =	simm.s32 $0x60;
	[tilespmem:s26+$0xFFFFFFE0] =	vst v9;
	v9 =	vor.u32 s2, v1;
	v5 =	vor.u32 s28, v1;
	vm1 =	veq.s32 v12, $0x0  }
0x37f: {  	p1 =	por $0x1, $0x1;
	s30 =	smov.u32 s26;
	vm0 =	veq.s32 v8, $0x0;
	v10 =	vsel vm1, $0x7D01, v12;
	vm1 =	vgt.s32 v63, v4;
	s0 =	sadd.s32 $0x40, s0;
	[tilespmem:s26+$0xFFFFFFF0] =	vst v11  }
.LBB2_182:
0x380: {  	v11 =	vld [tilespmem:s0+$0x0];
	s29 =	sadd.s32 $0x4, s29;
	vm2 =	veq.s32 v6, $0x0;
	v12 =	vor.u32 s31, v1;
	v10 =	vsel vm1, $0x0, v10;
	s30 =	sadd.s32 $0x40, s30  }
0x381: {  	v13 =	vsel vm0, $0x7D01, v8;
	p2 =	slt.u32 s29, s25;
	vm1 =	veq.s32 v7, $0x0;
	v8 =	vld [tilespmem:s0+$0xFFFFFFE0];
	v14 =	vsel vm2, $0x7D01, v6;
	[tilespmem:s30+$0x0] =	vst v10  }
.Ltmp106:
0x382: {  	vm0 =	vgt.s32 v9, v4;
	v6 =	vld [tilespmem:s0+$0xFFFFFFF0];
	v10 =	vsel vm1, $0x7D01, v7;
	vm1 =	vgt.s32 v12, v4;
	(pc) =	sbr.rel @p2 .LBB2_182-.Ltmp106, $4  }
0x383: {  	s28 =	sadd.s32 $0x40, s28;
	vm2 =	vgt.s32 v5, v4;
	v9 =	vsel vm0, $0x0, v13;
	v7 =	vld [tilespmem:s0+$0xFFFFFFD0];
	v12 =	vsel vm1, $0x0, v14  }
0x384: {  	v5 =	vor.u32 s28, v1;
	s2 =	sadd.s32 $0x10, s28;
	s31 =	sadd.s32 $0x20, s28;
	s10 =	sadd.s32 $0x30, s28;
	v10 =	vsel vm2, $0x0, v10;
	[tilespmem:s30+$0xFFFFFFE0] =	vst v9  }
0x385: {  	v13 =	vor.u32 s10, v1;
	v9 =	vor.u32 s2, v1;
	vm1 =	veq.s32 v11, $0x0;
	[tilespmem:s30+$0xFFFFFFD0] =	vst v10  }
0x386: {  	s0 =	sadd.s32 $0x40, s0;
	vm0 =	veq.s32 v8, $0x0;
	v10 =	vsel vm1, $0x7D01, v11;
	vm1 =	vgt.s32 v13, v4;
	[tilespmem:s30+$0xFFFFFFF0] =	vst v12  }
0x387: {  	v11 =	vmov v8  }
.LBB2_184:
0x388: {  	vm2 =	veq.s32 v6, $0x0;
	v8 =	vor.u32 s31, v1;
	v10 =	vsel vm1, $0x0, v10;
	s0 =	sadd.s32 @p1 $0x40, s30  }
0x389: {  	vm12 =	veq.s32 v7, $0x0;
	v11 =	vsel vm0, $0x7D01, v11;
	vm13 =	vgt.s32 v9, v4;
	s26 =	smov.u32 @p1 s0  }
0x38a: {  	vm14 =	vgt.s32 v5, v4;
	v7 =	vsel vm12, $0x7D01, v7;
	v5 =	vsel vm13, $0x0, v11;
	[tilespmem:s26+$0x0] =	vst v10  }
0x38b: {  	v6 =	vsel vm2, $0x7D01, v6;
	vm15 =	vgt.s32 v8, v4;
	v4 =	vsel vm14, $0x0, v7;
	[tilespmem:s26+$0xFFFFFFE0] =	vst v5  }
0x38c: {  	v5 =	vsel vm15, $0x0, v6;
	[tilespmem:s26+$0xFFFFFFD0] =	vst v4  }
0x38d: {  	[tilespmem:s26+$0xFFFFFFF0] =	vst v5  }
.LBB2_167:
0x38e: {  	p1 =	sgt.u32 s25, s24  }
.Ltmp107:
0x38f: {  	_ = 	snop;
	(pc) =	sbr.rel @p1 .LBB2_170-.Ltmp107, $1  }
0x390: {  	_ =	sdelay $0x3  }
0x391: {  	s2 =	sshrl.u32 s23, $0x2  }
0x392: {  	s0 =	sshll.u32 s2, $0x8  }
0x393: {  	s10 =	ssub.s32 s24, s25;
	s30 =	sadd.s32 s0, s17;
	s26 =	sadd.s32 s0, s18  }
0x394: {  	s28 =	sshll.u32 s2, $0x6;
	s31 =	sshra.s32 s30, $0x2;
	s26 =	sshra.s32 s26, $0x2  }
0x395: {  	v4 =	vbroadcast v3, $0x9;
	s0 =	sadd.s32 $0x1, s10;
	s25 =	sadd.s32 $0x5140, s31;
	s26 =	sadd.s32 $0x1223, s26  }
.LBB2_169:
0x396: {  	v5 =	vld [tilespmem:s26+$0x0];
	_ =	sdelay $0x2  }
0x397: {  	p1 =	sne.s32 s0, $0x1  }
.Ltmp108:
0x398: {  	_ = 	snop;
	(pc) =	sbr.rel @p1 .LBB2_169-.Ltmp108, $4  }
0x399: {  	v6 =	vor.u32 s28, v1;
	vm0 =	veq.s32 v5, $0x0  }
0x39a: {  	vm15 =	vgt.s32 v6, v4;
	v5 =	vsel vm0, $0x7D01, v5  }
0x39b: {  	s26 =	sadd.s32 $0x10, s26;
	v5 =	vsel vm15, $0x0, v5  }
0x39c: {  	s28 =	sadd.s32 $0x10, s28;
	s0 =	sadd.s32 $0xFFFFFFFF, s0;
	[tilespmem:s25+$0x0] =	vst v5;
	s25 =	sadd.s32 $0x10, s25  }
.LBB2_170:
0x39d: {  	s0 =	ssub.s32 $0x1F, s24  }
0x39e: {  	s2 =	sshrl.u32 s0, $0x1E  }
0x39f: {  	s2 =	sadd.s32 s2, s0  }
0x3a0: {  	s25 =	sand.u32 $0xFFFFFFFC, s2  }
0x3a1: {  	p1 =	slt.s32 s25, $0x1  }
.Ltmp109:
0x3a2: {  	_ = 	snop;
	(pc) =	sbr.rel @p1 .LBB2_174-.Ltmp109, $2  }
0x3a3: {  	_ =	sdelay $0x2  }
0x3a4: {  	s26 =	sadd.s32 s23, s25  }
0x3a5: {  	s2 =	sshll.u32 s24, $0x6;
	s23 =	sadd.s32 $0x4, s23  }
0x3a6: {  	s2 =	sadd.s32 s2, s17;
	p1 =	slt.u32 s23, s26  }
.Ltmp110:
0x3a7: {  	s2 =	sshra.s32 s2, $0x2;
	(pc) =	sbr.rel @!p1 .LBB2_173-.Ltmp110, $4  }
0x3a8: {  	s24 =	sadd.s32 $0x5180, s2  }
0x3a9: {  	[tilespmem:s24+$0xFFFFFFD0] =	vst v0  }
0x3aa: {  	[tilespmem:s24+$0x0] =	vst v0  }
0x3ab: {  	[tilespmem:s24+$0xFFFFFFF0] =	vst v0  }
.LBB2_172:
0x3ac: {  	s23 =	sadd.s32 $0x4, s23  }
0x3ad: {  	[tilespmem:s24+$0xFFFFFFE0] =	vst v0;
	s24 =	sadd.s32 $0x40, s24;
	p1 =	slt.u32 s23, s26  }
.Ltmp111:
0x3ae: {  	[tilespmem:s24+$0xFFFFFFD0] =	vst v0;
	(pc) =	sbr.rel @p1 .LBB2_172-.Ltmp111, $3  }
0x3af: {  	_ =	sdelay $0x1  }
0x3b0: {  	[tilespmem:s24+$0x0] =	vst v0  }
0x3b1: {  	[tilespmem:s24+$0xFFFFFFF0] =	vst v0  }
.LBB2_173:
0x3b2: {  	[tilespmem:s24+$0xFFFFFFE0] =	vst v0  }
.LBB2_174:
0x3b3: {  	p1 =	sgt.s32 s26, $0x1F  }
.Ltmp112:
0x3b4: {  	_ = 	snop;
	(pc) =	sbr.rel @p1 .LBB2_177-.Ltmp112, $1  }
0x3b5: {  	_ =	sdelay $0x3  }
0x3b6: {  	s0 =	ssub.s32 s0, s25  }
0x3b7: {  	s2 =	sshll.u32 s0, $0x6  }
0x3b8: {  	s2 =	ssub.s32 s17, s2  }
0x3b9: {  	s2 =	sshra.s32 s2, $0x2  }
0x3ba: {  	s23 =	sadd.s32 $0x5340, s2  }
.LBB2_176:
0x3bb: {  	p1 =	sne.s32 s0, $0x1  }
.Ltmp113:
0x3bc: {  	_ = 	snop;
	(pc) =	sbr.rel @p1 .LBB2_176-.Ltmp113, $2  }
0x3bd: {  	_ =	sdelay $0x2  }
0x3be: {  	[tilespmem:s23+$0x0] =	vst v0;
	s23 =	sadd.s32 $0x10, s23;
	s0 =	sadd.s32 $0xFFFFFFFF, s0  }
.LBB2_177:
0x3bf: {  	(v2sf) =	vpush v3, $0xA;
	_ =	sdelay $0xe  }
0x3c0: {  	s2 =	spop (v2sf)  }
0x3c1: {  	v4 =	vmov s22;
	s22 =	sadd.s32 $0x1, s2  }
0x3c2: {  	s24 =	sshrl.u32 s22, $0x4  }
0x3c3: {  	vm0 =	veq.s32 v1, $0x0;
	s23 =	sadd.s32 $0x1, s24  }
0x3c4: {  	s0 =	sor.u32 $0x1200, s19;
	v4 =	vsel vm0, $0x0, v4;
	s25 =	sand.u32 $0x1FFFFFFC, s23  }
0x3c5: {  	v4 =	vadd.s32 s0, v4;
	p1 =	seq.s32 s25, $0x0  }
.Ltmp114:
0x3c6: {  	_ = 	snop;
	(pc) =	sbr.rel @p1 .LBB2_185-.Ltmp114, $2  }
0x3c7: {  	_ =	sdelay $0x2  }
0x3c8: {  	[tilespmem:v4+s13+$0x0] =	vst.idx.msk $0x3, v2  }
0x3c9: {  	s0 =	sadd.s32 $0x1447, s20  }
0x3ca: {  	v8 =	vld [tilespmem:s0+$0x0]  }
0x3cb: {  	p2 =	sgt.u32 s25, $0x4;
	v11 =	vld [tilespmem:s0+$0xFFFFFFE0]  }
.Ltmp115:
0x3cc: {  	_ = 	snop;
	(pc) =	sbr.rel @!p2 .LBB2_179-.Ltmp115, $4  }
0x3cd: {  	s28 =	simm.s32 $0x0  }
0x3ce: {  	v4 =	vbroadcast v3, $0xA;
	s2 =	simm.s32 $0x10;
	s10 =	simm.s32 $0x30;
	v5 =	vor.u32 s28, v1  }
0x3cf: {  	s26 =	sor.u32 $0x5370, s21;
	v6 =	vld [tilespmem:s0+$0xFFFFFFF0];
	v9 =	vor.u32 s2, v1;
	v12 =	vor.u32 s10, v1;
	vm1 =	veq.s32 v8, $0x0  }
0x3d0: {  	s31 =	simm.s32 $0x20;
	p1 =	por $0x0, $0x0;
	v7 =	vld [tilespmem:s0+$0xFFFFFFD0];
	s0 =	sadd.s32 $0x40, s0;
	vm0 =	veq.s32 v11, $0x0;
	v10 =	vsel vm1, $0x7D01, v8;
	vm1 =	vgt.s32 v12, v4  }
0x3d1: {  	_ =	sdelay $0x1  }
0x3d2: {  	v13 =	vor.u32 s31, v1  }
0x3d3: {  	v10 =	vsel vm1, $0x0, v10;
	v11 =	vsel vm0, $0x7D01, v11;
	vm2 =	veq.s32 v6, $0x0  }
0x3d4: {  	v12 =	vld [tilespmem:s0+$0x0];
	vm0 =	vgt.s32 v9, v4;
	vm1 =	veq.s32 v7, $0x0;
	v6 =	vsel vm2, $0x7D01, v6  }
0x3d5: {  	v8 =	vld [tilespmem:s0+$0xFFFFFFE0];
	p2 =	sgt.u32 s25, $0x8;
	vm2 =	vgt.s32 v5, v4;
	v7 =	vsel vm1, $0x7D01, v7;
	vm1 =	vgt.s32 v13, v4  }
.Ltmp116:
0x3d6: {  	v9 =	vsel vm0, $0x0, v11;
	v11 =	vsel vm1, $0x0, v6;
	v7 =	vsel vm2, $0x0, v7;
	v6 =	vld [tilespmem:s0+$0xFFFFFFF0];
	(pc) =	sbr.rel @!p2 .LBB2_199-.Ltmp116, $4  }
0x3d7: {  	s10 =	simm.s32 $0x70;
	[tilespmem:s26+$0xFFFFFFD0] =	vst v7;
	v7 =	vld [tilespmem:s0+$0xFFFFFFD0]  }
0x3d8: {  	s28 =	simm.s32 $0x40;
	s2 =	simm.s32 $0x50;
	[tilespmem:s26+$0x0] =	vst v10;
	v63 =	vor.u32 s10, v1  }
0x3d9: {  	s29 =	simm.s32 $0x8;
	s31 =	simm.s32 $0x60;
	[tilespmem:s26+$0xFFFFFFE0] =	vst v9;
	v9 =	vor.u32 s2, v1;
	v5 =	vor.u32 s28, v1;
	vm1 =	veq.s32 v12, $0x0  }
0x3da: {  	p1 =	por $0x1, $0x1;
	s30 =	smov.u32 s26;
	vm0 =	veq.s32 v8, $0x0;
	v10 =	vsel vm1, $0x7D01, v12;
	vm1 =	vgt.s32 v63, v4;
	s0 =	sadd.s32 $0x40, s0;
	[tilespmem:s26+$0xFFFFFFF0] =	vst v11  }
.LBB2_200:
0x3db: {  	v11 =	vld [tilespmem:s0+$0x0];
	s29 =	sadd.s32 $0x4, s29;
	vm2 =	veq.s32 v6, $0x0;
	v12 =	vor.u32 s31, v1;
	v10 =	vsel vm1, $0x0, v10;
	s30 =	sadd.s32 $0x40, s30  }
0x3dc: {  	v13 =	vsel vm0, $0x7D01, v8;
	p2 =	slt.u32 s29, s25;
	vm1 =	veq.s32 v7, $0x0;
	v8 =	vld [tilespmem:s0+$0xFFFFFFE0];
	v14 =	vsel vm2, $0x7D01, v6;
	[tilespmem:s30+$0x0] =	vst v10  }
.Ltmp117:
0x3dd: {  	vm0 =	vgt.s32 v9, v4;
	v6 =	vld [tilespmem:s0+$0xFFFFFFF0];
	v10 =	vsel vm1, $0x7D01, v7;
	vm1 =	vgt.s32 v12, v4;
	(pc) =	sbr.rel @p2 .LBB2_200-.Ltmp117, $4  }
0x3de: {  	s28 =	sadd.s32 $0x40, s28;
	vm2 =	vgt.s32 v5, v4;
	v9 =	vsel vm0, $0x0, v13;
	v7 =	vld [tilespmem:s0+$0xFFFFFFD0];
	v12 =	vsel vm1, $0x0, v14  }
0x3df: {  	v5 =	vor.u32 s28, v1;
	s2 =	sadd.s32 $0x10, s28;
	s31 =	sadd.s32 $0x20, s28;
	s10 =	sadd.s32 $0x30, s28;
	v10 =	vsel vm2, $0x0, v10;
	[tilespmem:s30+$0xFFFFFFE0] =	vst v9  }
0x3e0: {  	v13 =	vor.u32 s10, v1;
	v9 =	vor.u32 s2, v1;
	vm1 =	veq.s32 v11, $0x0;
	[tilespmem:s30+$0xFFFFFFD0] =	vst v10  }
0x3e1: {  	s0 =	sadd.s32 $0x40, s0;
	vm0 =	veq.s32 v8, $0x0;
	v10 =	vsel vm1, $0x7D01, v11;
	vm1 =	vgt.s32 v13, v4;
	[tilespmem:s30+$0xFFFFFFF0] =	vst v12  }
0x3e2: {  	v11 =	vmov v8  }
.LBB2_202:
0x3e3: {  	vm2 =	veq.s32 v6, $0x0;
	v8 =	vor.u32 s31, v1;
	v10 =	vsel vm1, $0x0, v10;
	s0 =	sadd.s32 @p1 $0x40, s30  }
0x3e4: {  	vm12 =	veq.s32 v7, $0x0;
	v11 =	vsel vm0, $0x7D01, v11;
	vm13 =	vgt.s32 v9, v4;
	s26 =	smov.u32 @p1 s0  }
0x3e5: {  	vm14 =	vgt.s32 v5, v4;
	v7 =	vsel vm12, $0x7D01, v7;
	v5 =	vsel vm13, $0x0, v11;
	[tilespmem:s26+$0x0] =	vst v10  }
0x3e6: {  	v6 =	vsel vm2, $0x7D01, v6;
	vm15 =	vgt.s32 v8, v4;
	v4 =	vsel vm14, $0x0, v7;
	[tilespmem:s26+$0xFFFFFFE0] =	vst v5  }
0x3e7: {  	v5 =	vsel vm15, $0x0, v6;
	[tilespmem:s26+$0xFFFFFFD0] =	vst v4  }
0x3e8: {  	[tilespmem:s26+$0xFFFFFFF0] =	vst v5  }
.LBB2_185:
0x3e9: {  	p1 =	sgt.u32 s25, s24  }
.Ltmp118:
0x3ea: {  	_ = 	snop;
	(pc) =	sbr.rel @p1 .LBB2_188-.Ltmp118, $1  }
0x3eb: {  	_ =	sdelay $0x3  }
0x3ec: {  	s2 =	sshrl.u32 s23, $0x2  }
0x3ed: {  	s0 =	sshll.u32 s2, $0x8  }
0x3ee: {  	s10 =	ssub.s32 s24, s25;
	s30 =	sadd.s32 s0, s17;
	s26 =	sadd.s32 s0, s18  }
0x3ef: {  	s28 =	sshll.u32 s2, $0x6;
	s31 =	sshra.s32 s30, $0x2;
	s26 =	sshra.s32 s26, $0x2  }
0x3f0: {  	v4 =	vbroadcast v3, $0xA;
	s0 =	sadd.s32 $0x1, s10;
	s25 =	sadd.s32 $0x5340, s31;
	s26 =	sadd.s32 $0x1417, s26  }
.LBB2_187:
0x3f1: {  	v5 =	vld [tilespmem:s26+$0x0];
	_ =	sdelay $0x2  }
0x3f2: {  	p1 =	sne.s32 s0, $0x1  }
.Ltmp119:
0x3f3: {  	_ = 	snop;
	(pc) =	sbr.rel @p1 .LBB2_187-.Ltmp119, $4  }
0x3f4: {  	v6 =	vor.u32 s28, v1;
	vm0 =	veq.s32 v5, $0x0  }
0x3f5: {  	vm15 =	vgt.s32 v6, v4;
	v5 =	vsel vm0, $0x7D01, v5  }
0x3f6: {  	s26 =	sadd.s32 $0x10, s26;
	v5 =	vsel vm15, $0x0, v5  }
0x3f7: {  	s28 =	sadd.s32 $0x10, s28;
	s0 =	sadd.s32 $0xFFFFFFFF, s0;
	[tilespmem:s25+$0x0] =	vst v5;
	s25 =	sadd.s32 $0x10, s25  }
.LBB2_188:
0x3f8: {  	s0 =	ssub.s32 $0x1F, s24  }
0x3f9: {  	s2 =	sshrl.u32 s0, $0x1E  }
0x3fa: {  	s2 =	sadd.s32 s2, s0  }
0x3fb: {  	s25 =	sand.u32 $0xFFFFFFFC, s2  }
0x3fc: {  	p1 =	slt.s32 s25, $0x1  }
.Ltmp120:
0x3fd: {  	_ = 	snop;
	(pc) =	sbr.rel @p1 .LBB2_192-.Ltmp120, $2  }
0x3fe: {  	_ =	sdelay $0x2  }
0x3ff: {  	s26 =	sadd.s32 s23, s25  }
0x400: {  	s2 =	sshll.u32 s24, $0x6;
	s23 =	sadd.s32 $0x4, s23  }
0x401: {  	s2 =	sadd.s32 s2, s17;
	p1 =	slt.u32 s23, s26  }
.Ltmp121:
0x402: {  	s2 =	sshra.s32 s2, $0x2;
	(pc) =	sbr.rel @!p1 .LBB2_191-.Ltmp121, $4  }
0x403: {  	s24 =	sadd.s32 $0x5380, s2  }
0x404: {  	[tilespmem:s24+$0xFFFFFFD0] =	vst v0  }
0x405: {  	[tilespmem:s24+$0x0] =	vst v0  }
0x406: {  	[tilespmem:s24+$0xFFFFFFF0] =	vst v0  }
.LBB2_190:
0x407: {  	s23 =	sadd.s32 $0x4, s23  }
0x408: {  	[tilespmem:s24+$0xFFFFFFE0] =	vst v0;
	s24 =	sadd.s32 $0x40, s24;
	p1 =	slt.u32 s23, s26  }
.Ltmp122:
0x409: {  	[tilespmem:s24+$0xFFFFFFD0] =	vst v0;
	(pc) =	sbr.rel @p1 .LBB2_190-.Ltmp122, $3  }
0x40a: {  	_ =	sdelay $0x1  }
0x40b: {  	[tilespmem:s24+$0x0] =	vst v0  }
0x40c: {  	[tilespmem:s24+$0xFFFFFFF0] =	vst v0  }
.LBB2_191:
0x40d: {  	[tilespmem:s24+$0xFFFFFFE0] =	vst v0  }
.LBB2_192:
0x40e: {  	p1 =	sgt.s32 s26, $0x1F  }
.Ltmp123:
0x40f: {  	_ = 	snop;
	(pc) =	sbr.rel @p1 .LBB2_195-.Ltmp123, $1  }
0x410: {  	_ =	sdelay $0x3  }
0x411: {  	s0 =	ssub.s32 s0, s25  }
0x412: {  	s2 =	sshll.u32 s0, $0x6  }
0x413: {  	s2 =	ssub.s32 s17, s2  }
0x414: {  	s2 =	sshra.s32 s2, $0x2  }
0x415: {  	s23 =	sadd.s32 $0x5540, s2  }
.LBB2_194:
0x416: {  	p1 =	sne.s32 s0, $0x1  }
.Ltmp124:
0x417: {  	_ = 	snop;
	(pc) =	sbr.rel @p1 .LBB2_194-.Ltmp124, $2  }
0x418: {  	_ =	sdelay $0x2  }
0x419: {  	[tilespmem:s23+$0x0] =	vst v0;
	s23 =	sadd.s32 $0x10, s23;
	s0 =	sadd.s32 $0xFFFFFFFF, s0  }
.LBB2_195:
0x41a: {  	(v2sf) =	vpush v3, $0xB;
	_ =	sdelay $0xe  }
0x41b: {  	s2 =	spop (v2sf)  }
0x41c: {  	v4 =	vmov s22;
	s22 =	sadd.s32 $0x1, s2  }
0x41d: {  	s24 =	sshrl.u32 s22, $0x4  }
0x41e: {  	vm0 =	veq.s32 v1, $0x0;
	s23 =	sadd.s32 $0x1, s24  }
0x41f: {  	s0 =	sor.u32 $0x1400, s19;
	v4 =	vsel vm0, $0x0, v4;
	s25 =	sand.u32 $0x1FFFFFFC, s23  }
0x420: {  	v4 =	vadd.s32 s0, v4;
	p1 =	seq.s32 s25, $0x0  }
.Ltmp125:
0x421: {  	_ = 	snop;
	(pc) =	sbr.rel @p1 .LBB2_203-.Ltmp125, $2  }
0x422: {  	_ =	sdelay $0x2  }
0x423: {  	[tilespmem:v4+s13+$0x0] =	vst.idx.msk $0x3, v2  }
0x424: {  	s0 =	sadd.s32 $0x163B, s20  }
0x425: {  	v8 =	vld [tilespmem:s0+$0x0]  }
0x426: {  	p2 =	sgt.u32 s25, $0x4;
	v11 =	vld [tilespmem:s0+$0xFFFFFFE0]  }
.Ltmp126:
0x427: {  	_ = 	snop;
	(pc) =	sbr.rel @!p2 .LBB2_197-.Ltmp126, $4  }
0x428: {  	s28 =	simm.s32 $0x0  }
0x429: {  	v4 =	vbroadcast v3, $0xB;
	s2 =	simm.s32 $0x10;
	s10 =	simm.s32 $0x30;
	v5 =	vor.u32 s28, v1  }
0x42a: {  	s26 =	sor.u32 $0x5570, s21;
	v6 =	vld [tilespmem:s0+$0xFFFFFFF0];
	v9 =	vor.u32 s2, v1;
	v12 =	vor.u32 s10, v1;
	vm1 =	veq.s32 v8, $0x0  }
0x42b: {  	s31 =	simm.s32 $0x20;
	p1 =	por $0x0, $0x0;
	v7 =	vld [tilespmem:s0+$0xFFFFFFD0];
	s0 =	sadd.s32 $0x40, s0;
	vm0 =	veq.s32 v11, $0x0;
	v10 =	vsel vm1, $0x7D01, v8;
	vm1 =	vgt.s32 v12, v4  }
0x42c: {  	_ =	sdelay $0x1  }
0x42d: {  	v13 =	vor.u32 s31, v1  }
0x42e: {  	v10 =	vsel vm1, $0x0, v10;
	v11 =	vsel vm0, $0x7D01, v11;
	vm2 =	veq.s32 v6, $0x0  }
0x42f: {  	v12 =	vld [tilespmem:s0+$0x0];
	vm0 =	vgt.s32 v9, v4;
	vm1 =	veq.s32 v7, $0x0;
	v6 =	vsel vm2, $0x7D01, v6  }
0x430: {  	v8 =	vld [tilespmem:s0+$0xFFFFFFE0];
	p2 =	sgt.u32 s25, $0x8;
	vm2 =	vgt.s32 v5, v4;
	v7 =	vsel vm1, $0x7D01, v7;
	vm1 =	vgt.s32 v13, v4  }
.Ltmp127:
0x431: {  	v9 =	vsel vm0, $0x0, v11;
	v11 =	vsel vm1, $0x0, v6;
	v7 =	vsel vm2, $0x0, v7;
	v6 =	vld [tilespmem:s0+$0xFFFFFFF0];
	(pc) =	sbr.rel @!p2 .LBB2_217-.Ltmp127, $4  }
0x432: {  	s10 =	simm.s32 $0x70;
	[tilespmem:s26+$0xFFFFFFD0] =	vst v7;
	v7 =	vld [tilespmem:s0+$0xFFFFFFD0]  }
0x433: {  	s28 =	simm.s32 $0x40;
	s2 =	simm.s32 $0x50;
	[tilespmem:s26+$0x0] =	vst v10;
	v63 =	vor.u32 s10, v1  }
0x434: {  	s29 =	simm.s32 $0x8;
	s31 =	simm.s32 $0x60;
	[tilespmem:s26+$0xFFFFFFE0] =	vst v9;
	v9 =	vor.u32 s2, v1;
	v5 =	vor.u32 s28, v1;
	vm1 =	veq.s32 v12, $0x0  }
0x435: {  	p1 =	por $0x1, $0x1;
	s30 =	smov.u32 s26;
	vm0 =	veq.s32 v8, $0x0;
	v10 =	vsel vm1, $0x7D01, v12;
	vm1 =	vgt.s32 v63, v4;
	s0 =	sadd.s32 $0x40, s0;
	[tilespmem:s26+$0xFFFFFFF0] =	vst v11  }
.LBB2_218:
0x436: {  	v11 =	vld [tilespmem:s0+$0x0];
	s29 =	sadd.s32 $0x4, s29;
	vm2 =	veq.s32 v6, $0x0;
	v12 =	vor.u32 s31, v1;
	v10 =	vsel vm1, $0x0, v10;
	s30 =	sadd.s32 $0x40, s30  }
0x437: {  	v13 =	vsel vm0, $0x7D01, v8;
	p2 =	slt.u32 s29, s25;
	vm1 =	veq.s32 v7, $0x0;
	v8 =	vld [tilespmem:s0+$0xFFFFFFE0];
	v14 =	vsel vm2, $0x7D01, v6;
	[tilespmem:s30+$0x0] =	vst v10  }
.Ltmp128:
0x438: {  	vm0 =	vgt.s32 v9, v4;
	v6 =	vld [tilespmem:s0+$0xFFFFFFF0];
	v10 =	vsel vm1, $0x7D01, v7;
	vm1 =	vgt.s32 v12, v4;
	(pc) =	sbr.rel @p2 .LBB2_218-.Ltmp128, $4  }
0x439: {  	s28 =	sadd.s32 $0x40, s28;
	vm2 =	vgt.s32 v5, v4;
	v9 =	vsel vm0, $0x0, v13;
	v7 =	vld [tilespmem:s0+$0xFFFFFFD0];
	v12 =	vsel vm1, $0x0, v14  }
0x43a: {  	v5 =	vor.u32 s28, v1;
	s2 =	sadd.s32 $0x10, s28;
	s31 =	sadd.s32 $0x20, s28;
	s10 =	sadd.s32 $0x30, s28;
	v10 =	vsel vm2, $0x0, v10;
	[tilespmem:s30+$0xFFFFFFE0] =	vst v9  }
0x43b: {  	v13 =	vor.u32 s10, v1;
	v9 =	vor.u32 s2, v1;
	vm1 =	veq.s32 v11, $0x0;
	[tilespmem:s30+$0xFFFFFFD0] =	vst v10  }
0x43c: {  	s0 =	sadd.s32 $0x40, s0;
	vm0 =	veq.s32 v8, $0x0;
	v10 =	vsel vm1, $0x7D01, v11;
	vm1 =	vgt.s32 v13, v4;
	[tilespmem:s30+$0xFFFFFFF0] =	vst v12  }
0x43d: {  	v11 =	vmov v8  }
.LBB2_220:
0x43e: {  	vm2 =	veq.s32 v6, $0x0;
	v8 =	vor.u32 s31, v1;
	v10 =	vsel vm1, $0x0, v10;
	s0 =	sadd.s32 @p1 $0x40, s30  }
0x43f: {  	vm12 =	veq.s32 v7, $0x0;
	v11 =	vsel vm0, $0x7D01, v11;
	vm13 =	vgt.s32 v9, v4;
	s26 =	smov.u32 @p1 s0  }
0x440: {  	vm14 =	vgt.s32 v5, v4;
	v7 =	vsel vm12, $0x7D01, v7;
	v5 =	vsel vm13, $0x0, v11;
	[tilespmem:s26+$0x0] =	vst v10  }
0x441: {  	v6 =	vsel vm2, $0x7D01, v6;
	vm15 =	vgt.s32 v8, v4;
	v4 =	vsel vm14, $0x0, v7;
	[tilespmem:s26+$0xFFFFFFE0] =	vst v5  }
0x442: {  	v5 =	vsel vm15, $0x0, v6;
	[tilespmem:s26+$0xFFFFFFD0] =	vst v4  }
0x443: {  	[tilespmem:s26+$0xFFFFFFF0] =	vst v5  }
.LBB2_203:
0x444: {  	p1 =	sgt.u32 s25, s24  }
.Ltmp129:
0x445: {  	_ = 	snop;
	(pc) =	sbr.rel @p1 .LBB2_206-.Ltmp129, $1  }
0x446: {  	_ =	sdelay $0x3  }
0x447: {  	s2 =	sshrl.u32 s23, $0x2  }
0x448: {  	s0 =	sshll.u32 s2, $0x8  }
0x449: {  	s10 =	ssub.s32 s24, s25;
	s30 =	sadd.s32 s0, s17;
	s26 =	sadd.s32 s0, s18  }
0x44a: {  	s28 =	sshll.u32 s2, $0x6;
	s31 =	sshra.s32 s30, $0x2;
	s26 =	sshra.s32 s26, $0x2  }
0x44b: {  	v4 =	vbroadcast v3, $0xB;
	s0 =	sadd.s32 $0x1, s10;
	s25 =	sadd.s32 $0x5540, s31;
	s26 =	sadd.s32 $0x160B, s26  }
.LBB2_205:
0x44c: {  	v5 =	vld [tilespmem:s26+$0x0];
	_ =	sdelay $0x2  }
0x44d: {  	p1 =	sne.s32 s0, $0x1  }
.Ltmp130:
0x44e: {  	_ = 	snop;
	(pc) =	sbr.rel @p1 .LBB2_205-.Ltmp130, $4  }
0x44f: {  	v6 =	vor.u32 s28, v1;
	vm0 =	veq.s32 v5, $0x0  }
0x450: {  	vm15 =	vgt.s32 v6, v4;
	v5 =	vsel vm0, $0x7D01, v5  }
0x451: {  	s26 =	sadd.s32 $0x10, s26;
	v5 =	vsel vm15, $0x0, v5  }
0x452: {  	s28 =	sadd.s32 $0x10, s28;
	s0 =	sadd.s32 $0xFFFFFFFF, s0;
	[tilespmem:s25+$0x0] =	vst v5;
	s25 =	sadd.s32 $0x10, s25  }
.LBB2_206:
0x453: {  	s0 =	ssub.s32 $0x1F, s24  }
0x454: {  	s2 =	sshrl.u32 s0, $0x1E  }
0x455: {  	s2 =	sadd.s32 s2, s0  }
0x456: {  	s25 =	sand.u32 $0xFFFFFFFC, s2  }
0x457: {  	p1 =	slt.s32 s25, $0x1  }
.Ltmp131:
0x458: {  	_ = 	snop;
	(pc) =	sbr.rel @p1 .LBB2_210-.Ltmp131, $2  }
0x459: {  	_ =	sdelay $0x2  }
0x45a: {  	s26 =	sadd.s32 s23, s25  }
0x45b: {  	s2 =	sshll.u32 s24, $0x6;
	s23 =	sadd.s32 $0x4, s23  }
0x45c: {  	s2 =	sadd.s32 s2, s17;
	p1 =	slt.u32 s23, s26  }
.Ltmp132:
0x45d: {  	s2 =	sshra.s32 s2, $0x2;
	(pc) =	sbr.rel @!p1 .LBB2_209-.Ltmp132, $4  }
0x45e: {  	s24 =	sadd.s32 $0x5580, s2  }
0x45f: {  	[tilespmem:s24+$0xFFFFFFD0] =	vst v0  }
0x460: {  	[tilespmem:s24+$0x0] =	vst v0  }
0x461: {  	[tilespmem:s24+$0xFFFFFFF0] =	vst v0  }
.LBB2_208:
0x462: {  	s23 =	sadd.s32 $0x4, s23  }
0x463: {  	[tilespmem:s24+$0xFFFFFFE0] =	vst v0;
	s24 =	sadd.s32 $0x40, s24;
	p1 =	slt.u32 s23, s26  }
.Ltmp133:
0x464: {  	[tilespmem:s24+$0xFFFFFFD0] =	vst v0;
	(pc) =	sbr.rel @p1 .LBB2_208-.Ltmp133, $3  }
0x465: {  	_ =	sdelay $0x1  }
0x466: {  	[tilespmem:s24+$0x0] =	vst v0  }
0x467: {  	[tilespmem:s24+$0xFFFFFFF0] =	vst v0  }
.LBB2_209:
0x468: {  	[tilespmem:s24+$0xFFFFFFE0] =	vst v0  }
.LBB2_210:
0x469: {  	p1 =	sgt.s32 s26, $0x1F  }
.Ltmp134:
0x46a: {  	_ = 	snop;
	(pc) =	sbr.rel @p1 .LBB2_213-.Ltmp134, $1  }
0x46b: {  	_ =	sdelay $0x3  }
0x46c: {  	s0 =	ssub.s32 s0, s25  }
0x46d: {  	s2 =	sshll.u32 s0, $0x6  }
0x46e: {  	s2 =	ssub.s32 s17, s2  }
0x46f: {  	s2 =	sshra.s32 s2, $0x2  }
0x470: {  	s23 =	sadd.s32 $0x5740, s2  }
.LBB2_212:
0x471: {  	p1 =	sne.s32 s0, $0x1  }
.Ltmp135:
0x472: {  	_ = 	snop;
	(pc) =	sbr.rel @p1 .LBB2_212-.Ltmp135, $2  }
0x473: {  	_ =	sdelay $0x2  }
0x474: {  	[tilespmem:s23+$0x0] =	vst v0;
	s23 =	sadd.s32 $0x10, s23;
	s0 =	sadd.s32 $0xFFFFFFFF, s0  }
.LBB2_213:
0x475: {  	(v2sf) =	vpush v3, $0xC;
	_ =	sdelay $0xe  }
0x476: {  	s2 =	spop (v2sf)  }
0x477: {  	v4 =	vmov s22;
	s22 =	sadd.s32 $0x1, s2  }
0x478: {  	s24 =	sshrl.u32 s22, $0x4  }
0x479: {  	vm0 =	veq.s32 v1, $0x0;
	s23 =	sadd.s32 $0x1, s24  }
0x47a: {  	s0 =	sor.u32 $0x1600, s19;
	v4 =	vsel vm0, $0x0, v4;
	s25 =	sand.u32 $0x1FFFFFFC, s23  }
0x47b: {  	v4 =	vadd.s32 s0, v4;
	p1 =	seq.s32 s25, $0x0  }
.Ltmp136:
0x47c: {  	_ = 	snop;
	(pc) =	sbr.rel @p1 .LBB2_221-.Ltmp136, $2  }
0x47d: {  	_ =	sdelay $0x2  }
0x47e: {  	[tilespmem:v4+s13+$0x0] =	vst.idx.msk $0x3, v2  }
0x47f: {  	s0 =	sadd.s32 $0x182F, s20  }
0x480: {  	v8 =	vld [tilespmem:s0+$0x0]  }
0x481: {  	p2 =	sgt.u32 s25, $0x4;
	v11 =	vld [tilespmem:s0+$0xFFFFFFE0]  }
.Ltmp137:
0x482: {  	_ = 	snop;
	(pc) =	sbr.rel @!p2 .LBB2_215-.Ltmp137, $4  }
0x483: {  	s28 =	simm.s32 $0x0  }
0x484: {  	v4 =	vbroadcast v3, $0xC;
	s2 =	simm.s32 $0x10;
	s10 =	simm.s32 $0x30;
	v5 =	vor.u32 s28, v1  }
0x485: {  	s26 =	sor.u32 $0x5770, s21;
	v6 =	vld [tilespmem:s0+$0xFFFFFFF0];
	v9 =	vor.u32 s2, v1;
	v12 =	vor.u32 s10, v1;
	vm1 =	veq.s32 v8, $0x0  }
0x486: {  	s31 =	simm.s32 $0x20;
	p1 =	por $0x0, $0x0;
	v7 =	vld [tilespmem:s0+$0xFFFFFFD0];
	s0 =	sadd.s32 $0x40, s0;
	vm0 =	veq.s32 v11, $0x0;
	v10 =	vsel vm1, $0x7D01, v8;
	vm1 =	vgt.s32 v12, v4  }
0x487: {  	_ =	sdelay $0x1  }
0x488: {  	v13 =	vor.u32 s31, v1  }
0x489: {  	v10 =	vsel vm1, $0x0, v10;
	v11 =	vsel vm0, $0x7D01, v11;
	vm2 =	veq.s32 v6, $0x0  }
0x48a: {  	v12 =	vld [tilespmem:s0+$0x0];
	vm0 =	vgt.s32 v9, v4;
	vm1 =	veq.s32 v7, $0x0;
	v6 =	vsel vm2, $0x7D01, v6  }
0x48b: {  	v8 =	vld [tilespmem:s0+$0xFFFFFFE0];
	p2 =	sgt.u32 s25, $0x8;
	vm2 =	vgt.s32 v5, v4;
	v7 =	vsel vm1, $0x7D01, v7;
	vm1 =	vgt.s32 v13, v4  }
.Ltmp138:
0x48c: {  	v9 =	vsel vm0, $0x0, v11;
	v11 =	vsel vm1, $0x0, v6;
	v7 =	vsel vm2, $0x0, v7;
	v6 =	vld [tilespmem:s0+$0xFFFFFFF0];
	(pc) =	sbr.rel @!p2 .LBB2_235-.Ltmp138, $4  }
0x48d: {  	s10 =	simm.s32 $0x70;
	[tilespmem:s26+$0xFFFFFFD0] =	vst v7;
	v7 =	vld [tilespmem:s0+$0xFFFFFFD0]  }
0x48e: {  	s28 =	simm.s32 $0x40;
	s2 =	simm.s32 $0x50;
	[tilespmem:s26+$0x0] =	vst v10;
	v63 =	vor.u32 s10, v1  }
0x48f: {  	s29 =	simm.s32 $0x8;
	s31 =	simm.s32 $0x60;
	[tilespmem:s26+$0xFFFFFFE0] =	vst v9;
	v9 =	vor.u32 s2, v1;
	v5 =	vor.u32 s28, v1;
	vm1 =	veq.s32 v12, $0x0  }
0x490: {  	p1 =	por $0x1, $0x1;
	s30 =	smov.u32 s26;
	vm0 =	veq.s32 v8, $0x0;
	v10 =	vsel vm1, $0x7D01, v12;
	vm1 =	vgt.s32 v63, v4;
	s0 =	sadd.s32 $0x40, s0;
	[tilespmem:s26+$0xFFFFFFF0] =	vst v11  }
.LBB2_236:
0x491: {  	v11 =	vld [tilespmem:s0+$0x0];
	s29 =	sadd.s32 $0x4, s29;
	vm2 =	veq.s32 v6, $0x0;
	v12 =	vor.u32 s31, v1;
	v10 =	vsel vm1, $0x0, v10;
	s30 =	sadd.s32 $0x40, s30  }
0x492: {  	v13 =	vsel vm0, $0x7D01, v8;
	p2 =	slt.u32 s29, s25;
	vm1 =	veq.s32 v7, $0x0;
	v8 =	vld [tilespmem:s0+$0xFFFFFFE0];
	v14 =	vsel vm2, $0x7D01, v6;
	[tilespmem:s30+$0x0] =	vst v10  }
.Ltmp139:
0x493: {  	vm0 =	vgt.s32 v9, v4;
	v6 =	vld [tilespmem:s0+$0xFFFFFFF0];
	v10 =	vsel vm1, $0x7D01, v7;
	vm1 =	vgt.s32 v12, v4;
	(pc) =	sbr.rel @p2 .LBB2_236-.Ltmp139, $4  }
0x494: {  	s28 =	sadd.s32 $0x40, s28;
	vm2 =	vgt.s32 v5, v4;
	v9 =	vsel vm0, $0x0, v13;
	v7 =	vld [tilespmem:s0+$0xFFFFFFD0];
	v12 =	vsel vm1, $0x0, v14  }
0x495: {  	v5 =	vor.u32 s28, v1;
	s2 =	sadd.s32 $0x10, s28;
	s31 =	sadd.s32 $0x20, s28;
	s10 =	sadd.s32 $0x30, s28;
	v10 =	vsel vm2, $0x0, v10;
	[tilespmem:s30+$0xFFFFFFE0] =	vst v9  }
0x496: {  	v13 =	vor.u32 s10, v1;
	v9 =	vor.u32 s2, v1;
	vm1 =	veq.s32 v11, $0x0;
	[tilespmem:s30+$0xFFFFFFD0] =	vst v10  }
0x497: {  	s0 =	sadd.s32 $0x40, s0;
	vm0 =	veq.s32 v8, $0x0;
	v10 =	vsel vm1, $0x7D01, v11;
	vm1 =	vgt.s32 v13, v4;
	[tilespmem:s30+$0xFFFFFFF0] =	vst v12  }
0x498: {  	v11 =	vmov v8  }
.LBB2_238:
0x499: {  	vm2 =	veq.s32 v6, $0x0;
	v8 =	vor.u32 s31, v1;
	v10 =	vsel vm1, $0x0, v10;
	s0 =	sadd.s32 @p1 $0x40, s30  }
0x49a: {  	vm12 =	veq.s32 v7, $0x0;
	v11 =	vsel vm0, $0x7D01, v11;
	vm13 =	vgt.s32 v9, v4;
	s26 =	smov.u32 @p1 s0  }
0x49b: {  	vm14 =	vgt.s32 v5, v4;
	v7 =	vsel vm12, $0x7D01, v7;
	v5 =	vsel vm13, $0x0, v11;
	[tilespmem:s26+$0x0] =	vst v10  }
0x49c: {  	v6 =	vsel vm2, $0x7D01, v6;
	vm15 =	vgt.s32 v8, v4;
	v4 =	vsel vm14, $0x0, v7;
	[tilespmem:s26+$0xFFFFFFE0] =	vst v5  }
0x49d: {  	v5 =	vsel vm15, $0x0, v6;
	[tilespmem:s26+$0xFFFFFFD0] =	vst v4  }
0x49e: {  	[tilespmem:s26+$0xFFFFFFF0] =	vst v5  }
.LBB2_221:
0x49f: {  	p1 =	sgt.u32 s25, s24  }
.Ltmp140:
0x4a0: {  	_ = 	snop;
	(pc) =	sbr.rel @p1 .LBB2_224-.Ltmp140, $1  }
0x4a1: {  	_ =	sdelay $0x3  }
0x4a2: {  	s2 =	sshrl.u32 s23, $0x2  }
0x4a3: {  	s0 =	sshll.u32 s2, $0x8  }
0x4a4: {  	s10 =	ssub.s32 s24, s25;
	s30 =	sadd.s32 s0, s17;
	s26 =	sadd.s32 s0, s18  }
0x4a5: {  	s28 =	sshll.u32 s2, $0x6;
	s31 =	sshra.s32 s30, $0x2;
	s26 =	sshra.s32 s26, $0x2  }
0x4a6: {  	v4 =	vbroadcast v3, $0xC;
	s0 =	sadd.s32 $0x1, s10;
	s25 =	sadd.s32 $0x5740, s31;
	s26 =	sadd.s32 $0x17FF, s26  }
.LBB2_223:
0x4a7: {  	v5 =	vld [tilespmem:s26+$0x0];
	_ =	sdelay $0x2  }
0x4a8: {  	p1 =	sne.s32 s0, $0x1  }
.Ltmp141:
0x4a9: {  	_ = 	snop;
	(pc) =	sbr.rel @p1 .LBB2_223-.Ltmp141, $4  }
0x4aa: {  	v6 =	vor.u32 s28, v1;
	vm0 =	veq.s32 v5, $0x0  }
0x4ab: {  	vm15 =	vgt.s32 v6, v4;
	v5 =	vsel vm0, $0x7D01, v5  }
0x4ac: {  	s26 =	sadd.s32 $0x10, s26;
	v5 =	vsel vm15, $0x0, v5  }
0x4ad: {  	s28 =	sadd.s32 $0x10, s28;
	s0 =	sadd.s32 $0xFFFFFFFF, s0;
	[tilespmem:s25+$0x0] =	vst v5;
	s25 =	sadd.s32 $0x10, s25  }
.LBB2_224:
0x4ae: {  	s0 =	ssub.s32 $0x1F, s24  }
0x4af: {  	s2 =	sshrl.u32 s0, $0x1E  }
0x4b0: {  	s2 =	sadd.s32 s2, s0  }
0x4b1: {  	s25 =	sand.u32 $0xFFFFFFFC, s2  }
0x4b2: {  	p1 =	slt.s32 s25, $0x1  }
.Ltmp142:
0x4b3: {  	_ = 	snop;
	(pc) =	sbr.rel @p1 .LBB2_228-.Ltmp142, $2  }
0x4b4: {  	_ =	sdelay $0x2  }
0x4b5: {  	s26 =	sadd.s32 s23, s25  }
0x4b6: {  	s2 =	sshll.u32 s24, $0x6;
	s23 =	sadd.s32 $0x4, s23  }
0x4b7: {  	s2 =	sadd.s32 s2, s17;
	p1 =	slt.u32 s23, s26  }
.Ltmp143:
0x4b8: {  	s2 =	sshra.s32 s2, $0x2;
	(pc) =	sbr.rel @!p1 .LBB2_227-.Ltmp143, $4  }
0x4b9: {  	s24 =	sadd.s32 $0x5780, s2  }
0x4ba: {  	[tilespmem:s24+$0xFFFFFFD0] =	vst v0  }
0x4bb: {  	[tilespmem:s24+$0x0] =	vst v0  }
0x4bc: {  	[tilespmem:s24+$0xFFFFFFF0] =	vst v0  }
.LBB2_226:
0x4bd: {  	s23 =	sadd.s32 $0x4, s23  }
0x4be: {  	[tilespmem:s24+$0xFFFFFFE0] =	vst v0;
	s24 =	sadd.s32 $0x40, s24;
	p1 =	slt.u32 s23, s26  }
.Ltmp144:
0x4bf: {  	[tilespmem:s24+$0xFFFFFFD0] =	vst v0;
	(pc) =	sbr.rel @p1 .LBB2_226-.Ltmp144, $3  }
0x4c0: {  	_ =	sdelay $0x1  }
0x4c1: {  	[tilespmem:s24+$0x0] =	vst v0  }
0x4c2: {  	[tilespmem:s24+$0xFFFFFFF0] =	vst v0  }
.LBB2_227:
0x4c3: {  	[tilespmem:s24+$0xFFFFFFE0] =	vst v0  }
.LBB2_228:
0x4c4: {  	p1 =	sgt.s32 s26, $0x1F  }
.Ltmp145:
0x4c5: {  	_ = 	snop;
	(pc) =	sbr.rel @p1 .LBB2_231-.Ltmp145, $1  }
0x4c6: {  	_ =	sdelay $0x3  }
0x4c7: {  	s0 =	ssub.s32 s0, s25  }
0x4c8: {  	s2 =	sshll.u32 s0, $0x6  }
0x4c9: {  	s2 =	ssub.s32 s17, s2  }
0x4ca: {  	s2 =	sshra.s32 s2, $0x2  }
0x4cb: {  	s23 =	sadd.s32 $0x5940, s2  }
.LBB2_230:
0x4cc: {  	p1 =	sne.s32 s0, $0x1  }
.Ltmp146:
0x4cd: {  	_ = 	snop;
	(pc) =	sbr.rel @p1 .LBB2_230-.Ltmp146, $2  }
0x4ce: {  	_ =	sdelay $0x2  }
0x4cf: {  	[tilespmem:s23+$0x0] =	vst v0;
	s23 =	sadd.s32 $0x10, s23;
	s0 =	sadd.s32 $0xFFFFFFFF, s0  }
.LBB2_231:
0x4d0: {  	(v2sf) =	vpush v3, $0xD;
	_ =	sdelay $0xe  }
0x4d1: {  	s2 =	spop (v2sf)  }
0x4d2: {  	v4 =	vmov s22;
	s22 =	sadd.s32 $0x1, s2  }
0x4d3: {  	s24 =	sshrl.u32 s22, $0x4  }
0x4d4: {  	vm0 =	veq.s32 v1, $0x0;
	s23 =	sadd.s32 $0x1, s24  }
0x4d5: {  	s0 =	sor.u32 $0x1800, s19;
	v4 =	vsel vm0, $0x0, v4;
	s25 =	sand.u32 $0x1FFFFFFC, s23  }
0x4d6: {  	v4 =	vadd.s32 s0, v4;
	p1 =	seq.s32 s25, $0x0  }
.Ltmp147:
0x4d7: {  	_ = 	snop;
	(pc) =	sbr.rel @p1 .LBB2_239-.Ltmp147, $2  }
0x4d8: {  	_ =	sdelay $0x2  }
0x4d9: {  	[tilespmem:v4+s13+$0x0] =	vst.idx.msk $0x3, v2  }
0x4da: {  	s0 =	sadd.s32 $0x1A23, s20  }
0x4db: {  	v8 =	vld [tilespmem:s0+$0x0]  }
0x4dc: {  	p2 =	sgt.u32 s25, $0x4;
	v11 =	vld [tilespmem:s0+$0xFFFFFFE0]  }
.Ltmp148:
0x4dd: {  	_ = 	snop;
	(pc) =	sbr.rel @!p2 .LBB2_233-.Ltmp148, $4  }
0x4de: {  	s28 =	simm.s32 $0x0  }
0x4df: {  	v4 =	vbroadcast v3, $0xD;
	s2 =	simm.s32 $0x10;
	s10 =	simm.s32 $0x30;
	v5 =	vor.u32 s28, v1  }
0x4e0: {  	s26 =	sor.u32 $0x5970, s21;
	v6 =	vld [tilespmem:s0+$0xFFFFFFF0];
	v9 =	vor.u32 s2, v1;
	v12 =	vor.u32 s10, v1;
	vm1 =	veq.s32 v8, $0x0  }
0x4e1: {  	s31 =	simm.s32 $0x20;
	p1 =	por $0x0, $0x0;
	v7 =	vld [tilespmem:s0+$0xFFFFFFD0];
	s0 =	sadd.s32 $0x40, s0;
	vm0 =	veq.s32 v11, $0x0;
	v10 =	vsel vm1, $0x7D01, v8;
	vm1 =	vgt.s32 v12, v4  }
0x4e2: {  	_ =	sdelay $0x1  }
0x4e3: {  	v13 =	vor.u32 s31, v1  }
0x4e4: {  	v10 =	vsel vm1, $0x0, v10;
	v11 =	vsel vm0, $0x7D01, v11;
	vm2 =	veq.s32 v6, $0x0  }
0x4e5: {  	v12 =	vld [tilespmem:s0+$0x0];
	vm0 =	vgt.s32 v9, v4;
	vm1 =	veq.s32 v7, $0x0;
	v6 =	vsel vm2, $0x7D01, v6  }
0x4e6: {  	v8 =	vld [tilespmem:s0+$0xFFFFFFE0];
	p2 =	sgt.u32 s25, $0x8;
	vm2 =	vgt.s32 v5, v4;
	v7 =	vsel vm1, $0x7D01, v7;
	vm1 =	vgt.s32 v13, v4  }
.Ltmp149:
0x4e7: {  	v9 =	vsel vm0, $0x0, v11;
	v11 =	vsel vm1, $0x0, v6;
	v7 =	vsel vm2, $0x0, v7;
	v6 =	vld [tilespmem:s0+$0xFFFFFFF0];
	(pc) =	sbr.rel @!p2 .LBB2_253-.Ltmp149, $4  }
0x4e8: {  	s10 =	simm.s32 $0x70;
	[tilespmem:s26+$0xFFFFFFD0] =	vst v7;
	v7 =	vld [tilespmem:s0+$0xFFFFFFD0]  }
0x4e9: {  	s28 =	simm.s32 $0x40;
	s2 =	simm.s32 $0x50;
	[tilespmem:s26+$0x0] =	vst v10;
	v63 =	vor.u32 s10, v1  }
0x4ea: {  	s29 =	simm.s32 $0x8;
	s31 =	simm.s32 $0x60;
	[tilespmem:s26+$0xFFFFFFE0] =	vst v9;
	v9 =	vor.u32 s2, v1;
	v5 =	vor.u32 s28, v1;
	vm1 =	veq.s32 v12, $0x0  }
0x4eb: {  	p1 =	por $0x1, $0x1;
	s30 =	smov.u32 s26;
	vm0 =	veq.s32 v8, $0x0;
	v10 =	vsel vm1, $0x7D01, v12;
	vm1 =	vgt.s32 v63, v4;
	s0 =	sadd.s32 $0x40, s0;
	[tilespmem:s26+$0xFFFFFFF0] =	vst v11  }
.LBB2_254:
0x4ec: {  	v11 =	vld [tilespmem:s0+$0x0];
	s29 =	sadd.s32 $0x4, s29;
	vm2 =	veq.s32 v6, $0x0;
	v12 =	vor.u32 s31, v1;
	v10 =	vsel vm1, $0x0, v10;
	s30 =	sadd.s32 $0x40, s30  }
0x4ed: {  	v13 =	vsel vm0, $0x7D01, v8;
	p2 =	slt.u32 s29, s25;
	vm1 =	veq.s32 v7, $0x0;
	v8 =	vld [tilespmem:s0+$0xFFFFFFE0];
	v14 =	vsel vm2, $0x7D01, v6;
	[tilespmem:s30+$0x0] =	vst v10  }
.Ltmp150:
0x4ee: {  	vm0 =	vgt.s32 v9, v4;
	v6 =	vld [tilespmem:s0+$0xFFFFFFF0];
	v10 =	vsel vm1, $0x7D01, v7;
	vm1 =	vgt.s32 v12, v4;
	(pc) =	sbr.rel @p2 .LBB2_254-.Ltmp150, $4  }
0x4ef: {  	s28 =	sadd.s32 $0x40, s28;
	vm2 =	vgt.s32 v5, v4;
	v9 =	vsel vm0, $0x0, v13;
	v7 =	vld [tilespmem:s0+$0xFFFFFFD0];
	v12 =	vsel vm1, $0x0, v14  }
0x4f0: {  	v5 =	vor.u32 s28, v1;
	s2 =	sadd.s32 $0x10, s28;
	s31 =	sadd.s32 $0x20, s28;
	s10 =	sadd.s32 $0x30, s28;
	v10 =	vsel vm2, $0x0, v10;
	[tilespmem:s30+$0xFFFFFFE0] =	vst v9  }
0x4f1: {  	v13 =	vor.u32 s10, v1;
	v9 =	vor.u32 s2, v1;
	vm1 =	veq.s32 v11, $0x0;
	[tilespmem:s30+$0xFFFFFFD0] =	vst v10  }
0x4f2: {  	s0 =	sadd.s32 $0x40, s0;
	vm0 =	veq.s32 v8, $0x0;
	v10 =	vsel vm1, $0x7D01, v11;
	vm1 =	vgt.s32 v13, v4;
	[tilespmem:s30+$0xFFFFFFF0] =	vst v12  }
0x4f3: {  	v11 =	vmov v8  }
.LBB2_256:
0x4f4: {  	vm2 =	veq.s32 v6, $0x0;
	v8 =	vor.u32 s31, v1;
	v10 =	vsel vm1, $0x0, v10;
	s0 =	sadd.s32 @p1 $0x40, s30  }
0x4f5: {  	vm12 =	veq.s32 v7, $0x0;
	v11 =	vsel vm0, $0x7D01, v11;
	vm13 =	vgt.s32 v9, v4;
	s26 =	smov.u32 @p1 s0  }
0x4f6: {  	vm14 =	vgt.s32 v5, v4;
	v7 =	vsel vm12, $0x7D01, v7;
	v5 =	vsel vm13, $0x0, v11;
	[tilespmem:s26+$0x0] =	vst v10  }
0x4f7: {  	v6 =	vsel vm2, $0x7D01, v6;
	vm15 =	vgt.s32 v8, v4;
	v4 =	vsel vm14, $0x0, v7;
	[tilespmem:s26+$0xFFFFFFE0] =	vst v5  }
0x4f8: {  	v5 =	vsel vm15, $0x0, v6;
	[tilespmem:s26+$0xFFFFFFD0] =	vst v4  }
0x4f9: {  	[tilespmem:s26+$0xFFFFFFF0] =	vst v5  }
.LBB2_239:
0x4fa: {  	p1 =	sgt.u32 s25, s24  }
.Ltmp151:
0x4fb: {  	_ = 	snop;
	(pc) =	sbr.rel @p1 .LBB2_242-.Ltmp151, $1  }
0x4fc: {  	_ =	sdelay $0x3  }
0x4fd: {  	s2 =	sshrl.u32 s23, $0x2  }
0x4fe: {  	s0 =	sshll.u32 s2, $0x8  }
0x4ff: {  	s10 =	ssub.s32 s24, s25;
	s30 =	sadd.s32 s0, s17;
	s26 =	sadd.s32 s0, s18  }
0x500: {  	s28 =	sshll.u32 s2, $0x6;
	s31 =	sshra.s32 s30, $0x2;
	s26 =	sshra.s32 s26, $0x2  }
0x501: {  	v4 =	vbroadcast v3, $0xD;
	s0 =	sadd.s32 $0x1, s10;
	s25 =	sadd.s32 $0x5940, s31;
	s26 =	sadd.s32 $0x19F3, s26  }
.LBB2_241:
0x502: {  	v5 =	vld [tilespmem:s26+$0x0];
	_ =	sdelay $0x2  }
0x503: {  	p1 =	sne.s32 s0, $0x1  }
.Ltmp152:
0x504: {  	_ = 	snop;
	(pc) =	sbr.rel @p1 .LBB2_241-.Ltmp152, $4  }
0x505: {  	v6 =	vor.u32 s28, v1;
	vm0 =	veq.s32 v5, $0x0  }
0x506: {  	vm15 =	vgt.s32 v6, v4;
	v5 =	vsel vm0, $0x7D01, v5  }
0x507: {  	s26 =	sadd.s32 $0x10, s26;
	v5 =	vsel vm15, $0x0, v5  }
0x508: {  	s28 =	sadd.s32 $0x10, s28;
	s0 =	sadd.s32 $0xFFFFFFFF, s0;
	[tilespmem:s25+$0x0] =	vst v5;
	s25 =	sadd.s32 $0x10, s25  }
.LBB2_242:
0x509: {  	s0 =	ssub.s32 $0x1F, s24  }
0x50a: {  	s2 =	sshrl.u32 s0, $0x1E  }
0x50b: {  	s2 =	sadd.s32 s2, s0  }
0x50c: {  	s25 =	sand.u32 $0xFFFFFFFC, s2  }
0x50d: {  	p1 =	slt.s32 s25, $0x1  }
.Ltmp153:
0x50e: {  	_ = 	snop;
	(pc) =	sbr.rel @p1 .LBB2_246-.Ltmp153, $2  }
0x50f: {  	_ =	sdelay $0x2  }
0x510: {  	s26 =	sadd.s32 s23, s25  }
0x511: {  	s2 =	sshll.u32 s24, $0x6;
	s23 =	sadd.s32 $0x4, s23  }
0x512: {  	s2 =	sadd.s32 s2, s17;
	p1 =	slt.u32 s23, s26  }
.Ltmp154:
0x513: {  	s2 =	sshra.s32 s2, $0x2;
	(pc) =	sbr.rel @!p1 .LBB2_245-.Ltmp154, $4  }
0x514: {  	s24 =	sadd.s32 $0x5980, s2  }
0x515: {  	[tilespmem:s24+$0xFFFFFFD0] =	vst v0  }
0x516: {  	[tilespmem:s24+$0x0] =	vst v0  }
0x517: {  	[tilespmem:s24+$0xFFFFFFF0] =	vst v0  }
.LBB2_244:
0x518: {  	s23 =	sadd.s32 $0x4, s23  }
0x519: {  	[tilespmem:s24+$0xFFFFFFE0] =	vst v0;
	s24 =	sadd.s32 $0x40, s24;
	p1 =	slt.u32 s23, s26  }
.Ltmp155:
0x51a: {  	[tilespmem:s24+$0xFFFFFFD0] =	vst v0;
	(pc) =	sbr.rel @p1 .LBB2_244-.Ltmp155, $3  }
0x51b: {  	_ =	sdelay $0x1  }
0x51c: {  	[tilespmem:s24+$0x0] =	vst v0  }
0x51d: {  	[tilespmem:s24+$0xFFFFFFF0] =	vst v0  }
.LBB2_245:
0x51e: {  	[tilespmem:s24+$0xFFFFFFE0] =	vst v0  }
.LBB2_246:
0x51f: {  	p1 =	sgt.s32 s26, $0x1F  }
.Ltmp156:
0x520: {  	_ = 	snop;
	(pc) =	sbr.rel @p1 .LBB2_249-.Ltmp156, $1  }
0x521: {  	_ =	sdelay $0x3  }
0x522: {  	s0 =	ssub.s32 s0, s25  }
0x523: {  	s2 =	sshll.u32 s0, $0x6  }
0x524: {  	s2 =	ssub.s32 s17, s2  }
0x525: {  	s2 =	sshra.s32 s2, $0x2  }
0x526: {  	s23 =	sadd.s32 $0x5B40, s2  }
.LBB2_248:
0x527: {  	p1 =	sne.s32 s0, $0x1  }
.Ltmp157:
0x528: {  	_ = 	snop;
	(pc) =	sbr.rel @p1 .LBB2_248-.Ltmp157, $2  }
0x529: {  	_ =	sdelay $0x2  }
0x52a: {  	[tilespmem:s23+$0x0] =	vst v0;
	s23 =	sadd.s32 $0x10, s23;
	s0 =	sadd.s32 $0xFFFFFFFF, s0  }
.LBB2_249:
0x52b: {  	(v2sf) =	vpush v3, $0xE;
	_ =	sdelay $0xe  }
0x52c: {  	s2 =	spop (v2sf)  }
0x52d: {  	v4 =	vmov s22;
	s22 =	sadd.s32 $0x1, s2  }
0x52e: {  	s24 =	sshrl.u32 s22, $0x4  }
0x52f: {  	vm0 =	veq.s32 v1, $0x0;
	s23 =	sadd.s32 $0x1, s24  }
0x530: {  	s0 =	sor.u32 $0x1A00, s19;
	v4 =	vsel vm0, $0x0, v4;
	s25 =	sand.u32 $0x1FFFFFFC, s23  }
0x531: {  	v4 =	vadd.s32 s0, v4;
	p1 =	seq.s32 s25, $0x0  }
.Ltmp158:
0x532: {  	_ = 	snop;
	(pc) =	sbr.rel @p1 .LBB2_257-.Ltmp158, $2  }
0x533: {  	_ =	sdelay $0x2  }
0x534: {  	[tilespmem:v4+s13+$0x0] =	vst.idx.msk $0x3, v2  }
0x535: {  	s0 =	sadd.s32 $0x1C17, s20  }
0x536: {  	v8 =	vld [tilespmem:s0+$0x0]  }
0x537: {  	p2 =	sgt.u32 s25, $0x4;
	v11 =	vld [tilespmem:s0+$0xFFFFFFE0]  }
.Ltmp159:
0x538: {  	_ = 	snop;
	(pc) =	sbr.rel @!p2 .LBB2_251-.Ltmp159, $4  }
0x539: {  	s28 =	simm.s32 $0x0  }
0x53a: {  	v4 =	vbroadcast v3, $0xE;
	s2 =	simm.s32 $0x10;
	s10 =	simm.s32 $0x30;
	v5 =	vor.u32 s28, v1  }
0x53b: {  	s26 =	sor.u32 $0x5B70, s21;
	v6 =	vld [tilespmem:s0+$0xFFFFFFF0];
	v9 =	vor.u32 s2, v1;
	v12 =	vor.u32 s10, v1;
	vm1 =	veq.s32 v8, $0x0  }
0x53c: {  	s31 =	simm.s32 $0x20;
	p1 =	por $0x0, $0x0;
	v7 =	vld [tilespmem:s0+$0xFFFFFFD0];
	s0 =	sadd.s32 $0x40, s0;
	vm0 =	veq.s32 v11, $0x0;
	v10 =	vsel vm1, $0x7D01, v8;
	vm1 =	vgt.s32 v12, v4  }
0x53d: {  	_ =	sdelay $0x1  }
0x53e: {  	v13 =	vor.u32 s31, v1  }
0x53f: {  	v10 =	vsel vm1, $0x0, v10;
	v11 =	vsel vm0, $0x7D01, v11;
	vm2 =	veq.s32 v6, $0x0  }
0x540: {  	v12 =	vld [tilespmem:s0+$0x0];
	vm0 =	vgt.s32 v9, v4;
	vm1 =	veq.s32 v7, $0x0;
	v6 =	vsel vm2, $0x7D01, v6  }
0x541: {  	v8 =	vld [tilespmem:s0+$0xFFFFFFE0];
	p2 =	sgt.u32 s25, $0x8;
	vm2 =	vgt.s32 v5, v4;
	v7 =	vsel vm1, $0x7D01, v7;
	vm1 =	vgt.s32 v13, v4  }
.Ltmp160:
0x542: {  	v9 =	vsel vm0, $0x0, v11;
	v11 =	vsel vm1, $0x0, v6;
	v7 =	vsel vm2, $0x0, v7;
	v6 =	vld [tilespmem:s0+$0xFFFFFFF0];
	(pc) =	sbr.rel @!p2 .LBB2_271-.Ltmp160, $4  }
0x543: {  	s10 =	simm.s32 $0x70;
	[tilespmem:s26+$0xFFFFFFD0] =	vst v7;
	v7 =	vld [tilespmem:s0+$0xFFFFFFD0]  }
0x544: {  	s28 =	simm.s32 $0x40;
	s2 =	simm.s32 $0x50;
	[tilespmem:s26+$0x0] =	vst v10;
	v63 =	vor.u32 s10, v1  }
0x545: {  	s29 =	simm.s32 $0x8;
	s31 =	simm.s32 $0x60;
	[tilespmem:s26+$0xFFFFFFE0] =	vst v9;
	v9 =	vor.u32 s2, v1;
	v5 =	vor.u32 s28, v1;
	vm1 =	veq.s32 v12, $0x0  }
0x546: {  	p1 =	por $0x1, $0x1;
	s30 =	smov.u32 s26;
	vm0 =	veq.s32 v8, $0x0;
	v10 =	vsel vm1, $0x7D01, v12;
	vm1 =	vgt.s32 v63, v4;
	s0 =	sadd.s32 $0x40, s0;
	[tilespmem:s26+$0xFFFFFFF0] =	vst v11  }
.LBB2_272:
0x547: {  	v11 =	vld [tilespmem:s0+$0x0];
	s29 =	sadd.s32 $0x4, s29;
	vm2 =	veq.s32 v6, $0x0;
	v12 =	vor.u32 s31, v1;
	v10 =	vsel vm1, $0x0, v10;
	s30 =	sadd.s32 $0x40, s30  }
0x548: {  	v13 =	vsel vm0, $0x7D01, v8;
	p2 =	slt.u32 s29, s25;
	vm1 =	veq.s32 v7, $0x0;
	v8 =	vld [tilespmem:s0+$0xFFFFFFE0];
	v14 =	vsel vm2, $0x7D01, v6;
	[tilespmem:s30+$0x0] =	vst v10  }
.Ltmp161:
0x549: {  	vm0 =	vgt.s32 v9, v4;
	v6 =	vld [tilespmem:s0+$0xFFFFFFF0];
	v10 =	vsel vm1, $0x7D01, v7;
	vm1 =	vgt.s32 v12, v4;
	(pc) =	sbr.rel @p2 .LBB2_272-.Ltmp161, $4  }
0x54a: {  	s28 =	sadd.s32 $0x40, s28;
	vm2 =	vgt.s32 v5, v4;
	v9 =	vsel vm0, $0x0, v13;
	v7 =	vld [tilespmem:s0+$0xFFFFFFD0];
	v12 =	vsel vm1, $0x0, v14  }
0x54b: {  	v5 =	vor.u32 s28, v1;
	s2 =	sadd.s32 $0x10, s28;
	s31 =	sadd.s32 $0x20, s28;
	s10 =	sadd.s32 $0x30, s28;
	v10 =	vsel vm2, $0x0, v10;
	[tilespmem:s30+$0xFFFFFFE0] =	vst v9  }
0x54c: {  	v13 =	vor.u32 s10, v1;
	v9 =	vor.u32 s2, v1;
	vm1 =	veq.s32 v11, $0x0;
	[tilespmem:s30+$0xFFFFFFD0] =	vst v10  }
0x54d: {  	s0 =	sadd.s32 $0x40, s0;
	vm0 =	veq.s32 v8, $0x0;
	v10 =	vsel vm1, $0x7D01, v11;
	vm1 =	vgt.s32 v13, v4;
	[tilespmem:s30+$0xFFFFFFF0] =	vst v12  }
0x54e: {  	v11 =	vmov v8  }
.LBB2_274:
0x54f: {  	vm2 =	veq.s32 v6, $0x0;
	v8 =	vor.u32 s31, v1;
	v10 =	vsel vm1, $0x0, v10;
	s0 =	sadd.s32 @p1 $0x40, s30  }
0x550: {  	vm12 =	veq.s32 v7, $0x0;
	v11 =	vsel vm0, $0x7D01, v11;
	vm13 =	vgt.s32 v9, v4;
	s26 =	smov.u32 @p1 s0  }
0x551: {  	vm14 =	vgt.s32 v5, v4;
	v7 =	vsel vm12, $0x7D01, v7;
	v5 =	vsel vm13, $0x0, v11;
	[tilespmem:s26+$0x0] =	vst v10  }
0x552: {  	v6 =	vsel vm2, $0x7D01, v6;
	vm15 =	vgt.s32 v8, v4;
	v4 =	vsel vm14, $0x0, v7;
	[tilespmem:s26+$0xFFFFFFE0] =	vst v5  }
0x553: {  	v5 =	vsel vm15, $0x0, v6;
	[tilespmem:s26+$0xFFFFFFD0] =	vst v4  }
0x554: {  	[tilespmem:s26+$0xFFFFFFF0] =	vst v5  }
.LBB2_257:
0x555: {  	p1 =	sgt.u32 s25, s24  }
.Ltmp162:
0x556: {  	_ = 	snop;
	(pc) =	sbr.rel @p1 .LBB2_260-.Ltmp162, $1  }
0x557: {  	_ =	sdelay $0x3  }
0x558: {  	s2 =	sshrl.u32 s23, $0x2  }
0x559: {  	s0 =	sshll.u32 s2, $0x8  }
0x55a: {  	s10 =	ssub.s32 s24, s25;
	s30 =	sadd.s32 s0, s17;
	s26 =	sadd.s32 s0, s18  }
0x55b: {  	s28 =	sshll.u32 s2, $0x6;
	s31 =	sshra.s32 s30, $0x2;
	s26 =	sshra.s32 s26, $0x2  }
0x55c: {  	v4 =	vbroadcast v3, $0xE;
	s0 =	sadd.s32 $0x1, s10;
	s25 =	sadd.s32 $0x5B40, s31;
	s26 =	sadd.s32 $0x1BE7, s26  }
.LBB2_259:
0x55d: {  	v5 =	vld [tilespmem:s26+$0x0];
	_ =	sdelay $0x2  }
0x55e: {  	p1 =	sne.s32 s0, $0x1  }
.Ltmp163:
0x55f: {  	_ = 	snop;
	(pc) =	sbr.rel @p1 .LBB2_259-.Ltmp163, $4  }
0x560: {  	v6 =	vor.u32 s28, v1;
	vm0 =	veq.s32 v5, $0x0  }
0x561: {  	vm15 =	vgt.s32 v6, v4;
	v5 =	vsel vm0, $0x7D01, v5  }
0x562: {  	s26 =	sadd.s32 $0x10, s26;
	v5 =	vsel vm15, $0x0, v5  }
0x563: {  	s28 =	sadd.s32 $0x10, s28;
	s0 =	sadd.s32 $0xFFFFFFFF, s0;
	[tilespmem:s25+$0x0] =	vst v5;
	s25 =	sadd.s32 $0x10, s25  }
.LBB2_260:
0x564: {  	s0 =	ssub.s32 $0x1F, s24  }
0x565: {  	s2 =	sshrl.u32 s0, $0x1E  }
0x566: {  	s2 =	sadd.s32 s2, s0  }
0x567: {  	s25 =	sand.u32 $0xFFFFFFFC, s2  }
0x568: {  	p1 =	slt.s32 s25, $0x1  }
.Ltmp164:
0x569: {  	_ = 	snop;
	(pc) =	sbr.rel @p1 .LBB2_264-.Ltmp164, $2  }
0x56a: {  	_ =	sdelay $0x2  }
0x56b: {  	s26 =	sadd.s32 s23, s25  }
0x56c: {  	s2 =	sshll.u32 s24, $0x6;
	s23 =	sadd.s32 $0x4, s23  }
0x56d: {  	s2 =	sadd.s32 s2, s17;
	p1 =	slt.u32 s23, s26  }
.Ltmp165:
0x56e: {  	s2 =	sshra.s32 s2, $0x2;
	(pc) =	sbr.rel @!p1 .LBB2_263-.Ltmp165, $4  }
0x56f: {  	s24 =	sadd.s32 $0x5B80, s2  }
0x570: {  	[tilespmem:s24+$0xFFFFFFD0] =	vst v0  }
0x571: {  	[tilespmem:s24+$0x0] =	vst v0  }
0x572: {  	[tilespmem:s24+$0xFFFFFFF0] =	vst v0  }
.LBB2_262:
0x573: {  	s23 =	sadd.s32 $0x4, s23  }
0x574: {  	[tilespmem:s24+$0xFFFFFFE0] =	vst v0;
	s24 =	sadd.s32 $0x40, s24;
	p1 =	slt.u32 s23, s26  }
.Ltmp166:
0x575: {  	[tilespmem:s24+$0xFFFFFFD0] =	vst v0;
	(pc) =	sbr.rel @p1 .LBB2_262-.Ltmp166, $3  }
0x576: {  	_ =	sdelay $0x1  }
0x577: {  	[tilespmem:s24+$0x0] =	vst v0  }
0x578: {  	[tilespmem:s24+$0xFFFFFFF0] =	vst v0  }
.LBB2_263:
0x579: {  	[tilespmem:s24+$0xFFFFFFE0] =	vst v0  }
.LBB2_264:
0x57a: {  	p1 =	sgt.s32 s26, $0x1F  }
.Ltmp167:
0x57b: {  	_ = 	snop;
	(pc) =	sbr.rel @p1 .LBB2_267-.Ltmp167, $1  }
0x57c: {  	_ =	sdelay $0x3  }
0x57d: {  	s0 =	ssub.s32 s0, s25  }
0x57e: {  	s2 =	sshll.u32 s0, $0x6  }
0x57f: {  	s2 =	ssub.s32 s17, s2  }
0x580: {  	s2 =	sshra.s32 s2, $0x2  }
0x581: {  	s23 =	sadd.s32 $0x5D40, s2  }
.LBB2_266:
0x582: {  	p1 =	sne.s32 s0, $0x1  }
.Ltmp168:
0x583: {  	_ = 	snop;
	(pc) =	sbr.rel @p1 .LBB2_266-.Ltmp168, $2  }
0x584: {  	_ =	sdelay $0x2  }
0x585: {  	[tilespmem:s23+$0x0] =	vst v0;
	s23 =	sadd.s32 $0x10, s23;
	s0 =	sadd.s32 $0xFFFFFFFF, s0  }
.LBB2_267:
0x586: {  	(v2sf) =	vpush v3, $0xF;
	_ =	sdelay $0xe  }
0x587: {  	s2 =	spop (v2sf)  }
0x588: {  	v4 =	vmov s22;
	s22 =	sadd.s32 $0x1, s2  }
0x589: {  	s24 =	sshrl.u32 s22, $0x4  }
0x58a: {  	vm0 =	veq.s32 v1, $0x0;
	s23 =	sadd.s32 $0x1, s24  }
0x58b: {  	s0 =	sor.u32 $0x1C00, s19;
	v4 =	vsel vm0, $0x0, v4;
	s25 =	sand.u32 $0x1FFFFFFC, s23  }
0x58c: {  	v4 =	vadd.s32 s0, v4;
	p1 =	seq.s32 s25, $0x0  }
.Ltmp169:
0x58d: {  	_ = 	snop;
	(pc) =	sbr.rel @p1 .LBB2_275-.Ltmp169, $2  }
0x58e: {  	_ =	sdelay $0x2  }
0x58f: {  	[tilespmem:v4+s13+$0x0] =	vst.idx.msk $0x3, v2  }
0x590: {  	s0 =	sadd.s32 $0x1E0B, s20  }
0x591: {  	v8 =	vld [tilespmem:s0+$0x0]  }
0x592: {  	p2 =	sgt.u32 s25, $0x4;
	v11 =	vld [tilespmem:s0+$0xFFFFFFE0]  }
.Ltmp170:
0x593: {  	_ = 	snop;
	(pc) =	sbr.rel @!p2 .LBB2_269-.Ltmp170, $4  }
0x594: {  	s31 =	simm.s32 $0x0  }
0x595: {  	v4 =	vbroadcast v3, $0xF;
	s2 =	simm.s32 $0x10;
	s10 =	simm.s32 $0x30;
	v5 =	vor.u32 s31, v1  }
0x596: {  	s20 =	sor.u32 $0x5D70, s21;
	v6 =	vld [tilespmem:s0+$0xFFFFFFF0];
	v9 =	vor.u32 s2, v1;
	v12 =	vor.u32 s10, v1;
	vm1 =	veq.s32 v8, $0x0  }
0x597: {  	s29 =	simm.s32 $0x20;
	p1 =	por $0x0, $0x0;
	v7 =	vld [tilespmem:s0+$0xFFFFFFD0];
	s0 =	sadd.s32 $0x40, s0;
	vm0 =	veq.s32 v11, $0x0;
	v10 =	vsel vm1, $0x7D01, v8;
	vm1 =	vgt.s32 v12, v4  }
0x598: {  	_ =	sdelay $0x1  }
0x599: {  	v13 =	vor.u32 s29, v1  }
0x59a: {  	v10 =	vsel vm1, $0x0, v10;
	v11 =	vsel vm0, $0x7D01, v11;
	vm2 =	veq.s32 v6, $0x0  }
0x59b: {  	v12 =	vld [tilespmem:s0+$0x0];
	vm0 =	vgt.s32 v9, v4;
	vm1 =	veq.s32 v7, $0x0;
	v6 =	vsel vm2, $0x7D01, v6  }
0x59c: {  	v8 =	vld [tilespmem:s0+$0xFFFFFFE0];
	p2 =	sgt.u32 s25, $0x8;
	vm2 =	vgt.s32 v5, v4;
	v7 =	vsel vm1, $0x7D01, v7;
	vm1 =	vgt.s32 v13, v4  }
.Ltmp171:
0x59d: {  	v9 =	vsel vm0, $0x0, v11;
	v11 =	vsel vm1, $0x0, v6;
	v7 =	vsel vm2, $0x0, v7;
	v6 =	vld [tilespmem:s0+$0xFFFFFFF0];
	(pc) =	sbr.rel @!p2 .LBB2_289-.Ltmp171, $4  }
0x59e: {  	s10 =	simm.s32 $0x70;
	[tilespmem:s20+$0xFFFFFFD0] =	vst v7;
	v7 =	vld [tilespmem:s0+$0xFFFFFFD0]  }
0x59f: {  	s21 =	simm.s32 $0x40;
	s2 =	simm.s32 $0x50;
	[tilespmem:s20+$0x0] =	vst v10;
	v63 =	vor.u32 s10, v1  }
0x5a0: {  	s26 =	simm.s32 $0x8;
	s29 =	simm.s32 $0x60;
	[tilespmem:s20+$0xFFFFFFE0] =	vst v9;
	v9 =	vor.u32 s2, v1;
	v5 =	vor.u32 s21, v1;
	vm1 =	veq.s32 v12, $0x0  }
0x5a1: {  	p1 =	por $0x1, $0x1;
	s28 =	smov.u32 s20;
	vm0 =	veq.s32 v8, $0x0;
	v10 =	vsel vm1, $0x7D01, v12;
	vm1 =	vgt.s32 v63, v4;
	s0 =	sadd.s32 $0x40, s0;
	[tilespmem:s20+$0xFFFFFFF0] =	vst v11  }
.LBB2_290:
0x5a2: {  	v11 =	vld [tilespmem:s0+$0x0];
	s26 =	sadd.s32 $0x4, s26;
	vm2 =	veq.s32 v6, $0x0;
	v12 =	vor.u32 s29, v1;
	v10 =	vsel vm1, $0x0, v10;
	s28 =	sadd.s32 $0x40, s28  }
0x5a3: {  	v13 =	vsel vm0, $0x7D01, v8;
	p2 =	slt.u32 s26, s25;
	vm1 =	veq.s32 v7, $0x0;
	v8 =	vld [tilespmem:s0+$0xFFFFFFE0];
	v14 =	vsel vm2, $0x7D01, v6;
	[tilespmem:s28+$0x0] =	vst v10  }
.Ltmp172:
0x5a4: {  	vm0 =	vgt.s32 v9, v4;
	v6 =	vld [tilespmem:s0+$0xFFFFFFF0];
	v10 =	vsel vm1, $0x7D01, v7;
	vm1 =	vgt.s32 v12, v4;
	(pc) =	sbr.rel @p2 .LBB2_290-.Ltmp172, $4  }
0x5a5: {  	s21 =	sadd.s32 $0x40, s21;
	vm2 =	vgt.s32 v5, v4;
	v9 =	vsel vm0, $0x0, v13;
	v7 =	vld [tilespmem:s0+$0xFFFFFFD0];
	v12 =	vsel vm1, $0x0, v14  }
0x5a6: {  	v5 =	vor.u32 s21, v1;
	s2 =	sadd.s32 $0x10, s21;
	s29 =	sadd.s32 $0x20, s21;
	s10 =	sadd.s32 $0x30, s21;
	v10 =	vsel vm2, $0x0, v10;
	[tilespmem:s28+$0xFFFFFFE0] =	vst v9  }
0x5a7: {  	v13 =	vor.u32 s10, v1;
	v9 =	vor.u32 s2, v1;
	vm1 =	veq.s32 v11, $0x0;
	[tilespmem:s28+$0xFFFFFFD0] =	vst v10  }
0x5a8: {  	s0 =	sadd.s32 $0x40, s0;
	vm0 =	veq.s32 v8, $0x0;
	v10 =	vsel vm1, $0x7D01, v11;
	vm1 =	vgt.s32 v13, v4;
	[tilespmem:s28+$0xFFFFFFF0] =	vst v12  }
0x5a9: {  	v11 =	vmov v8  }
.LBB2_292:
0x5aa: {  	vm2 =	veq.s32 v6, $0x0;
	v8 =	vor.u32 s29, v1;
	v10 =	vsel vm1, $0x0, v10;
	s0 =	sadd.s32 @p1 $0x40, s28  }
0x5ab: {  	vm12 =	veq.s32 v7, $0x0;
	v11 =	vsel vm0, $0x7D01, v11;
	vm13 =	vgt.s32 v9, v4;
	s20 =	smov.u32 @p1 s0  }
0x5ac: {  	vm14 =	vgt.s32 v5, v4;
	v7 =	vsel vm12, $0x7D01, v7;
	v5 =	vsel vm13, $0x0, v11;
	[tilespmem:s20+$0x0] =	vst v10  }
0x5ad: {  	v6 =	vsel vm2, $0x7D01, v6;
	vm15 =	vgt.s32 v8, v4;
	v4 =	vsel vm14, $0x0, v7;
	[tilespmem:s20+$0xFFFFFFE0] =	vst v5  }
0x5ae: {  	v5 =	vsel vm15, $0x0, v6;
	[tilespmem:s20+$0xFFFFFFD0] =	vst v4  }
0x5af: {  	[tilespmem:s20+$0xFFFFFFF0] =	vst v5  }
.LBB2_275:
0x5b0: {  	p1 =	sgt.u32 s25, s24  }
.Ltmp173:
0x5b1: {  	_ = 	snop;
	(pc) =	sbr.rel @p1 .LBB2_278-.Ltmp173, $1  }
0x5b2: {  	_ =	sdelay $0x3  }
0x5b3: {  	s2 =	sshrl.u32 s23, $0x2  }
0x5b4: {  	s0 =	sshll.u32 s2, $0x8  }
0x5b5: {  	s10 =	ssub.s32 s24, s25;
	s20 =	sadd.s32 s0, s17;
	s18 =	sadd.s32 s0, s18  }
0x5b6: {  	s21 =	sshll.u32 s2, $0x6;
	s30 =	sshra.s32 s20, $0x2;
	s31 =	sshra.s32 s18, $0x2  }
0x5b7: {  	v3 =	vbroadcast v3, $0xF;
	s0 =	sadd.s32 $0x1, s10;
	s18 =	sadd.s32 $0x5D40, s30;
	s20 =	sadd.s32 $0x1DDB, s31  }
.LBB2_277:
0x5b8: {  	v4 =	vld [tilespmem:s20+$0x0];
	_ =	sdelay $0x2  }
0x5b9: {  	p1 =	sne.s32 s0, $0x1  }
.Ltmp174:
0x5ba: {  	_ = 	snop;
	(pc) =	sbr.rel @p1 .LBB2_277-.Ltmp174, $4  }
0x5bb: {  	v5 =	vor.u32 s21, v1;
	vm0 =	veq.s32 v4, $0x0  }
0x5bc: {  	vm15 =	vgt.s32 v5, v3;
	v4 =	vsel vm0, $0x7D01, v4  }
0x5bd: {  	s20 =	sadd.s32 $0x10, s20;
	v4 =	vsel vm15, $0x0, v4  }
0x5be: {  	s21 =	sadd.s32 $0x10, s21;
	s0 =	sadd.s32 $0xFFFFFFFF, s0;
	[tilespmem:s18+$0x0] =	vst v4;
	s18 =	sadd.s32 $0x10, s18  }
.LBB2_278:
0x5bf: {  	s0 =	ssub.s32 $0x1F, s24  }
0x5c0: {  	s2 =	sshrl.u32 s0, $0x1E  }
0x5c1: {  	s2 =	sadd.s32 s2, s0  }
0x5c2: {  	s18 =	sand.u32 $0xFFFFFFFC, s2  }
0x5c3: {  	p1 =	slt.s32 s18, $0x1  }
.Ltmp175:
0x5c4: {  	_ = 	snop;
	(pc) =	sbr.rel @p1 .LBB2_282-.Ltmp175, $2  }
0x5c5: {  	_ =	sdelay $0x2  }
0x5c6: {  	s20 =	sadd.s32 s23, s18  }
0x5c7: {  	s2 =	sshll.u32 s24, $0x6;
	s23 =	sadd.s32 $0x4, s23  }
0x5c8: {  	s2 =	sadd.s32 s2, s17;
	p1 =	slt.u32 s23, s20  }
.Ltmp176:
0x5c9: {  	s2 =	sshra.s32 s2, $0x2;
	(pc) =	sbr.rel @!p1 .LBB2_281-.Ltmp176, $4  }
0x5ca: {  	s21 =	sadd.s32 $0x5D80, s2  }
0x5cb: {  	[tilespmem:s21+$0xFFFFFFD0] =	vst v0  }
0x5cc: {  	[tilespmem:s21+$0x0] =	vst v0  }
0x5cd: {  	[tilespmem:s21+$0xFFFFFFF0] =	vst v0  }
.LBB2_280:
0x5ce: {  	s23 =	sadd.s32 $0x4, s23  }
0x5cf: {  	[tilespmem:s21+$0xFFFFFFE0] =	vst v0;
	s21 =	sadd.s32 $0x40, s21;
	p1 =	slt.u32 s23, s20  }
.Ltmp177:
0x5d0: {  	[tilespmem:s21+$0xFFFFFFD0] =	vst v0;
	(pc) =	sbr.rel @p1 .LBB2_280-.Ltmp177, $3  }
0x5d1: {  	_ =	sdelay $0x1  }
0x5d2: {  	[tilespmem:s21+$0x0] =	vst v0  }
0x5d3: {  	[tilespmem:s21+$0xFFFFFFF0] =	vst v0  }
.LBB2_281:
0x5d4: {  	[tilespmem:s21+$0xFFFFFFE0] =	vst v0  }
.LBB2_282:
0x5d5: {  	p1 =	sgt.s32 s20, $0x1F  }
.Ltmp178:
0x5d6: {  	_ = 	snop;
	(pc) =	sbr.rel @p1 .LBB2_285-.Ltmp178, $1  }
0x5d7: {  	_ =	sdelay $0x3  }
0x5d8: {  	s0 =	ssub.s32 s0, s18  }
0x5d9: {  	s2 =	sshll.u32 s0, $0x6  }
0x5da: {  	s2 =	ssub.s32 s17, s2  }
0x5db: {  	s2 =	sshra.s32 s2, $0x2  }
0x5dc: {  	s17 =	sadd.s32 $0x5F40, s2  }
.LBB2_284:
0x5dd: {  	p1 =	sne.s32 s0, $0x1  }
.Ltmp179:
0x5de: {  	_ = 	snop;
	(pc) =	sbr.rel @p1 .LBB2_284-.Ltmp179, $2  }
0x5df: {  	_ =	sdelay $0x2  }
0x5e0: {  	[tilespmem:s17+$0x0] =	vst v0;
	s17 =	sadd.s32 $0x10, s17;
	s0 =	sadd.s32 $0xFFFFFFFF, s0  }
.Ltmp180:
0x5e1: {  	_ = 	snop;
	(pc) =	sbr.rel .LBB2_285-.Ltmp180, $1  }
0x5e2: {  	_ =	sdelay $0x3  }
.LBB2_4:
.Ltmp181:
0x5e3: {  	(pc) =	sbr.rel .LBB2_22-.Ltmp181, $2  }
0x5e4: {  	_ =	sdelay $0x2  }
0x5e5: {  	s30 =	smov.u32 s26  }
.LBB2_17:
.Ltmp182:
0x5e6: {  	(pc) =	sbr.rel .LBB2_40-.Ltmp182, $2  }
0x5e7: {  	_ =	sdelay $0x2  }
0x5e8: {  	s30 =	smov.u32 s26  }
.LBB2_35:
.Ltmp183:
0x5e9: {  	(pc) =	sbr.rel .LBB2_58-.Ltmp183, $2  }
0x5ea: {  	_ =	sdelay $0x2  }
0x5eb: {  	s30 =	smov.u32 s26  }
.LBB2_53:
.Ltmp184:
0x5ec: {  	(pc) =	sbr.rel .LBB2_76-.Ltmp184, $2  }
0x5ed: {  	_ =	sdelay $0x2  }
0x5ee: {  	s30 =	smov.u32 s26  }
.LBB2_71:
.Ltmp185:
0x5ef: {  	(pc) =	sbr.rel .LBB2_94-.Ltmp185, $2  }
0x5f0: {  	_ =	sdelay $0x2  }
0x5f1: {  	s30 =	smov.u32 s26  }
.LBB2_89:
.Ltmp186:
0x5f2: {  	(pc) =	sbr.rel .LBB2_112-.Ltmp186, $2  }
0x5f3: {  	_ =	sdelay $0x2  }
0x5f4: {  	s30 =	smov.u32 s26  }
.LBB2_107:
.Ltmp187:
0x5f5: {  	(pc) =	sbr.rel .LBB2_130-.Ltmp187, $2  }
0x5f6: {  	_ =	sdelay $0x2  }
0x5f7: {  	s30 =	smov.u32 s26  }
.LBB2_125:
.Ltmp188:
0x5f8: {  	(pc) =	sbr.rel .LBB2_148-.Ltmp188, $2  }
0x5f9: {  	_ =	sdelay $0x2  }
0x5fa: {  	s30 =	smov.u32 s26  }
.LBB2_143:
.Ltmp189:
0x5fb: {  	(pc) =	sbr.rel .LBB2_166-.Ltmp189, $2  }
0x5fc: {  	_ =	sdelay $0x2  }
0x5fd: {  	s30 =	smov.u32 s26  }
.LBB2_161:
.Ltmp190:
0x5fe: {  	(pc) =	sbr.rel .LBB2_184-.Ltmp190, $2  }
0x5ff: {  	_ =	sdelay $0x2  }
0x600: {  	s30 =	smov.u32 s26  }
.LBB2_179:
.Ltmp191:
0x601: {  	(pc) =	sbr.rel .LBB2_202-.Ltmp191, $2  }
0x602: {  	_ =	sdelay $0x2  }
0x603: {  	s30 =	smov.u32 s26  }
.LBB2_197:
.Ltmp192:
0x604: {  	(pc) =	sbr.rel .LBB2_220-.Ltmp192, $2  }
0x605: {  	_ =	sdelay $0x2  }
0x606: {  	s30 =	smov.u32 s26  }
.LBB2_215:
.Ltmp193:
0x607: {  	(pc) =	sbr.rel .LBB2_238-.Ltmp193, $2  }
0x608: {  	_ =	sdelay $0x2  }
0x609: {  	s30 =	smov.u32 s26  }
.LBB2_233:
.Ltmp194:
0x60a: {  	(pc) =	sbr.rel .LBB2_256-.Ltmp194, $2  }
0x60b: {  	_ =	sdelay $0x2  }
0x60c: {  	s30 =	smov.u32 s26  }
.LBB2_251:
.Ltmp195:
0x60d: {  	(pc) =	sbr.rel .LBB2_274-.Ltmp195, $2  }
0x60e: {  	_ =	sdelay $0x2  }
0x60f: {  	s30 =	smov.u32 s26  }
.LBB2_269:
.Ltmp196:
0x610: {  	(pc) =	sbr.rel .LBB2_292-.Ltmp196, $2  }
0x611: {  	_ =	sdelay $0x2  }
0x612: {  	s28 =	smov.u32 s20  }
.LBB2_19:
.Ltmp197:
0x613: {  	(pc) =	sbr.rel .LBB2_22-.Ltmp197, $2  }
0x614: {  	_ =	sdelay $0x2  }
0x615: {  	s30 =	smov.u32 s26;
	v11 =	vmov v8  }
.LBB2_37:
.Ltmp198:
0x616: {  	(pc) =	sbr.rel .LBB2_40-.Ltmp198, $2  }
0x617: {  	_ =	sdelay $0x2  }
0x618: {  	s30 =	smov.u32 s26;
	v11 =	vmov v8  }
.LBB2_55:
.Ltmp199:
0x619: {  	(pc) =	sbr.rel .LBB2_58-.Ltmp199, $2  }
0x61a: {  	_ =	sdelay $0x2  }
0x61b: {  	s30 =	smov.u32 s26;
	v11 =	vmov v8  }
.LBB2_73:
.Ltmp200:
0x61c: {  	(pc) =	sbr.rel .LBB2_76-.Ltmp200, $2  }
0x61d: {  	_ =	sdelay $0x2  }
0x61e: {  	s30 =	smov.u32 s26;
	v11 =	vmov v8  }
.LBB2_91:
.Ltmp201:
0x61f: {  	(pc) =	sbr.rel .LBB2_94-.Ltmp201, $2  }
0x620: {  	_ =	sdelay $0x2  }
0x621: {  	s30 =	smov.u32 s26;
	v11 =	vmov v8  }
.LBB2_109:
.Ltmp202:
0x622: {  	(pc) =	sbr.rel .LBB2_112-.Ltmp202, $2  }
0x623: {  	_ =	sdelay $0x2  }
0x624: {  	s30 =	smov.u32 s26;
	v11 =	vmov v8  }
.LBB2_127:
.Ltmp203:
0x625: {  	(pc) =	sbr.rel .LBB2_130-.Ltmp203, $2  }
0x626: {  	_ =	sdelay $0x2  }
0x627: {  	s30 =	smov.u32 s26;
	v11 =	vmov v8  }
.LBB2_145:
.Ltmp204:
0x628: {  	(pc) =	sbr.rel .LBB2_148-.Ltmp204, $2  }
0x629: {  	_ =	sdelay $0x2  }
0x62a: {  	s30 =	smov.u32 s26;
	v11 =	vmov v8  }
.LBB2_163:
.Ltmp205:
0x62b: {  	(pc) =	sbr.rel .LBB2_166-.Ltmp205, $2  }
0x62c: {  	_ =	sdelay $0x2  }
0x62d: {  	s30 =	smov.u32 s26;
	v11 =	vmov v8  }
.LBB2_181:
.Ltmp206:
0x62e: {  	(pc) =	sbr.rel .LBB2_184-.Ltmp206, $2  }
0x62f: {  	_ =	sdelay $0x2  }
0x630: {  	s30 =	smov.u32 s26;
	v11 =	vmov v8  }
.LBB2_199:
.Ltmp207:
0x631: {  	(pc) =	sbr.rel .LBB2_202-.Ltmp207, $2  }
0x632: {  	_ =	sdelay $0x2  }
0x633: {  	s30 =	smov.u32 s26;
	v11 =	vmov v8  }
.LBB2_217:
.Ltmp208:
0x634: {  	(pc) =	sbr.rel .LBB2_220-.Ltmp208, $2  }
0x635: {  	_ =	sdelay $0x2  }
0x636: {  	s30 =	smov.u32 s26;
	v11 =	vmov v8  }
.LBB2_235:
.Ltmp209:
0x637: {  	(pc) =	sbr.rel .LBB2_238-.Ltmp209, $2  }
0x638: {  	_ =	sdelay $0x2  }
0x639: {  	s30 =	smov.u32 s26;
	v11 =	vmov v8  }
.LBB2_253:
.Ltmp210:
0x63a: {  	(pc) =	sbr.rel .LBB2_256-.Ltmp210, $2  }
0x63b: {  	_ =	sdelay $0x2  }
0x63c: {  	s30 =	smov.u32 s26;
	v11 =	vmov v8  }
.LBB2_271:
.Ltmp211:
0x63d: {  	(pc) =	sbr.rel .LBB2_274-.Ltmp211, $2  }
0x63e: {  	_ =	sdelay $0x2  }
0x63f: {  	s30 =	smov.u32 s26;
	v11 =	vmov v8  }
.LBB2_289:
.Ltmp212:
0x640: {  	(pc) =	sbr.rel .LBB2_292-.Ltmp212, $2  }
0x641: {  	_ =	sdelay $0x2  }
0x642: {  	s28 =	smov.u32 s20;
	v11 =	vmov v8  }
.LBB2_287:
0x643: {  	_ =	sfence.sel $0x180000  }
0x644: {  	[bflag:$0x0] =	sbarrier.arrive $0xFFFF  }
0x645: {  	_ =	strace $0x90000047  }
0x646: {  	s0 =	stileid.u32;
	[bflag:$0x2] =	sbarrier.arrive $0xFFFF  }
0x647: {  	p0 =	sne.s32 s0, $0x0;
	s0 =	rddreg [dreg:$0x3]  }
0x648: {  	s0 =	sadd.s32 @!p0 $0x100000, s0  }
0x649: {  	[sflag:s0] =	ssyncadd.tile.s32 @!p0 $0x1;
	_ =	shalt  }
.Lfunc_end2:
_tile_overlayer_lowered:
.L_overlay_start_2:
0x64a: {  	(tag) =	ssettag $0x2  }
0x64b: {  	s0 =	rddreg [dreg:$0x0];
	s2 =	stileid.u32  }
0x64c: {  	s1 =	rddreg [dreg:$0x1];
	p0 =	sne.s32 s2, $0x0  }
0x64d: {  	s3 =	rddreg [dreg:$0x2];
	[bflag:$0x3] =	sbarrier.arrive $0xFFFF;
	s2 =	simm.s32 @!p0 $0x1C03  }
0x64e: {  	[timem:s3], [sflag:s2] =	dma.local @!p0 [hbm:s0], s1  }
0x64f: {  	s0 =	simm.s32 @!p0 $0x3  }
0x650: {  	_ =	swait.ge @!p0 [sflag:s0], s1  }
0x651: {  	s1 =	ssub.s32 @!p0 $0x0, s1;
	[sflag:s0] =	ssyncset.done @!p0 $0x0  }
0x652: {  	[sflag:s0] =	ssyncadd.s32 @!p0 s1  }
0x653: {  	[bflag:$0x3] =	sbarrier.arrive $0xFFFF  }
0x654: {  	_ =	shalt  }

</sc_bundles>
